<compile_context>
chip_gen: v7x
topology: tpu7x:2x2x1
jax: 0.10.2.dev20260603
libtpu: 0.0.44.dev20260713+nightly
codegen_flags: <defaults>
</compile_context>

<pallas_src>
import jax
import jax.numpy as jnp
from jax import lax
from jax.experimental import pallas as pl
from jax.experimental.pallas import tpu as pltpu
from jax.experimental.pallas import tpu_sc as plsc

B, C, N = 8, 768, 1024
GROUP_SIZES = (96, 96, 192, 384)
FLATOFF = (0, 768, 1536, 3072)
NW = 32
CNT = tuple(8 * gs // NW for gs in GROUP_SIZES)


_CB = 128
_PB = 32


def _stats_body(q_ref, idx2_ref, xm_s, cov_s, d2c_s, d2r_s, msc_s, msr_s,
                sidx_s):
    i = pl.program_id(0)
    ph = jnp.minimum(i // 6, 3)
    blk = i % 6
    i0 = blk * _CB

    @pl.when(ph == 0)
    def _xm():
        q = q_ref[...]
        cf = jnp.mean(q, axis=0)
        rm = jnp.mean(cf, axis=1, keepdims=True)
        xm_s[pl.ds(i0, _CB), :] = cf - rm

    @pl.when(ph == 1)
    def _cov():
        xmb = xm_s[pl.ds(i0, _CB), :]
        xm = xm_s[...]
        cov = lax.dot_general(xmb, xm, (((1,), (1,)), ((), ())),
                              preferred_element_type=jnp.float32) / (N - 1)
        cov_s[pl.ds(i0, _CB), :] = cov
        ri = i0 + lax.broadcasted_iota(jnp.int32, (_CB, C), 0)
        ci = lax.broadcasted_iota(jnp.int32, (_CB, C), 1)
        diag = jnp.where(ri == ci, cov, 0.0)
        d2c_s[pl.ds(i0, _CB), :] = jnp.sum(diag, axis=1, keepdims=True)
        part_r = jnp.sum(diag, axis=0, keepdims=True)
        prev = jnp.where(blk == 0, jnp.zeros_like(part_r), d2r_s[...])
        d2r_s[...] = prev + part_r

    @pl.when(ph == 2)
    def _ms():
        cov = cov_s[pl.ds(i0, _CB), :]
        dc = jnp.sqrt(d2c_s[pl.ds(i0, _CB), :])
        dr = jnp.sqrt(d2r_s[...])
        corr = cov / (dc * dr)
        ms = jnp.mean(corr, axis=1, keepdims=True)
        msc_s[pl.ds(i0, _CB), :] = ms
        ri = i0 + lax.broadcasted_iota(jnp.int32, (_CB, C), 0)
        ci = lax.broadcasted_iota(jnp.int32, (_CB, C), 1)
        part = jnp.sum(jnp.where(ri == ci, ms, 0.0), axis=0, keepdims=True)
        prev = jnp.where(blk == 0, jnp.zeros_like(part), msr_s[...])
        msr_s[...] = prev + part

    @pl.when((ph == 3) & (i < 42))
    def _posinv():
        r0 = (i - 18) * _PB
        mj = msr_s[...]
        mi = msc_s[pl.ds(r0, _PB), :]
        ri = r0 + lax.broadcasted_iota(jnp.int32, (_PB, C), 0)
        ci = lax.broadcasted_iota(jnp.int32, (_PB, C), 1)
        posmat = (mj > mi) | ((mj == mi) & (ci < ri))
        pos = jnp.sum(posmat.astype(jnp.int32), axis=1, keepdims=True)
        part = jnp.sum(jnp.where(pos == ci, ri, 0), axis=0, keepdims=True)
        prev = jnp.where(i == 18, jnp.zeros_like(part), sidx_s[...])
        sidx_s[...] = prev + part

    @pl.when(i == 42)
    def _emit():
        bi = lax.broadcasted_iota(jnp.int32, (B, C), 0) * C
        idx2_ref[...] = bi + sidx_s[...]


_stats_kernel_call = pl.pallas_call(
    _stats_body,
    grid=(43,),
    in_specs=[pl.BlockSpec((B, _CB, N), lambda i: (0, jnp.minimum(i, 5), 0))],
    out_specs=pl.BlockSpec((B, C), lambda i: (0, 0)),
    out_shape=jax.ShapeDtypeStruct((B, C), jnp.int32),
    scratch_shapes=[
        pltpu.VMEM((C, N), jnp.float32),
        pltpu.VMEM((C, C), jnp.float32),
        pltpu.VMEM((C, 1), jnp.float32),
        pltpu.VMEM((1, C), jnp.float32),
        pltpu.VMEM((C, 1), jnp.float32),
        pltpu.VMEM((1, C), jnp.float32),
        pltpu.VMEM((1, C), jnp.int32),
    ],
)


def _stats_call(query):
    return _stats_kernel_call(query).reshape(B * C)


_CK = 24
_CHUNKS = tuple((g, off) for g in range(4) for off in range(0, CNT[g], _CK))
_IDX_OFF = (0, 24, 48, 96)
_OFFG = (0, 96, 192, 384)
_NB = 4


def _gather_body(idx_hbm, q_hbm, k_hbm, v_hbm, *rest):
    outs = rest[:12]
    idx_v = rest[12]
    bufs = rest[13:13 + _NB]
    gsems = rest[13 + _NB:13 + 2 * _NB]
    ssems = rest[13 + 2 * _NB:13 + 3 * _NB]
    isems = rest[13 + 3 * _NB:13 + 3 * _NB + 4]
    w = lax.axis_index("s") * 2 + lax.axis_index("c")
    bb = w // 4
    icop = [None] * 4
    for g in range(4):
        cnt = CNT[g]
        base = bb * C + _OFFG[g] + (w * cnt - bb * GROUP_SIZES[g])
        icop[g] = pltpu.async_copy(idx_hbm.at[pl.ds(base, cnt)],
                                   idx_v.at[pl.ds(_IDX_OFF[g], cnt)],
                                   isems[g])
    srcs = (q_hbm, k_hbm, v_hbm)
    jobs = [(t,) + ch for t in range(3) for ch in _CHUNKS]
    n = len(jobs)
    copies = [None] * n
    scat = [None] * n

    def _start_scatter(c):
        t, g, off = jobs[c]
        scat[c] = pltpu.async_copy(
            bufs[c % _NB],
            outs[t * 4 + g].at[pl.ds(w * CNT[g] + off, _CK)],
            ssems[c % _NB])

    for c in range(n):
        t, g, off = jobs[c]
        b = c % _NB
        if t == 0 and off == 0:
            icop[g].wait()
        if c >= _NB:
            scat[c - _NB].wait()
        copies[c] = pltpu.async_copy(
            srcs[t].at[idx_v.at[pl.ds(_IDX_OFF[g] + off, _CK)]],
            bufs[b],
            gsems[b])
        if c >= 1:
            copies[c - 1].wait()
            _start_scatter(c - 1)
    copies[n - 1].wait()
    _start_scatter(n - 1)
    for c in range(n - _NB, n):
        scat[c].wait()


_gather_call_cache = []


def _gather_call(*args):
    if not _gather_call_cache:
        _gather_call_cache.append(pl.kernel(
            _gather_body,
            out_type=tuple(jax.ShapeDtypeStruct((8 * gs, N), jnp.float32)
                           for _ in range(3) for gs in GROUP_SIZES),
            mesh=plsc.VectorSubcoreMesh(core_axis_name="c",
                                        subcore_axis_name="s"),
            scratch_types=(
                [pltpu.VMEM((192,), jnp.int32)]
                + [pltpu.VMEM((_CK, N), jnp.float32) for _ in range(_NB)]
                + [pltpu.SemaphoreType.DMA for _ in range(2 * _NB + 4)]
            ),
        ))
    return _gather_call_cache[0](*args)


def kernel(query, key, value):
    idx_flat = _stats_call(query)
    q2 = query.reshape(B * C, N)
    k2 = key.reshape(B * C, N)
    v2 = value.reshape(B * C, N)
    outs = _gather_call(idx_flat, q2, k2, v2)
    res = []
    for t in range(3):
        res.append(tuple(outs[t * 4 + g].reshape(B, GROUP_SIZES[g], N)
                         for g in range(4)))
    return tuple(res)

# --- scband reference (transcript-rebuilt; emitter-appended) ---
"""Pipeline reference for scband-re-group-3015067042097 (READ-ONLY COPY).

The authoritative reference and input builder live on the scoring server;
editing this copy changes nothing except your own understanding.
"""

import jax, jax.numpy as jnp
import numpy as np

GROUPS = [1, 1, 2, 4]


def _corrcoef(x):
    # x: [C, N] rows are variables, cols are observations (matches torch.corrcoef)
    xm = x - x.mean(axis=1, keepdims=True)
    cov = (xm @ xm.T) / (x.shape[1] - 1)
    d = jnp.sqrt(jnp.diag(cov))
    return cov / (d[:, None] * d[None, :])


def setup_inputs(seed: int = 0) -> dict:
    key = jax.random.key(seed)
    k1, k2, k3 = jax.random.split(key, 3)
    B, C, N = 8, 768, 1024
    query = jax.random.normal(k1, (B, C, N), dtype=jnp.float32)
    key_t = jax.random.normal(k2, (B, C, N), dtype=jnp.float32)
    value = jax.random.normal(k3, (B, C, N), dtype=jnp.float32)
    return {"query": query, "key": key_t, "value": value}


def reference(query, key, value):
    C = query.shape[1]
    channel_features = query.mean(axis=0)          # [C, N]
    correlation_matrix = _corrcoef(channel_features)  # [C, C]
    mean_similarity = correlation_matrix.mean(axis=1)  # [C]
    sorted_indices = jnp.argsort(-mean_similarity)  # descending
    query_sorted = query[:, sorted_indices, :]
    key_sorted = key[:, sorted_indices, :]
    value_sorted = value[:, sorted_indices, :]
    total_ratio = sum(GROUPS)
    group_sizes = [int(r / total_ratio * C) for r in GROUPS]
    query_groups, key_groups, value_groups = [], [], []
    start_idx = 0
    for gs in group_sizes:
        end_idx = start_idx + gs
        query_groups.append(query_sorted[:, start_idx:end_idx, :])
        key_groups.append(key_sorted[:, start_idx:end_idx, :])
        value_groups.append(value_sorted[:, start_idx:end_idx, :])
        start_idx = end_idx
    return (tuple(query_groups), tuple(key_groups), tuple(value_groups))

if __name__ == "__main__":
    import jax
    _d = setup_inputs()
    print(jax.jit(kernel)(*tuple(_d.values())))

</pallas_src>

<mosaic_0001>
#map = affine_map<(d0, d1) -> (0)>
#map1 = affine_map<(d0, d1) -> (0, 0)>
module attributes {stable_mosaic.version = 14 : i64} {
  func.func @_gather_body(%arg0: i32, %arg1: i32, %arg2: memref<6144xi32, #tpu.memory_space<hbm>>, %arg3: memref<6144x1024xf32, #tpu.memory_space<hbm>>, %arg4: memref<6144x1024xf32, #tpu.memory_space<hbm>>, %arg5: memref<6144x1024xf32, #tpu.memory_space<hbm>>, %arg6: memref<768x1024xf32, #tpu.memory_space<hbm>>, %arg7: memref<768x1024xf32, #tpu.memory_space<hbm>>, %arg8: memref<1536x1024xf32, #tpu.memory_space<hbm>>, %arg9: memref<3072x1024xf32, #tpu.memory_space<hbm>>, %arg10: memref<768x1024xf32, #tpu.memory_space<hbm>>, %arg11: memref<768x1024xf32, #tpu.memory_space<hbm>>, %arg12: memref<1536x1024xf32, #tpu.memory_space<hbm>>, %arg13: memref<3072x1024xf32, #tpu.memory_space<hbm>>, %arg14: memref<768x1024xf32, #tpu.memory_space<hbm>>, %arg15: memref<768x1024xf32, #tpu.memory_space<hbm>>, %arg16: memref<1536x1024xf32, #tpu.memory_space<hbm>>, %arg17: memref<3072x1024xf32, #tpu.memory_space<hbm>>, %arg18: memref<192xi32, #tpu.memory_space<vmem>>, %arg19: memref<24x1024xf32, #tpu.memory_space<vmem>>, %arg20: memref<24x1024xf32, #tpu.memory_space<vmem>>, %arg21: memref<24x1024xf32, #tpu.memory_space<vmem>>, %arg22: memref<24x1024xf32, #tpu.memory_space<vmem>>, %arg23: memref<!tpu.dma_semaphore, #tpu.memory_space<semaphore_mem>>, %arg24: memref<!tpu.dma_semaphore, #tpu.memory_space<semaphore_mem>>, %arg25: memref<!tpu.dma_semaphore, #tpu.memory_space<semaphore_mem>>, %arg26: memref<!tpu.dma_semaphore, #tpu.memory_space<semaphore_mem>>, %arg27: memref<!tpu.dma_semaphore, #tpu.memory_space<semaphore_mem>>, %arg28: memref<!tpu.dma_semaphore, #tpu.memory_space<semaphore_mem>>, %arg29: memref<!tpu.dma_semaphore, #tpu.memory_space<semaphore_mem>>, %arg30: memref<!tpu.dma_semaphore, #tpu.memory_space<semaphore_mem>>, %arg31: memref<!tpu.dma_semaphore, #tpu.memory_space<semaphore_mem>>, %arg32: memref<!tpu.dma_semaphore, #tpu.memory_space<semaphore_mem>>, %arg33: memref<!tpu.dma_semaphore, #tpu.memory_space<semaphore_mem>>, %arg34: memref<!tpu.dma_semaphore, #tpu.memory_space<semaphore_mem>>) attributes {dimension_semantics = [#tpu.dimension_semantics<core_parallel>, #tpu.dimension_semantics<subcore_parallel>], iteration_bounds = array<i64: 2, 16>, scalar_prefetch = 0 : i64, scratch_operands = 17 : i64, tpu.core_type = #tpu.core_type<sc_vector_subcore>, window_params = [{transform_indices = #map}, {transform_indices = #map1}, {transform_indices = #map1}, {transform_indices = #map1}, {transform_indices = #map1}, {transform_indices = #map1}, {transform_indices = #map1}, {transform_indices = #map1}, {transform_indices = #map1}, {transform_indices = #map1}, {transform_indices = #map1}, {transform_indices = #map1}, {transform_indices = #map1}, {transform_indices = #map1}, {transform_indices = #map1}, {transform_indices = #map1}]} {
    %mul3A = arith.constant 2 : i32
    %mul3A_0 = arith.muli %arg1, %mul3A : i32
    %add3A = arith.addi %mul3A_0, %arg0 : i32
    %jit3A = arith.constant 4 : i32
    %div3A = arith.divsi %add3A, %jit3A : i32
    %sign3A = arith.constant 0 : i32
    %sign3A_1 = arith.cmpi sgt, %add3A, %sign3A : i32
    %sign3A_2 = arith.extui %sign3A_1 : i1 to i32
    %sign3A_3 = arith.constant 0 : i32
    %sign3A_4 = arith.cmpi slt, %add3A, %sign3A_3 : i32
    %sign3A_5 = arith.extui %sign3A_4 : i1 to i32
    %sign3A_6 = arith.subi %sign3A_2, %sign3A_5 : i32
    %sign3A_7 = arith.constant 0 : i32
    %sign3A_8 = arith.cmpi sgt, %jit3A, %sign3A_7 : i32
    %sign3A_9 = arith.extui %sign3A_8 : i1 to i32
    %sign3A_10 = arith.constant 0 : i32
    %sign3A_11 = arith.cmpi slt, %jit3A, %sign3A_10 : i32
    %sign3A_12 = arith.extui %sign3A_11 : i1 to i32
    %sign3A_13 = arith.subi %sign3A_9, %sign3A_12 : i32
    %ne3A = arith.cmpi ne, %sign3A_6, %sign3A_13 : i32
    %rem3A = arith.remsi %add3A, %jit3A : i32
    %ne3A_14 = arith.constant 0 : i32
    %ne3A_15 = arith.cmpi ne, %rem3A, %ne3A_14 : i32
    %and3A = arith.andi %ne3A, %ne3A_15 : i1
    %sub3A = arith.constant 1 : i32
    %sub3A_16 = arith.subi %div3A, %sub3A : i32
    %select_n3A = arith.select %and3A, %sub3A_16, %div3A : i32
    %mul3A_17 = arith.constant 768 : i32
    %mul3A_18 = arith.muli %select_n3A, %mul3A_17 : i32
    %add3A_19 = arith.constant 0 : i32
    %add3A_20 = arith.addi %mul3A_18, %add3A_19 : i32
    %mul3A_21 = arith.constant 24 : i32
    %mul3A_22 = arith.muli %add3A, %mul3A_21 : i32
    %mul3A_23 = arith.constant 96 : i32
    %mul3A_24 = arith.muli %select_n3A, %mul3A_23 : i32
    %sub3A_25 = arith.subi %mul3A_22, %mul3A_24 : i32
    %add3A_26 = arith.addi %add3A_20, %sub3A_25 : i32
    %dma_start3A = arith.constant 0 : i32
    %dma_start3A_27 = tpu.memref_slice %arg18[%dma_start3A] : memref<192xi32, #tpu.memory_space<vmem>> -> memref<24xi32, #tpu.memory_space<vmem>>
    %dma_start3A_28 = tpu.memref_slice %arg2[%add3A_26] : memref<6144xi32, #tpu.memory_space<hbm>> -> memref<24xi32, #tpu.memory_space<hbm>>
    %dma_start3A_29 = arith.constant 0 : i32
    %dma_start3A_30 = tpu.memref_slice %arg18[%dma_start3A_29] : memref<192xi32, #tpu.memory_space<vmem>> -> memref<24xi32, #tpu.memory_space<vmem>>
    %dma_start3A_31 = tpu.memref_slice %arg2[%add3A_26] : memref<6144xi32, #tpu.memory_space<hbm>> -> memref<24xi32, #tpu.memory_space<hbm>>
    tpu.enqueue_dma source(%dma_start3A_31 : memref<24xi32, #tpu.memory_space<hbm>>) target(%dma_start3A_30 : memref<24xi32, #tpu.memory_space<vmem>>) target_semaphore(%arg31 : memref<!tpu.dma_semaphore, #tpu.memory_space<semaphore_mem>>)
    %mul3A_32 = arith.constant 768 : i32
    %mul3A_33 = arith.muli %select_n3A, %mul3A_32 : i32
    %add3A_34 = arith.constant 96 : i32
    %add3A_35 = arith.addi %mul3A_33, %add3A_34 : i32
    %mul3A_36 = arith.constant 24 : i32
    %mul3A_37 = arith.muli %add3A, %mul3A_36 : i32
    %mul3A_38 = arith.constant 96 : i32
    %mul3A_39 = arith.muli %select_n3A, %mul3A_38 : i32
    %sub3A_40 = arith.subi %mul3A_37, %mul3A_39 : i32
    %add3A_41 = arith.addi %add3A_35, %sub3A_40 : i32
    %dma_start3A_42 = arith.constant 24 : i32
    %dma_start3A_43 = tpu.memref_slice %arg18[%dma_start3A_42] : memref<192xi32, #tpu.memory_space<vmem>> -> memref<24xi32, #tpu.memory_space<vmem>>
    %dma_start3A_44 = tpu.memref_slice %arg2[%add3A_41] : memref<6144xi32, #tpu.memory_space<hbm>> -> memref<24xi32, #tpu.memory_space<hbm>>
    %dma_start3A_45 = arith.constant 24 : i32
    %dma_start3A_46 = tpu.memref_slice %arg18[%dma_start3A_45] : memref<192xi32, #tpu.memory_space<vmem>> -> memref<24xi32, #tpu.memory_space<vmem>>
    %dma_start3A_47 = tpu.memref_slice %arg2[%add3A_41] : memref<6144xi32, #tpu.memory_space<hbm>> -> memref<24xi32, #tpu.memory_space<hbm>>
    tpu.enqueue_dma source(%dma_start3A_47 : memref<24xi32, #tpu.memory_space<hbm>>) target(%dma_start3A_46 : memref<24xi32, #tpu.memory_space<vmem>>) target_semaphore(%arg32 : memref<!tpu.dma_semaphore, #tpu.memory_space<semaphore_mem>>)
    %mul3A_48 = arith.constant 768 : i32
    %mul3A_49 = arith.muli %select_n3A, %mul3A_48 : i32
    %add3A_50 = arith.constant 192 : i32
    %add3A_51 = arith.addi %mul3A_49, %add3A_50 : i32
    %mul3A_52 = arith.constant 48 : i32
    %mul3A_53 = arith.muli %add3A, %mul3A_52 : i32
    %mul3A_54 = arith.constant 192 : i32
    %mul3A_55 = arith.muli %select_n3A, %mul3A_54 : i32
    %sub3A_56 = arith.subi %mul3A_53, %mul3A_55 : i32
    %add3A_57 = arith.addi %add3A_51, %sub3A_56 : i32
    %dma_start3A_58 = arith.constant 48 : i32
    %dma_start3A_59 = tpu.memref_slice %arg18[%dma_start3A_58] : memref<192xi32, #tpu.memory_space<vmem>> -> memref<48xi32, #tpu.memory_space<vmem>>
    %dma_start3A_60 = tpu.memref_slice %arg2[%add3A_57] : memref<6144xi32, #tpu.memory_space<hbm>> -> memref<48xi32, #tpu.memory_space<hbm>>
    %dma_start3A_61 = arith.constant 48 : i32
    %dma_start3A_62 = tpu.memref_slice %arg18[%dma_start3A_61] : memref<192xi32, #tpu.memory_space<vmem>> -> memref<48xi32, #tpu.memory_space<vmem>>
    %dma_start3A_63 = tpu.memref_slice %arg2[%add3A_57] : memref<6144xi32, #tpu.memory_space<hbm>> -> memref<48xi32, #tpu.memory_space<hbm>>
    tpu.enqueue_dma source(%dma_start3A_63 : memref<48xi32, #tpu.memory_space<hbm>>) target(%dma_start3A_62 : memref<48xi32, #tpu.memory_space<vmem>>) target_semaphore(%arg33 : memref<!tpu.dma_semaphore, #tpu.memory_space<semaphore_mem>>)
    %mul3A_64 = arith.constant 768 : i32
    %mul3A_65 = arith.muli %select_n3A, %mul3A_64 : i32
    %add3A_66 = arith.constant 384 : i32
    %add3A_67 = arith.addi %mul3A_65, %add3A_66 : i32
    %mul3A_68 = arith.constant 96 : i32
    %mul3A_69 = arith.muli %add3A, %mul3A_68 : i32
    %mul3A_70 = arith.constant 384 : i32
    %mul3A_71 = arith.muli %select_n3A, %mul3A_70 : i32
    %sub3A_72 = arith.subi %mul3A_69, %mul3A_71 : i32
    %add3A_73 = arith.addi %add3A_67, %sub3A_72 : i32
    %dma_start3A_74 = arith.constant 96 : i32
    %dma_start3A_75 = tpu.memref_slice %arg18[%dma_start3A_74] : memref<192xi32, #tpu.memory_space<vmem>> -> memref<96xi32, #tpu.memory_space<vmem>>
    %dma_start3A_76 = tpu.memref_slice %arg2[%add3A_73] : memref<6144xi32, #tpu.memory_space<hbm>> -> memref<96xi32, #tpu.memory_space<hbm>>
    %dma_start3A_77 = arith.constant 96 : i32
    %dma_start3A_78 = tpu.memref_slice %arg18[%dma_start3A_77] : memref<192xi32, #tpu.memory_space<vmem>> -> memref<96xi32, #tpu.memory_space<vmem>>
    %dma_start3A_79 = tpu.memref_slice %arg2[%add3A_73] : memref<6144xi32, #tpu.memory_space<hbm>> -> memref<96xi32, #tpu.memory_space<hbm>>
    tpu.enqueue_dma source(%dma_start3A_79 : memref<96xi32, #tpu.memory_space<hbm>>) target(%dma_start3A_78 : memref<96xi32, #tpu.memory_space<vmem>>) target_semaphore(%arg34 : memref<!tpu.dma_semaphore, #tpu.memory_space<semaphore_mem>>)
    %dma_wait3A = arith.constant 0 : i32
    %dma_wait3A_80 = tpu.memref_slice %arg18[%dma_wait3A] : memref<192xi32, #tpu.memory_space<vmem>> -> memref<24xi32, #tpu.memory_space<vmem>>
    %dma_wait3A_81 = tpu.memref_slice %arg2[%add3A_26] : memref<6144xi32, #tpu.memory_space<hbm>> -> memref<24xi32, #tpu.memory_space<hbm>>
    %dma_wait3A_82 = arith.constant 0 : i32
    %dma_wait3A_83 = tpu.memref_slice %arg18[%dma_wait3A_82] : memref<192xi32, #tpu.memory_space<vmem>> -> memref<24xi32, #tpu.memory_space<vmem>>
    %dma_wait3A_84 = tpu.memref_slice %arg2[%add3A_26] : memref<6144xi32, #tpu.memory_space<hbm>> -> memref<24xi32, #tpu.memory_space<hbm>>
    tpu.wait_dma2 semaphore(%arg31 : memref<!tpu.dma_semaphore, #tpu.memory_space<semaphore_mem>>) src(%dma_wait3A_84 : memref<24xi32, #tpu.memory_space<hbm>>) dst(%dma_wait3A_83 : memref<24xi32, #tpu.memory_space<vmem>>)
    %dma_start3A_85 = arith.constant 0 : i32
    %dma_start3A_86 = tpu.memref_slice %arg18[%dma_start3A_85] : memref<192xi32, #tpu.memory_space<vmem>> -> memref<24xi32, #tpu.memory_space<vmem>>
    %dma_start3A_87 = arith.constant 0 : i32
    %dma_start3A_88 = arith.constant 0 : i32
    %dma_start3A_89 = tpu.memref_slice %arg3[%dma_start3A_87, %dma_start3A_88] : memref<6144x1024xf32, #tpu.memory_space<hbm>> -> memref<6144x1024xf32, #tpu.memory_space<hbm>>
    tpu.enqueue_indirect_dma source(%dma_start3A_89 : memref<6144x1024xf32, #tpu.memory_space<hbm>>) target(%arg19 : memref<24x1024xf32, #tpu.memory_space<vmem>>) offsets(%dma_start3A_86 : memref<24xi32, #tpu.memory_space<vmem>>) semaphore(%arg23 : memref<!tpu.dma_semaphore, #tpu.memory_space<semaphore_mem>>)
    %dma_wait3A_90 = arith.constant 24 : i32
    %dma_wait3A_91 = tpu.memref_slice %arg18[%dma_wait3A_90] : memref<192xi32, #tpu.memory_space<vmem>> -> memref<24xi32, #tpu.memory_space<vmem>>
    %dma_wait3A_92 = tpu.memref_slice %arg2[%add3A_41] : memref<6144xi32, #tpu.memory_space<hbm>> -> memref<24xi32, #tpu.memory_space<hbm>>
    %dma_wait3A_93 = arith.constant 24 : i32
    %dma_wait3A_94 = tpu.memref_slice %arg18[%dma_wait3A_93] : memref<192xi32, #tpu.memory_space<vmem>> -> memref<24xi32, #tpu.memory_space<vmem>>
    %dma_wait3A_95 = tpu.memref_slice %arg2[%add3A_41] : memref<6144xi32, #tpu.memory_space<hbm>> -> memref<24xi32, #tpu.memory_space<hbm>>
    tpu.wait_dma2 semaphore(%arg32 : memref<!tpu.dma_semaphore, #tpu.memory_space<semaphore_mem>>) src(%dma_wait3A_95 : memref<24xi32, #tpu.memory_space<hbm>>) dst(%dma_wait3A_94 : memref<24xi32, #tpu.memory_space<vmem>>)
    %dma_start3A_96 = arith.constant 24 : i32
    %dma_start3A_97 = tpu.memref_slice %arg18[%dma_start3A_96] : memref<192xi32, #tpu.memory_space<vmem>> -> memref<24xi32, #tpu.memory_space<vmem>>
    %dma_start3A_98 = arith.constant 0 : i32
    %dma_start3A_99 = arith.constant 0 : i32
    %dma_start3A_100 = tpu.memref_slice %arg3[%dma_start3A_98, %dma_start3A_99] : memref<6144x1024xf32, #tpu.memory_space<hbm>> -> memref<6144x1024xf32, #tpu.memory_space<hbm>>
    tpu.enqueue_indirect_dma source(%dma_start3A_100 : memref<6144x1024xf32, #tpu.memory_space<hbm>>) target(%arg20 : memref<24x1024xf32, #tpu.memory_space<vmem>>) offsets(%dma_start3A_97 : memref<24xi32, #tpu.memory_space<vmem>>) semaphore(%arg24 : memref<!tpu.dma_semaphore, #tpu.memory_space<semaphore_mem>>)
    %dma_wait3A_101 = arith.constant 0 : i32
    %dma_wait3A_102 = tpu.memref_slice %arg18[%dma_wait3A_101] : memref<192xi32, #tpu.memory_space<vmem>> -> memref<24xi32, #tpu.memory_space<vmem>>
    %dma_wait3A_103 = arith.constant 0 : i32
    %dma_wait3A_104 = arith.constant 0 : i32
    %dma_wait3A_105 = tpu.memref_slice %arg3[%dma_wait3A_103, %dma_wait3A_104] : memref<6144x1024xf32, #tpu.memory_space<hbm>> -> memref<6144x1024xf32, #tpu.memory_space<hbm>>
    tpu.wait_indirect_dma semaphore(%arg23 : memref<!tpu.dma_semaphore, #tpu.memory_space<semaphore_mem>>) src(%dma_wait3A_105 : memref<6144x1024xf32, #tpu.memory_space<hbm>>) dst(%arg19 : memref<24x1024xf32, #tpu.memory_space<vmem>>)
    %mul3A_106 = arith.constant 24 : i32
    %mul3A_107 = arith.muli %add3A, %mul3A_106 : i32
    %add3A_108 = arith.constant 0 : i32
    %add3A_109 = arith.addi %mul3A_107, %add3A_108 : i32
    %dma_start3A_110 = arith.constant 0 : i32
    %dma_start3A_111 = tpu.memref_slice %arg6[%add3A_109, %dma_start3A_110] : memref<768x1024xf32, #tpu.memory_space<hbm>> -> memref<24x1024xf32, #tpu.memory_space<hbm>>
    %dma_start3A_112 = arith.constant 0 : i32
    %dma_start3A_113 = tpu.memref_slice %arg6[%add3A_109, %dma_start3A_112] : memref<768x1024xf32, #tpu.memory_space<hbm>> -> memref<24x1024xf32, #tpu.memory_space<hbm>>
    tpu.enqueue_dma source(%arg19 : memref<24x1024xf32, #tpu.memory_space<vmem>>) target(%dma_start3A_113 : memref<24x1024xf32, #tpu.memory_space<hbm>>) target_semaphore(%arg27 : memref<!tpu.dma_semaphore, #tpu.memory_space<semaphore_mem>>)
    %dma_wait3A_114 = arith.constant 48 : i32
    %dma_wait3A_115 = tpu.memref_slice %arg18[%dma_wait3A_114] : memref<192xi32, #tpu.memory_space<vmem>> -> memref<48xi32, #tpu.memory_space<vmem>>
    %dma_wait3A_116 = tpu.memref_slice %arg2[%add3A_57] : memref<6144xi32, #tpu.memory_space<hbm>> -> memref<48xi32, #tpu.memory_space<hbm>>
    %dma_wait3A_117 = arith.constant 48 : i32
    %dma_wait3A_118 = tpu.memref_slice %arg18[%dma_wait3A_117] : memref<192xi32, #tpu.memory_space<vmem>> -> memref<48xi32, #tpu.memory_space<vmem>>
    %dma_wait3A_119 = tpu.memref_slice %arg2[%add3A_57] : memref<6144xi32, #tpu.memory_space<hbm>> -> memref<48xi32, #tpu.memory_space<hbm>>
    tpu.wait_dma2 semaphore(%arg33 : memref<!tpu.dma_semaphore, #tpu.memory_space<semaphore_mem>>) src(%dma_wait3A_119 : memref<48xi32, #tpu.memory_space<hbm>>) dst(%dma_wait3A_118 : memref<48xi32, #tpu.memory_space<vmem>>)
    %dma_start3A_120 = arith.constant 48 : i32
    %dma_start3A_121 = tpu.memref_slice %arg18[%dma_start3A_120] : memref<192xi32, #tpu.memory_space<vmem>> -> memref<24xi32, #tpu.memory_space<vmem>>
    %dma_start3A_122 = arith.constant 0 : i32
    %dma_start3A_123 = arith.constant 0 : i32
    %dma_start3A_124 = tpu.memref_slice %arg3[%dma_start3A_122, %dma_start3A_123] : memref<6144x1024xf32, #tpu.memory_space<hbm>> -> memref<6144x1024xf32, #tpu.memory_space<hbm>>
    tpu.enqueue_indirect_dma source(%dma_start3A_124 : memref<6144x1024xf32, #tpu.memory_space<hbm>>) target(%arg21 : memref<24x1024xf32, #tpu.memory_space<vmem>>) offsets(%dma_start3A_121 : memref<24xi32, #tpu.memory_space<vmem>>) semaphore(%arg25 : memref<!tpu.dma_semaphore, #tpu.memory_space<semaphore_mem>>)
    %dma_wait3A_125 = arith.constant 24 : i32
    %dma_wait3A_126 = tpu.memref_slice %arg18[%dma_wait3A_125] : memref<192xi32, #tpu.memory_space<vmem>> -> memref<24xi32, #tpu.memory_space<vmem>>
    %dma_wait3A_127 = arith.constant 0 : i32
    %dma_wait3A_128 = arith.constant 0 : i32
    %dma_wait3A_129 = tpu.memref_slice %arg3[%dma_wait3A_127, %dma_wait3A_128] : memref<6144x1024xf32, #tpu.memory_space<hbm>> -> memref<6144x1024xf32, #tpu.memory_space<hbm>>
    tpu.wait_indirect_dma semaphore(%arg24 : memref<!tpu.dma_semaphore, #tpu.memory_space<semaphore_mem>>) src(%dma_wait3A_129 : memref<6144x1024xf32, #tpu.memory_space<hbm>>) dst(%arg20 : memref<24x1024xf32, #tpu.memory_space<vmem>>)
    %mul3A_130 = arith.constant 24 : i32
    %mul3A_131 = arith.muli %add3A, %mul3A_130 : i32
    %add3A_132 = arith.constant 0 : i32
    %add3A_133 = arith.addi %mul3A_131, %add3A_132 : i32
    %dma_start3A_134 = arith.constant 0 : i32
    %dma_start3A_135 = tpu.memref_slice %arg7[%add3A_133, %dma_start3A_134] : memref<768x1024xf32, #tpu.memory_space<hbm>> -> memref<24x1024xf32, #tpu.memory_space<hbm>>
    %dma_start3A_136 = arith.constant 0 : i32
    %dma_start3A_137 = tpu.memref_slice %arg7[%add3A_133, %dma_start3A_136] : memref<768x1024xf32, #tpu.memory_space<hbm>> -> memref<24x1024xf32, #tpu.memory_space<hbm>>
    tpu.enqueue_dma source(%arg20 : memref<24x1024xf32, #tpu.memory_space<vmem>>) target(%dma_start3A_137 : memref<24x1024xf32, #tpu.memory_space<hbm>>) target_semaphore(%arg28 : memref<!tpu.dma_semaphore, #tpu.memory_space<semaphore_mem>>)
    %dma_start3A_138 = arith.constant 72 : i32
    %dma_start3A_139 = tpu.memref_slice %arg18[%dma_start3A_138] : memref<192xi32, #tpu.memory_space<vmem>> -> memref<24xi32, #tpu.memory_space<vmem>>
    %dma_start3A_140 = arith.constant 0 : i32
    %dma_start3A_141 = arith.constant 0 : i32
    %dma_start3A_142 = tpu.memref_slice %arg3[%dma_start3A_140, %dma_start3A_141] : memref<6144x1024xf32, #tpu.memory_space<hbm>> -> memref<6144x1024xf32, #tpu.memory_space<hbm>>
    tpu.enqueue_indirect_dma source(%dma_start3A_142 : memref<6144x1024xf32, #tpu.memory_space<hbm>>) target(%arg22 : memref<24x1024xf32, #tpu.memory_space<vmem>>) offsets(%dma_start3A_139 : memref<24xi32, #tpu.memory_space<vmem>>) semaphore(%arg26 : memref<!tpu.dma_semaphore, #tpu.memory_space<semaphore_mem>>)
    %dma_wait3A_143 = arith.constant 48 : i32
    %dma_wait3A_144 = tpu.memref_slice %arg18[%dma_wait3A_143] : memref<192xi32, #tpu.memory_space<vmem>> -> memref<24xi32, #tpu.memory_space<vmem>>
    %dma_wait3A_145 = arith.constant 0 : i32
    %dma_wait3A_146 = arith.constant 0 : i32
    %dma_wait3A_147 = tpu.memref_slice %arg3[%dma_wait3A_145, %dma_wait3A_146] : memref<6144x1024xf32, #tpu.memory_space<hbm>> -> memref<6144x1024xf32, #tpu.memory_space<hbm>>
    tpu.wait_indirect_dma semaphore(%arg25 : memref<!tpu.dma_semaphore, #tpu.memory_space<semaphore_mem>>) src(%dma_wait3A_147 : memref<6144x1024xf32, #tpu.memory_space<hbm>>) dst(%arg21 : memref<24x1024xf32, #tpu.memory_space<vmem>>)
    %mul3A_148 = arith.constant 48 : i32
    %mul3A_149 = arith.muli %add3A, %mul3A_148 : i32
    %add3A_150 = arith.constant 0 : i32
    %add3A_151 = arith.addi %mul3A_149, %add3A_150 : i32
    %dma_start3A_152 = arith.constant 0 : i32
    %dma_start3A_153 = tpu.memref_slice %arg8[%add3A_151, %dma_start3A_152] : memref<1536x1024xf32, #tpu.memory_space<hbm>> -> memref<24x1024xf32, #tpu.memory_space<hbm>>
    %dma_start3A_154 = arith.constant 0 : i32
    %dma_start3A_155 = tpu.memref_slice %arg8[%add3A_151, %dma_start3A_154] : memref<1536x1024xf32, #tpu.memory_space<hbm>> -> memref<24x1024xf32, #tpu.memory_space<hbm>>
    tpu.enqueue_dma source(%arg21 : memref<24x1024xf32, #tpu.memory_space<vmem>>) target(%dma_start3A_155 : memref<24x1024xf32, #tpu.memory_space<hbm>>) target_semaphore(%arg29 : memref<!tpu.dma_semaphore, #tpu.memory_space<semaphore_mem>>)
    %dma_wait3A_156 = arith.constant 96 : i32
    %dma_wait3A_157 = tpu.memref_slice %arg18[%dma_wait3A_156] : memref<192xi32, #tpu.memory_space<vmem>> -> memref<96xi32, #tpu.memory_space<vmem>>
    %dma_wait3A_158 = tpu.memref_slice %arg2[%add3A_73] : memref<6144xi32, #tpu.memory_space<hbm>> -> memref<96xi32, #tpu.memory_space<hbm>>
    %dma_wait3A_159 = arith.constant 96 : i32
    %dma_wait3A_160 = tpu.memref_slice %arg18[%dma_wait3A_159] : memref<192xi32, #tpu.memory_space<vmem>> -> memref<96xi32, #tpu.memory_space<vmem>>
    %dma_wait3A_161 = tpu.memref_slice %arg2[%add3A_73] : memref<6144xi32, #tpu.memory_space<hbm>> -> memref<96xi32, #tpu.memory_space<hbm>>
    tpu.wait_dma2 semaphore(%arg34 : memref<!tpu.dma_semaphore, #tpu.memory_space<semaphore_mem>>) src(%dma_wait3A_161 : memref<96xi32, #tpu.memory_space<hbm>>) dst(%dma_wait3A_160 : memref<96xi32, #tpu.memory_space<vmem>>)
    %dma_wait3A_162 = arith.constant 0 : i32
    %dma_wait3A_163 = tpu.memref_slice %arg6[%add3A_109, %dma_wait3A_162] : memref<768x1024xf32, #tpu.memory_space<hbm>> -> memref<24x1024xf32, #tpu.memory_space<hbm>>
    %dma_wait3A_164 = arith.constant 0 : i32
    %dma_wait3A_165 = tpu.memref_slice %arg6[%add3A_109, %dma_wait3A_164] : memref<768x1024xf32, #tpu.memory_space<hbm>> -> memref<24x1024xf32, #tpu.memory_space<hbm>>
    tpu.wait_dma2 semaphore(%arg27 : memref<!tpu.dma_semaphore, #tpu.memory_space<semaphore_mem>>) src(%arg19 : memref<24x1024xf32, #tpu.memory_space<vmem>>) dst(%dma_wait3A_165 : memref<24x1024xf32, #tpu.memory_space<hbm>>)
    %dma_start3A_166 = arith.constant 96 : i32
    %dma_start3A_167 = tpu.memref_slice %arg18[%dma_start3A_166] : memref<192xi32, #tpu.memory_space<vmem>> -> memref<24xi32, #tpu.memory_space<vmem>>
    %dma_start3A_168 = arith.constant 0 : i32
    %dma_start3A_169 = arith.constant 0 : i32
    %dma_start3A_170 = tpu.memref_slice %arg3[%dma_start3A_168, %dma_start3A_169] : memref<6144x1024xf32, #tpu.memory_space<hbm>> -> memref<6144x1024xf32, #tpu.memory_space<hbm>>
    tpu.enqueue_indirect_dma source(%dma_start3A_170 : memref<6144x1024xf32, #tpu.memory_space<hbm>>) target(%arg19 : memref<24x1024xf32, #tpu.memory_space<vmem>>) offsets(%dma_start3A_167 : memref<24xi32, #tpu.memory_space<vmem>>) semaphore(%arg23 : memref<!tpu.dma_semaphore, #tpu.memory_space<semaphore_mem>>)
    %dma_wait3A_171 = arith.constant 72 : i32
    %dma_wait3A_172 = tpu.memref_slice %arg18[%dma_wait3A_171] : memref<192xi32, #tpu.memory_space<vmem>> -> memref<24xi32, #tpu.memory_space<vmem>>
    %dma_wait3A_173 = arith.constant 0 : i32
    %dma_wait3A_174 = arith.constant 0 : i32
    %dma_wait3A_175 = tpu.memref_slice %arg3[%dma_wait3A_173, %dma_wait3A_174] : memref<6144x1024xf32, #tpu.memory_space<hbm>> -> memref<6144x1024xf32, #tpu.memory_space<hbm>>
    tpu.wait_indirect_dma semaphore(%arg26 : memref<!tpu.dma_semaphore, #tpu.memory_space<semaphore_mem>>) src(%dma_wait3A_175 : memref<6144x1024xf32, #tpu.memory_space<hbm>>) dst(%arg22 : memref<24x1024xf32, #tpu.memory_space<vmem>>)
    %mul3A_176 = arith.constant 48 : i32
    %mul3A_177 = arith.muli %add3A, %mul3A_176 : i32
    %add3A_178 = arith.constant 24 : i32
    %add3A_179 = arith.addi %mul3A_177, %add3A_178 : i32
    %dma_start3A_180 = arith.constant 0 : i32
    %dma_start3A_181 = tpu.memref_slice %arg8[%add3A_179, %dma_start3A_180] : memref<1536x1024xf32, #tpu.memory_space<hbm>> -> memref<24x1024xf32, #tpu.memory_space<hbm>>
    %dma_start3A_182 = arith.constant 0 : i32
    %dma_start3A_183 = tpu.memref_slice %arg8[%add3A_179, %dma_start3A_182] : memref<1536x1024xf32, #tpu.memory_space<hbm>> -> memref<24x1024xf32, #tpu.memory_space<hbm>>
    tpu.enqueue_dma source(%arg22 : memref<24x1024xf32, #tpu.memory_space<vmem>>) target(%dma_start3A_183 : memref<24x1024xf32, #tpu.memory_space<hbm>>) target_semaphore(%arg30 : memref<!tpu.dma_semaphore, #tpu.memory_space<semaphore_mem>>)
    %dma_wait3A_184 = arith.constant 0 : i32
    %dma_wait3A_185 = tpu.memref_slice %arg7[%add3A_133, %dma_wait3A_184] : memref<768x1024xf32, #tpu.memory_space<hbm>> -> memref<24x1024xf32, #tpu.memory_space<hbm>>
    %dma_wait3A_186 = arith.constant 0 : i32
    %dma_wait3A_187 = tpu.memref_slice %arg7[%add3A_133, %dma_wait3A_186] : memref<768x1024xf32, #tpu.memory_space<hbm>> -> memref<24x1024xf32, #tpu.memory_space<hbm>>
    tpu.wait_dma2 semaphore(%arg28 : memref<!tpu.dma_semaphore, #tpu.memory_space<semaphore_mem>>) src(%arg20 : memref<24x1024xf32, #tpu.memory_space<vmem>>) dst(%dma_wait3A_187 : memref<24x1024xf32, #tpu.memory_space<hbm>>)
    %dma_start3A_188 = arith.constant 120 : i32
    %dma_start3A_189 = tpu.memref_slice %arg18[%dma_start3A_188] : memref<192xi32, #tpu.memory_space<vmem>> -> memref<24xi32, #tpu.memory_space<vmem>>
    %dma_start3A_190 = arith.constant 0 : i32
    %dma_start3A_191 = arith.constant 0 : i32
    %dma_start3A_192 = tpu.memref_slice %arg3[%dma_start3A_190, %dma_start3A_191] : memref<6144x1024xf32, #tpu.memory_space<hbm>> -> memref<6144x1024xf32, #tpu.memory_space<hbm>>
    tpu.enqueue_indirect_dma source(%dma_start3A_192 : memref<6144x1024xf32, #tpu.memory_space<hbm>>) target(%arg20 : memref<24x1024xf32, #tpu.memory_space<vmem>>) offsets(%dma_start3A_189 : memref<24xi32, #tpu.memory_space<vmem>>) semaphore(%arg24 : memref<!tpu.dma_semaphore, #tpu.memory_space<semaphore_mem>>)
    %dma_wait3A_193 = arith.constant 96 : i32
    %dma_wait3A_194 = tpu.memref_slice %arg18[%dma_wait3A_193] : memref<192xi32, #tpu.memory_space<vmem>> -> memref<24xi32, #tpu.memory_space<vmem>>
    %dma_wait3A_195 = arith.constant 0 : i32
    %dma_wait3A_196 = arith.constant 0 : i32
    %dma_wait3A_197 = tpu.memref_slice %arg3[%dma_wait3A_195, %dma_wait3A_196] : memref<6144x1024xf32, #tpu.memory_space<hbm>> -> memref<6144x1024xf32, #tpu.memory_space<hbm>>
    tpu.wait_indirect_dma semaphore(%arg23 : memref<!tpu.dma_semaphore, #tpu.memory_space<semaphore_mem>>) src(%dma_wait3A_197 : memref<6144x1024xf32, #tpu.memory_space<hbm>>) dst(%arg19 : memref<24x1024xf32, #tpu.memory_space<vmem>>)
    %mul3A_198 = arith.constant 96 : i32
    %mul3A_199 = arith.muli %add3A, %mul3A_198 : i32
    %add3A_200 = arith.constant 0 : i32
    %add3A_201 = arith.addi %mul3A_199, %add3A_200 : i32
    %dma_start3A_202 = arith.constant 0 : i32
    %dma_start3A_203 = tpu.memref_slice %arg9[%add3A_201, %dma_start3A_202] : memref<3072x1024xf32, #tpu.memory_space<hbm>> -> memref<24x1024xf32, #tpu.memory_space<hbm>>
    %dma_start3A_204 = arith.constant 0 : i32
    %dma_start3A_205 = tpu.memref_slice %arg9[%add3A_201, %dma_start3A_204] : memref<3072x1024xf32, #tpu.memory_space<hbm>> -> memref<24x1024xf32, #tpu.memory_space<hbm>>
    tpu.enqueue_dma source(%arg19 : memref<24x1024xf32, #tpu.memory_space<vmem>>) target(%dma_start3A_205 : memref<24x1024xf32, #tpu.memory_space<hbm>>) target_semaphore(%arg27 : memref<!tpu.dma_semaphore, #tpu.memory_space<semaphore_mem>>)
    %dma_wait3A_206 = arith.constant 0 : i32
    %dma_wait3A_207 = tpu.memref_slice %arg8[%add3A_151, %dma_wait3A_206] : memref<1536x1024xf32, #tpu.memory_space<hbm>> -> memref<24x1024xf32, #tpu.memory_space<hbm>>
    %dma_wait3A_208 = arith.constant 0 : i32
    %dma_wait3A_209 = tpu.memref_slice %arg8[%add3A_151, %dma_wait3A_208] : memref<1536x1024xf32, #tpu.memory_space<hbm>> -> memref<24x1024xf32, #tpu.memory_space<hbm>>
    tpu.wait_dma2 semaphore(%arg29 : memref<!tpu.dma_semaphore, #tpu.memory_space<semaphore_mem>>) src(%arg21 : memref<24x1024xf32, #tpu.memory_space<vmem>>) dst(%dma_wait3A_209 : memref<24x1024xf32, #tpu.memory_space<hbm>>)
    %dma_start3A_210 = arith.constant 144 : i32
    %dma_start3A_211 = tpu.memref_slice %arg18[%dma_start3A_210] : memref<192xi32, #tpu.memory_space<vmem>> -> memref<24xi32, #tpu.memory_space<vmem>>
    %dma_start3A_212 = arith.constant 0 : i32
    %dma_start3A_213 = arith.constant 0 : i32
    %dma_start3A_214 = tpu.memref_slice %arg3[%dma_start3A_212, %dma_start3A_213] : memref<6144x1024xf32, #tpu.memory_space<hbm>> -> memref<6144x1024xf32, #tpu.memory_space<hbm>>
    tpu.enqueue_indirect_dma source(%dma_start3A_214 : memref<6144x1024xf32, #tpu.memory_space<hbm>>) target(%arg21 : memref<24x1024xf32, #tpu.memory_space<vmem>>) offsets(%dma_start3A_211 : memref<24xi32, #tpu.memory_space<vmem>>) semaphore(%arg25 : memref<!tpu.dma_semaphore, #tpu.memory_space<semaphore_mem>>)
    %dma_wait3A_215 = arith.constant 120 : i32
    %dma_wait3A_216 = tpu.memref_slice %arg18[%dma_wait3A_215] : memref<192xi32, #tpu.memory_space<vmem>> -> memref<24xi32, #tpu.memory_space<vmem>>
    %dma_wait3A_217 = arith.constant 0 : i32
    %dma_wait3A_218 = arith.constant 0 : i32
    %dma_wait3A_219 = tpu.memref_slice %arg3[%dma_wait3A_217, %dma_wait3A_218] : memref<6144x1024xf32, #tpu.memory_space<hbm>> -> memref<6144x1024xf32, #tpu.memory_space<hbm>>
    tpu.wait_indirect_dma semaphore(%arg24 : memref<!tpu.dma_semaphore, #tpu.memory_space<semaphore_mem>>) src(%dma_wait3A_219 : memref<6144x1024xf32, #tpu.memory_space<hbm>>) dst(%arg20 : memref<24x1024xf32, #tpu.memory_space<vmem>>)
    %mul3A_220 = arith.constant 96 : i32
    %mul3A_221 = arith.muli %add3A, %mul3A_220 : i32
    %add3A_222 = arith.constant 24 : i32
    %add3A_223 = arith.addi %mul3A_221, %add3A_222 : i32
    %dma_start3A_224 = arith.constant 0 : i32
    %dma_start3A_225 = tpu.memref_slice %arg9[%add3A_223, %dma_start3A_224] : memref<3072x1024xf32, #tpu.memory_space<hbm>> -> memref<24x1024xf32, #tpu.memory_space<hbm>>
    %dma_start3A_226 = arith.constant 0 : i32
    %dma_start3A_227 = tpu.memref_slice %arg9[%add3A_223, %dma_start3A_226] : memref<3072x1024xf32, #tpu.memory_space<hbm>> -> memref<24x1024xf32, #tpu.memory_space<hbm>>
    tpu.enqueue_dma source(%arg20 : memref<24x1024xf32, #tpu.memory_space<vmem>>) target(%dma_start3A_227 : memref<24x1024xf32, #tpu.memory_space<hbm>>) target_semaphore(%arg28 : memref<!tpu.dma_semaphore, #tpu.memory_space<semaphore_mem>>)
    %dma_wait3A_228 = arith.constant 0 : i32
    %dma_wait3A_229 = tpu.memref_slice %arg8[%add3A_179, %dma_wait3A_228] : memref<1536x1024xf32, #tpu.memory_space<hbm>> -> memref<24x1024xf32, #tpu.memory_space<hbm>>
    %dma_wait3A_230 = arith.constant 0 : i32
    %dma_wait3A_231 = tpu.memref_slice %arg8[%add3A_179, %dma_wait3A_230] : memref<1536x1024xf32, #tpu.memory_space<hbm>> -> memref<24x1024xf32, #tpu.memory_space<hbm>>
    tpu.wait_dma2 semaphore(%arg30 : memref<!tpu.dma_semaphore, #tpu.memory_space<semaphore_mem>>) src(%arg22 : memref<24x1024xf32, #tpu.memory_space<vmem>>) dst(%dma_wait3A_231 : memref<24x1024xf32, #tpu.memory_space<hbm>>)
    %dma_start3A_232 = arith.constant 168 : i32
    %dma_start3A_233 = tpu.memref_slice %arg18[%dma_start3A_232] : memref<192xi32, #tpu.memory_space<vmem>> -> memref<24xi32, #tpu.memory_space<vmem>>
    %dma_start3A_234 = arith.constant 0 : i32
    %dma_start3A_235 = arith.constant 0 : i32
    %dma_start3A_236 = tpu.memref_slice %arg3[%dma_start3A_234, %dma_start3A_235] : memref<6144x1024xf32, #tpu.memory_space<hbm>> -> memref<6144x1024xf32, #tpu.memory_space<hbm>>
    tpu.enqueue_indirect_dma source(%dma_start3A_236 : memref<6144x1024xf32, #tpu.memory_space<hbm>>) target(%arg22 : memref<24x1024xf32, #tpu.memory_space<vmem>>) offsets(%dma_start3A_233 : memref<24xi32, #tpu.memory_space<vmem>>) semaphore(%arg26 : memref<!tpu.dma_semaphore, #tpu.memory_space<semaphore_mem>>)
    %dma_wait3A_237 = arith.constant 144 : i32
    %dma_wait3A_238 = tpu.memref_slice %arg18[%dma_wait3A_237] : memref<192xi32, #tpu.memory_space<vmem>> -> memref<24xi32, #tpu.memory_space<vmem>>
    %dma_wait3A_239 = arith.constant 0 : i32
    %dma_wait3A_240 = arith.constant 0 : i32
    %dma_wait3A_241 = tpu.memref_slice %arg3[%dma_wait3A_239, %dma_wait3A_240] : memref<6144x1024xf32, #tpu.memory_space<hbm>> -> memref<6144x1024xf32, #tpu.memory_space<hbm>>
    tpu.wait_indirect_dma semaphore(%arg25 : memref<!tpu.dma_semaphore, #tpu.memory_space<semaphore_mem>>) src(%dma_wait3A_241 : memref<6144x1024xf32, #tpu.memory_space<hbm>>) dst(%arg21 : memref<24x1024xf32, #tpu.memory_space<vmem>>)
    %mul3A_242 = arith.constant 96 : i32
    %mul3A_243 = arith.muli %add3A, %mul3A_242 : i32
    %add3A_244 = arith.constant 48 : i32
    %add3A_245 = arith.addi %mul3A_243, %add3A_244 : i32
    %dma_start3A_246 = arith.constant 0 : i32
    %dma_start3A_247 = tpu.memref_slice %arg9[%add3A_245, %dma_start3A_246] : memref<3072x1024xf32, #tpu.memory_space<hbm>> -> memref<24x1024xf32, #tpu.memory_space<hbm>>
    %dma_start3A_248 = arith.constant 0 : i32
    %dma_start3A_249 = tpu.memref_slice %arg9[%add3A_245, %dma_start3A_248] : memref<3072x1024xf32, #tpu.memory_space<hbm>> -> memref<24x1024xf32, #tpu.memory_space<hbm>>
    tpu.enqueue_dma source(%arg21 : memref<24x1024xf32, #tpu.memory_space<vmem>>) target(%dma_start3A_249 : memref<24x1024xf32, #tpu.memory_space<hbm>>) target_semaphore(%arg29 : memref<!tpu.dma_semaphore, #tpu.memory_space<semaphore_mem>>)
    %dma_wait3A_250 = arith.constant 0 : i32
    %dma_wait3A_251 = tpu.memref_slice %arg9[%add3A_201, %dma_wait3A_250] : memref<3072x1024xf32, #tpu.memory_space<hbm>> -> memref<24x1024xf32, #tpu.memory_space<hbm>>
    %dma_wait3A_252 = arith.constant 0 : i32
    %dma_wait3A_253 = tpu.memref_slice %arg9[%add3A_201, %dma_wait3A_252] : memref<3072x1024xf32, #tpu.memory_space<hbm>> -> memref<24x1024xf32, #tpu.memory_space<hbm>>
    tpu.wait_dma2 semaphore(%arg27 : memref<!tpu.dma_semaphore, #tpu.memory_space<semaphore_mem>>) src(%arg19 : memref<24x1024xf32, #tpu.memory_space<vmem>>) dst(%dma_wait3A_253 : memref<24x1024xf32, #tpu.memory_space<hbm>>)
    %dma_start3A_254 = arith.constant 0 : i32
    %dma_start3A_255 = tpu.memref_slice %arg18[%dma_start3A_254] : memref<192xi32, #tpu.memory_space<vmem>> -> memref<24xi32, #tpu.memory_space<vmem>>
    %dma_start3A_256 = arith.constant 0 : i32
    %dma_start3A_257 = arith.constant 0 : i32
    %dma_start3A_258 = tpu.memref_slice %arg4[%dma_start3A_256, %dma_start3A_257] : memref<6144x1024xf32, #tpu.memory_space<hbm>> -> memref<6144x1024xf32, #tpu.memory_space<hbm>>
    tpu.enqueue_indirect_dma source(%dma_start3A_258 : memref<6144x1024xf32, #tpu.memory_space<hbm>>) target(%arg19 : memref<24x1024xf32, #tpu.memory_space<vmem>>) offsets(%dma_start3A_255 : memref<24xi32, #tpu.memory_space<vmem>>) semaphore(%arg23 : memref<!tpu.dma_semaphore, #tpu.memory_space<semaphore_mem>>)
    %dma_wait3A_259 = arith.constant 168 : i32
    %dma_wait3A_260 = tpu.memref_slice %arg18[%dma_wait3A_259] : memref<192xi32, #tpu.memory_space<vmem>> -> memref<24xi32, #tpu.memory_space<vmem>>
    %dma_wait3A_261 = arith.constant 0 : i32
    %dma_wait3A_262 = arith.constant 0 : i32
    %dma_wait3A_263 = tpu.memref_slice %arg3[%dma_wait3A_261, %dma_wait3A_262] : memref<6144x1024xf32, #tpu.memory_space<hbm>> -> memref<6144x1024xf32, #tpu.memory_space<hbm>>
    tpu.wait_indirect_dma semaphore(%arg26 : memref<!tpu.dma_semaphore, #tpu.memory_space<semaphore_mem>>) src(%dma_wait3A_263 : memref<6144x1024xf32, #tpu.memory_space<hbm>>) dst(%arg22 : memref<24x1024xf32, #tpu.memory_space<vmem>>)
    %mul3A_264 = arith.constant 96 : i32
    %mul3A_265 = arith.muli %add3A, %mul3A_264 : i32
    %add3A_266 = arith.constant 72 : i32
    %add3A_267 = arith.addi %mul3A_265, %add3A_266 : i32
    %dma_start3A_268 = arith.constant 0 : i32
    %dma_start3A_269 = tpu.memref_slice %arg9[%add3A_267, %dma_start3A_268] : memref<3072x1024xf32, #tpu.memory_space<hbm>> -> memref<24x1024xf32, #tpu.memory_space<hbm>>
    %dma_start3A_270 = arith.constant 0 : i32
    %dma_start3A_271 = tpu.memref_slice %arg9[%add3A_267, %dma_start3A_270] : memref<3072x1024xf32, #tpu.memory_space<hbm>> -> memref<24x1024xf32, #tpu.memory_space<hbm>>
    tpu.enqueue_dma source(%arg22 : memref<24x1024xf32, #tpu.memory_space<vmem>>) target(%dma_start3A_271 : memref<24x1024xf32, #tpu.memory_space<hbm>>) target_semaphore(%arg30 : memref<!tpu.dma_semaphore, #tpu.memory_space<semaphore_mem>>)
    %dma_wait3A_272 = arith.constant 0 : i32
    %dma_wait3A_273 = tpu.memref_slice %arg9[%add3A_223, %dma_wait3A_272] : memref<3072x1024xf32, #tpu.memory_space<hbm>> -> memref<24x1024xf32, #tpu.memory_space<hbm>>
    %dma_wait3A_274 = arith.constant 0 : i32
    %dma_wait3A_275 = tpu.memref_slice %arg9[%add3A_223, %dma_wait3A_274] : memref<3072x1024xf32, #tpu.memory_space<hbm>> -> memref<24x1024xf32, #tpu.memory_space<hbm>>
    tpu.wait_dma2 semaphore(%arg28 : memref<!tpu.dma_semaphore, #tpu.memory_space<semaphore_mem>>) src(%arg20 : memref<24x1024xf32, #tpu.memory_space<vmem>>) dst(%dma_wait3A_275 : memref<24x1024xf32, #tpu.memory_space<hbm>>)
    %dma_start3A_276 = arith.constant 24 : i32
    %dma_start3A_277 = tpu.memref_slice %arg18[%dma_start3A_276] : memref<192xi32, #tpu.memory_space<vmem>> -> memref<24xi32, #tpu.memory_space<vmem>>
    %dma_start3A_278 = arith.constant 0 : i32
    %dma_start3A_279 = arith.constant 0 : i32
    %dma_start3A_280 = tpu.memref_slice %arg4[%dma_start3A_278, %dma_start3A_279] : memref<6144x1024xf32, #tpu.memory_space<hbm>> -> memref<6144x1024xf32, #tpu.memory_space<hbm>>
    tpu.enqueue_indirect_dma source(%dma_start3A_280 : memref<6144x1024xf32, #tpu.memory_space<hbm>>) target(%arg20 : memref<24x1024xf32, #tpu.memory_space<vmem>>) offsets(%dma_start3A_277 : memref<24xi32, #tpu.memory_space<vmem>>) semaphore(%arg24 : memref<!tpu.dma_semaphore, #tpu.memory_space<semaphore_mem>>)
    %dma_wait3A_281 = arith.constant 0 : i32
    %dma_wait3A_282 = tpu.memref_slice %arg18[%dma_wait3A_281] : memref<192xi32, #tpu.memory_space<vmem>> -> memref<24xi32, #tpu.memory_space<vmem>>
    %dma_wait3A_283 = arith.constant 0 : i32
    %dma_wait3A_284 = arith.constant 0 : i32
    %dma_wait3A_285 = tpu.memref_slice %arg4[%dma_wait3A_283, %dma_wait3A_284] : memref<6144x1024xf32, #tpu.memory_space<hbm>> -> memref<6144x1024xf32, #tpu.memory_space<hbm>>
    tpu.wait_indirect_dma semaphore(%arg23 : memref<!tpu.dma_semaphore, #tpu.memory_space<semaphore_mem>>) src(%dma_wait3A_285 : memref<6144x1024xf32, #tpu.memory_space<hbm>>) dst(%arg19 : memref<24x1024xf32, #tpu.memory_space<vmem>>)
    %mul3A_286 = arith.constant 24 : i32
    %mul3A_287 = arith.muli %add3A, %mul3A_286 : i32
    %add3A_288 = arith.constant 0 : i32
    %add3A_289 = arith.addi %mul3A_287, %add3A_288 : i32
    %dma_start3A_290 = arith.constant 0 : i32
    %dma_start3A_291 = tpu.memref_slice %arg10[%add3A_289, %dma_start3A_290] : memref<768x1024xf32, #tpu.memory_space<hbm>> -> memref<24x1024xf32, #tpu.memory_space<hbm>>
    %dma_start3A_292 = arith.constant 0 : i32
    %dma_start3A_293 = tpu.memref_slice %arg10[%add3A_289, %dma_start3A_292] : memref<768x1024xf32, #tpu.memory_space<hbm>> -> memref<24x1024xf32, #tpu.memory_space<hbm>>
    tpu.enqueue_dma source(%arg19 : memref<24x1024xf32, #tpu.memory_space<vmem>>) target(%dma_start3A_293 : memref<24x1024xf32, #tpu.memory_space<hbm>>) target_semaphore(%arg27 : memref<!tpu.dma_semaphore, #tpu.memory_space<semaphore_mem>>)
    %dma_wait3A_294 = arith.constant 0 : i32
    %dma_wait3A_295 = tpu.memref_slice %arg9[%add3A_245, %dma_wait3A_294] : memref<3072x1024xf32, #tpu.memory_space<hbm>> -> memref<24x1024xf32, #tpu.memory_space<hbm>>
    %dma_wait3A_296 = arith.constant 0 : i32
    %dma_wait3A_297 = tpu.memref_slice %arg9[%add3A_245, %dma_wait3A_296] : memref<3072x1024xf32, #tpu.memory_space<hbm>> -> memref<24x1024xf32, #tpu.memory_space<hbm>>
    tpu.wait_dma2 semaphore(%arg29 : memref<!tpu.dma_semaphore, #tpu.memory_space<semaphore_mem>>) src(%arg21 : memref<24x1024xf32, #tpu.memory_space<vmem>>) dst(%dma_wait3A_297 : memref<24x1024xf32, #tpu.memory_space<hbm>>)
    %dma_start3A_298 = arith.constant 48 : i32
    %dma_start3A_299 = tpu.memref_slice %arg18[%dma_start3A_298] : memref<192xi32, #tpu.memory_space<vmem>> -> memref<24xi32, #tpu.memory_space<vmem>>
    %dma_start3A_300 = arith.constant 0 : i32
    %dma_start3A_301 = arith.constant 0 : i32
    %dma_start3A_302 = tpu.memref_slice %arg4[%dma_start3A_300, %dma_start3A_301] : memref<6144x1024xf32, #tpu.memory_space<hbm>> -> memref<6144x1024xf32, #tpu.memory_space<hbm>>
    tpu.enqueue_indirect_dma source(%dma_start3A_302 : memref<6144x1024xf32, #tpu.memory_space<hbm>>) target(%arg21 : memref<24x1024xf32, #tpu.memory_space<vmem>>) offsets(%dma_start3A_299 : memref<24xi32, #tpu.memory_space<vmem>>) semaphore(%arg25 : memref<!tpu.dma_semaphore, #tpu.memory_space<semaphore_mem>>)
    %dma_wait3A_303 = arith.constant 24 : i32
    %dma_wait3A_304 = tpu.memref_slice %arg18[%dma_wait3A_303] : memref<192xi32, #tpu.memory_space<vmem>> -> memref<24xi32, #tpu.memory_space<vmem>>
    %dma_wait3A_305 = arith.constant 0 : i32
    %dma_wait3A_306 = arith.constant 0 : i32
    %dma_wait3A_307 = tpu.memref_slice %arg4[%dma_wait3A_305, %dma_wait3A_306] : memref<6144x1024xf32, #tpu.memory_space<hbm>> -> memref<6144x1024xf32, #tpu.memory_space<hbm>>
    tpu.wait_indirect_dma semaphore(%arg24 : memref<!tpu.dma_semaphore, #tpu.memory_space<semaphore_mem>>) src(%dma_wait3A_307 : memref<6144x1024xf32, #tpu.memory_space<hbm>>) dst(%arg20 : memref<24x1024xf32, #tpu.memory_space<vmem>>)
    %mul3A_308 = arith.constant 24 : i32
    %mul3A_309 = arith.muli %add3A, %mul3A_308 : i32
    %add3A_310 = arith.constant 0 : i32
    %add3A_311 = arith.addi %mul3A_309, %add3A_310 : i32
    %dma_start3A_312 = arith.constant 0 : i32
    %dma_start3A_313 = tpu.memref_slice %arg11[%add3A_311, %dma_start3A_312] : memref<768x1024xf32, #tpu.memory_space<hbm>> -> memref<24x1024xf32, #tpu.memory_space<hbm>>
    %dma_start3A_314 = arith.constant 0 : i32
    %dma_start3A_315 = tpu.memref_slice %arg11[%add3A_311, %dma_start3A_314] : memref<768x1024xf32, #tpu.memory_space<hbm>> -> memref<24x1024xf32, #tpu.memory_space<hbm>>
    tpu.enqueue_dma source(%arg20 : memref<24x1024xf32, #tpu.memory_space<vmem>>) target(%dma_start3A_315 : memref<24x1024xf32, #tpu.memory_space<hbm>>) target_semaphore(%arg28 : memref<!tpu.dma_semaphore, #tpu.memory_space<semaphore_mem>>)
    %dma_wait3A_316 = arith.constant 0 : i32
    %dma_wait3A_317 = tpu.memref_slice %arg9[%add3A_267, %dma_wait3A_316] : memref<3072x1024xf32, #tpu.memory_space<hbm>> -> memref<24x1024xf32, #tpu.memory_space<hbm>>
    %dma_wait3A_318 = arith.constant 0 : i32
    %dma_wait3A_319 = tpu.memref_slice %arg9[%add3A_267, %dma_wait3A_318] : memref<3072x1024xf32, #tpu.memory_space<hbm>> -> memref<24x1024xf32, #tpu.memory_space<hbm>>
    tpu.wait_dma2 semaphore(%arg30 : memref<!tpu.dma_semaphore, #tpu.memory_space<semaphore_mem>>) src(%arg22 : memref<24x1024xf32, #tpu.memory_space<vmem>>) dst(%dma_wait3A_319 : memref<24x1024xf32, #tpu.memory_space<hbm>>)
    %dma_start3A_320 = arith.constant 72 : i32
    %dma_start3A_321 = tpu.memref_slice %arg18[%dma_start3A_320] : memref<192xi32, #tpu.memory_space<vmem>> -> memref<24xi32, #tpu.memory_space<vmem>>
    %dma_start3A_322 = arith.constant 0 : i32
    %dma_start3A_323 = arith.constant 0 : i32
    %dma_start3A_324 = tpu.memref_slice %arg4[%dma_start3A_322, %dma_start3A_323] : memref<6144x1024xf32, #tpu.memory_space<hbm>> -> memref<6144x1024xf32, #tpu.memory_space<hbm>>
    tpu.enqueue_indirect_dma source(%dma_start3A_324 : memref<6144x1024xf32, #tpu.memory_space<hbm>>) target(%arg22 : memref<24x1024xf32, #tpu.memory_space<vmem>>) offsets(%dma_start3A_321 : memref<24xi32, #tpu.memory_space<vmem>>) semaphore(%arg26 : memref<!tpu.dma_semaphore, #tpu.memory_space<semaphore_mem>>)
    %dma_wait3A_325 = arith.constant 48 : i32
    %dma_wait3A_326 = tpu.memref_slice %arg18[%dma_wait3A_325] : memref<192xi32, #tpu.memory_space<vmem>> -> memref<24xi32, #tpu.memory_space<vmem>>
    %dma_wait3A_327 = arith.constant 0 : i32
    %dma_wait3A_328 = arith.constant 0 : i32
    %dma_wait3A_329 = tpu.memref_slice %arg4[%dma_wait3A_327, %dma_wait3A_328] : memref<6144x1024xf32, #tpu.memory_space<hbm>> -> memref<6144x1024xf32, #tpu.memory_space<hbm>>
    tpu.wait_indirect_dma semaphore(%arg25 : memref<!tpu.dma_semaphore, #tpu.memory_space<semaphore_mem>>) src(%dma_wait3A_329 : memref<6144x1024xf32, #tpu.memory_space<hbm>>) dst(%arg21 : memref<24x1024xf32, #tpu.memory_space<vmem>>)
    %mul3A_330 = arith.constant 48 : i32
    %mul3A_331 = arith.muli %add3A, %mul3A_330 : i32
    %add3A_332 = arith.constant 0 : i32
    %add3A_333 = arith.addi %mul3A_331, %add3A_332 : i32
    %dma_start3A_334 = arith.constant 0 : i32
    %dma_start3A_335 = tpu.memref_slice %arg12[%add3A_333, %dma_start3A_334] : memref<1536x1024xf32, #tpu.memory_space<hbm>> -> memref<24x1024xf32, #tpu.memory_space<hbm>>
    %dma_start3A_336 = arith.constant 0 : i32
    %dma_start3A_337 = tpu.memref_slice %arg12[%add3A_333, %dma_start3A_336] : memref<1536x1024xf32, #tpu.memory_space<hbm>> -> memref<24x1024xf32, #tpu.memory_space<hbm>>
    tpu.enqueue_dma source(%arg21 : memref<24x1024xf32, #tpu.memory_space<vmem>>) target(%dma_start3A_337 : memref<24x1024xf32, #tpu.memory_space<hbm>>) target_semaphore(%arg29 : memref<!tpu.dma_semaphore, #tpu.memory_space<semaphore_mem>>)
    %dma_wait3A_338 = arith.constant 0 : i32
    %dma_wait3A_339 = tpu.memref_slice %arg10[%add3A_289, %dma_wait3A_338] : memref<768x1024xf32, #tpu.memory_space<hbm>> -> memref<24x1024xf32, #tpu.memory_space<hbm>>
    %dma_wait3A_340 = arith.constant 0 : i32
    %dma_wait3A_341 = tpu.memref_slice %arg10[%add3A_289, %dma_wait3A_340] : memref<768x1024xf32, #tpu.memory_space<hbm>> -> memref<24x1024xf32, #tpu.memory_space<hbm>>
    tpu.wait_dma2 semaphore(%arg27 : memref<!tpu.dma_semaphore, #tpu.memory_space<semaphore_mem>>) src(%arg19 : memref<24x1024xf32, #tpu.memory_space<vmem>>) dst(%dma_wait3A_341 : memref<24x1024xf32, #tpu.memory_space<hbm>>)
    %dma_start3A_342 = arith.constant 96 : i32
    %dma_start3A_343 = tpu.memref_slice %arg18[%dma_start3A_342] : memref<192xi32, #tpu.memory_space<vmem>> -> memref<24xi32, #tpu.memory_space<vmem>>
    %dma_start3A_344 = arith.constant 0 : i32
    %dma_start3A_345 = arith.constant 0 : i32
    %dma_start3A_346 = tpu.memref_slice %arg4[%dma_start3A_344, %dma_start3A_345] : memref<6144x1024xf32, #tpu.memory_space<hbm>> -> memref<6144x1024xf32, #tpu.memory_space<hbm>>
    tpu.enqueue_indirect_dma source(%dma_start3A_346 : memref<6144x1024xf32, #tpu.memory_space<hbm>>) target(%arg19 : memref<24x1024xf32, #tpu.memory_space<vmem>>) offsets(%dma_start3A_343 : memref<24xi32, #tpu.memory_space<vmem>>) semaphore(%arg23 : memref<!tpu.dma_semaphore, #tpu.memory_space<semaphore_mem>>)
    %dma_wait3A_347 = arith.constant 72 : i32
    %dma_wait3A_348 = tpu.memref_slice %arg18[%dma_wait3A_347] : memref<192xi32, #tpu.memory_space<vmem>> -> memref<24xi32, #tpu.memory_space<vmem>>
    %dma_wait3A_349 = arith.constant 0 : i32
    %dma_wait3A_350 = arith.constant 0 : i32
    %dma_wait3A_351 = tpu.memref_slice %arg4[%dma_wait3A_349, %dma_wait3A_350] : memref<6144x1024xf32, #tpu.memory_space<hbm>> -> memref<6144x1024xf32, #tpu.memory_space<hbm>>
    tpu.wait_indirect_dma semaphore(%arg26 : memref<!tpu.dma_semaphore, #tpu.memory_space<semaphore_mem>>) src(%dma_wait3A_351 : memref<6144x1024xf32, #tpu.memory_space<hbm>>) dst(%arg22 : memref<24x1024xf32, #tpu.memory_space<vmem>>)
    %mul3A_352 = arith.constant 48 : i32
    %mul3A_353 = arith.muli %add3A, %mul3A_352 : i32
    %add3A_354 = arith.constant 24 : i32
    %add3A_355 = arith.addi %mul3A_353, %add3A_354 : i32
    %dma_start3A_356 = arith.constant 0 : i32
    %dma_start3A_357 = tpu.memref_slice %arg12[%add3A_355, %dma_start3A_356] : memref<1536x1024xf32, #tpu.memory_space<hbm>> -> memref<24x1024xf32, #tpu.memory_space<hbm>>
    %dma_start3A_358 = arith.constant 0 : i32
    %dma_start3A_359 = tpu.memref_slice %arg12[%add3A_355, %dma_start3A_358] : memref<1536x1024xf32, #tpu.memory_space<hbm>> -> memref<24x1024xf32, #tpu.memory_space<hbm>>
    tpu.enqueue_dma source(%arg22 : memref<24x1024xf32, #tpu.memory_space<vmem>>) target(%dma_start3A_359 : memref<24x1024xf32, #tpu.memory_space<hbm>>) target_semaphore(%arg30 : memref<!tpu.dma_semaphore, #tpu.memory_space<semaphore_mem>>)
    %dma_wait3A_360 = arith.constant 0 : i32
    %dma_wait3A_361 = tpu.memref_slice %arg11[%add3A_311, %dma_wait3A_360] : memref<768x1024xf32, #tpu.memory_space<hbm>> -> memref<24x1024xf32, #tpu.memory_space<hbm>>
    %dma_wait3A_362 = arith.constant 0 : i32
    %dma_wait3A_363 = tpu.memref_slice %arg11[%add3A_311, %dma_wait3A_362] : memref<768x1024xf32, #tpu.memory_space<hbm>> -> memref<24x1024xf32, #tpu.memory_space<hbm>>
    tpu.wait_dma2 semaphore(%arg28 : memref<!tpu.dma_semaphore, #tpu.memory_space<semaphore_mem>>) src(%arg20 : memref<24x1024xf32, #tpu.memory_space<vmem>>) dst(%dma_wait3A_363 : memref<24x1024xf32, #tpu.memory_space<hbm>>)
    %dma_start3A_364 = arith.constant 120 : i32
    %dma_start3A_365 = tpu.memref_slice %arg18[%dma_start3A_364] : memref<192xi32, #tpu.memory_space<vmem>> -> memref<24xi32, #tpu.memory_space<vmem>>
    %dma_start3A_366 = arith.constant 0 : i32
    %dma_start3A_367 = arith.constant 0 : i32
    %dma_start3A_368 = tpu.memref_slice %arg4[%dma_start3A_366, %dma_start3A_367] : memref<6144x1024xf32, #tpu.memory_space<hbm>> -> memref<6144x1024xf32, #tpu.memory_space<hbm>>
    tpu.enqueue_indirect_dma source(%dma_start3A_368 : memref<6144x1024xf32, #tpu.memory_space<hbm>>) target(%arg20 : memref<24x1024xf32, #tpu.memory_space<vmem>>) offsets(%dma_start3A_365 : memref<24xi32, #tpu.memory_space<vmem>>) semaphore(%arg24 : memref<!tpu.dma_semaphore, #tpu.memory_space<semaphore_mem>>)
    %dma_wait3A_369 = arith.constant 96 : i32
    %dma_wait3A_370 = tpu.memref_slice %arg18[%dma_wait3A_369] : memref<192xi32, #tpu.memory_space<vmem>> -> memref<24xi32, #tpu.memory_space<vmem>>
    %dma_wait3A_371 = arith.constant 0 : i32
    %dma_wait3A_372 = arith.constant 0 : i32
    %dma_wait3A_373 = tpu.memref_slice %arg4[%dma_wait3A_371, %dma_wait3A_372] : memref<6144x1024xf32, #tpu.memory_space<hbm>> -> memref<6144x1024xf32, #tpu.memory_space<hbm>>
    tpu.wait_indirect_dma semaphore(%arg23 : memref<!tpu.dma_semaphore, #tpu.memory_space<semaphore_mem>>) src(%dma_wait3A_373 : memref<6144x1024xf32, #tpu.memory_space<hbm>>) dst(%arg19 : memref<24x1024xf32, #tpu.memory_space<vmem>>)
    %mul3A_374 = arith.constant 96 : i32
    %mul3A_375 = arith.muli %add3A, %mul3A_374 : i32
    %add3A_376 = arith.constant 0 : i32
    %add3A_377 = arith.addi %mul3A_375, %add3A_376 : i32
    %dma_start3A_378 = arith.constant 0 : i32
    %dma_start3A_379 = tpu.memref_slice %arg13[%add3A_377, %dma_start3A_378] : memref<3072x1024xf32, #tpu.memory_space<hbm>> -> memref<24x1024xf32, #tpu.memory_space<hbm>>
    %dma_start3A_380 = arith.constant 0 : i32
    %dma_start3A_381 = tpu.memref_slice %arg13[%add3A_377, %dma_start3A_380] : memref<3072x1024xf32, #tpu.memory_space<hbm>> -> memref<24x1024xf32, #tpu.memory_space<hbm>>
    tpu.enqueue_dma source(%arg19 : memref<24x1024xf32, #tpu.memory_space<vmem>>) target(%dma_start3A_381 : memref<24x1024xf32, #tpu.memory_space<hbm>>) target_semaphore(%arg27 : memref<!tpu.dma_semaphore, #tpu.memory_space<semaphore_mem>>)
    %dma_wait3A_382 = arith.constant 0 : i32
    %dma_wait3A_383 = tpu.memref_slice %arg12[%add3A_333, %dma_wait3A_382] : memref<1536x1024xf32, #tpu.memory_space<hbm>> -> memref<24x1024xf32, #tpu.memory_space<hbm>>
    %dma_wait3A_384 = arith.constant 0 : i32
    %dma_wait3A_385 = tpu.memref_slice %arg12[%add3A_333, %dma_wait3A_384] : memref<1536x1024xf32, #tpu.memory_space<hbm>> -> memref<24x1024xf32, #tpu.memory_space<hbm>>
    tpu.wait_dma2 semaphore(%arg29 : memref<!tpu.dma_semaphore, #tpu.memory_space<semaphore_mem>>) src(%arg21 : memref<24x1024xf32, #tpu.memory_space<vmem>>) dst(%dma_wait3A_385 : memref<24x1024xf32, #tpu.memory_space<hbm>>)
    %dma_start3A_386 = arith.constant 144 : i32
    %dma_start3A_387 = tpu.memref_slice %arg18[%dma_start3A_386] : memref<192xi32, #tpu.memory_space<vmem>> -> memref<24xi32, #tpu.memory_space<vmem>>
    %dma_start3A_388 = arith.constant 0 : i32
    %dma_start3A_389 = arith.constant 0 : i32
    %dma_start3A_390 = tpu.memref_slice %arg4[%dma_start3A_388, %dma_start3A_389] : memref<6144x1024xf32, #tpu.memory_space<hbm>> -> memref<6144x1024xf32, #tpu.memory_space<hbm>>
    tpu.enqueue_indirect_dma source(%dma_start3A_390 : memref<6144x1024xf32, #tpu.memory_space<hbm>>) target(%arg21 : memref<24x1024xf32, #tpu.memory_space<vmem>>) offsets(%dma_start3A_387 : memref<24xi32, #tpu.memory_space<vmem>>) semaphore(%arg25 : memref<!tpu.dma_semaphore, #tpu.memory_space<semaphore_mem>>)
    %dma_wait3A_391 = arith.constant 120 : i32
    %dma_wait3A_392 = tpu.memref_slice %arg18[%dma_wait3A_391] : memref<192xi32, #tpu.memory_space<vmem>> -> memref<24xi32, #tpu.memory_space<vmem>>
    %dma_wait3A_393 = arith.constant 0 : i32
    %dma_wait3A_394 = arith.constant 0 : i32
    %dma_wait3A_395 = tpu.memref_slice %arg4[%dma_wait3A_393, %dma_wait3A_394] : memref<6144x1024xf32, #tpu.memory_space<hbm>> -> memref<6144x1024xf32, #tpu.memory_space<hbm>>
    tpu.wait_indirect_dma semaphore(%arg24 : memref<!tpu.dma_semaphore, #tpu.memory_space<semaphore_mem>>) src(%dma_wait3A_395 : memref<6144x1024xf32, #tpu.memory_space<hbm>>) dst(%arg20 : memref<24x1024xf32, #tpu.memory_space<vmem>>)
    %mul3A_396 = arith.constant 96 : i32
    %mul3A_397 = arith.muli %add3A, %mul3A_396 : i32
    %add3A_398 = arith.constant 24 : i32
    %add3A_399 = arith.addi %mul3A_397, %add3A_398 : i32
    %dma_start3A_400 = arith.constant 0 : i32
    %dma_start3A_401 = tpu.memref_slice %arg13[%add3A_399, %dma_start3A_400] : memref<3072x1024xf32, #tpu.memory_space<hbm>> -> memref<24x1024xf32, #tpu.memory_space<hbm>>
    %dma_start3A_402 = arith.constant 0 : i32
    %dma_start3A_403 = tpu.memref_slice %arg13[%add3A_399, %dma_start3A_402] : memref<3072x1024xf32, #tpu.memory_space<hbm>> -> memref<24x1024xf32, #tpu.memory_space<hbm>>
    tpu.enqueue_dma source(%arg20 : memref<24x1024xf32, #tpu.memory_space<vmem>>) target(%dma_start3A_403 : memref<24x1024xf32, #tpu.memory_space<hbm>>) target_semaphore(%arg28 : memref<!tpu.dma_semaphore, #tpu.memory_space<semaphore_mem>>)
    %dma_wait3A_404 = arith.constant 0 : i32
    %dma_wait3A_405 = tpu.memref_slice %arg12[%add3A_355, %dma_wait3A_404] : memref<1536x1024xf32, #tpu.memory_space<hbm>> -> memref<24x1024xf32, #tpu.memory_space<hbm>>
    %dma_wait3A_406 = arith.constant 0 : i32
    %dma_wait3A_407 = tpu.memref_slice %arg12[%add3A_355, %dma_wait3A_406] : memref<1536x1024xf32, #tpu.memory_space<hbm>> -> memref<24x1024xf32, #tpu.memory_space<hbm>>
    tpu.wait_dma2 semaphore(%arg30 : memref<!tpu.dma_semaphore, #tpu.memory_space<semaphore_mem>>) src(%arg22 : memref<24x1024xf32, #tpu.memory_space<vmem>>) dst(%dma_wait3A_407 : memref<24x1024xf32, #tpu.memory_space<hbm>>)
    %dma_start3A_408 = arith.constant 168 : i32
    %dma_start3A_409 = tpu.memref_slice %arg18[%dma_start3A_408] : memref<192xi32, #tpu.memory_space<vmem>> -> memref<24xi32, #tpu.memory_space<vmem>>
    %dma_start3A_410 = arith.constant 0 : i32
    %dma_start3A_411 = arith.constant 0 : i32
    %dma_start3A_412 = tpu.memref_slice %arg4[%dma_start3A_410, %dma_start3A_411] : memref<6144x1024xf32, #tpu.memory_space<hbm>> -> memref<6144x1024xf32, #tpu.memory_space<hbm>>
    tpu.enqueue_indirect_dma source(%dma_start3A_412 : memref<6144x1024xf32, #tpu.memory_space<hbm>>) target(%arg22 : memref<24x1024xf32, #tpu.memory_space<vmem>>) offsets(%dma_start3A_409 : memref<24xi32, #tpu.memory_space<vmem>>) semaphore(%arg26 : memref<!tpu.dma_semaphore, #tpu.memory_space<semaphore_mem>>)
    %dma_wait3A_413 = arith.constant 144 : i32
    %dma_wait3A_414 = tpu.memref_slice %arg18[%dma_wait3A_413] : memref<192xi32, #tpu.memory_space<vmem>> -> memref<24xi32, #tpu.memory_space<vmem>>
    %dma_wait3A_415 = arith.constant 0 : i32
    %dma_wait3A_416 = arith.constant 0 : i32
    %dma_wait3A_417 = tpu.memref_slice %arg4[%dma_wait3A_415, %dma_wait3A_416] : memref<6144x1024xf32, #tpu.memory_space<hbm>> -> memref<6144x1024xf32, #tpu.memory_space<hbm>>
    tpu.wait_indirect_dma semaphore(%arg25 : memref<!tpu.dma_semaphore, #tpu.memory_space<semaphore_mem>>) src(%dma_wait3A_417 : memref<6144x1024xf32, #tpu.memory_space<hbm>>) dst(%arg21 : memref<24x1024xf32, #tpu.memory_space<vmem>>)
    %mul3A_418 = arith.constant 96 : i32
    %mul3A_419 = arith.muli %add3A, %mul3A_418 : i32
    %add3A_420 = arith.constant 48 : i32
    %add3A_421 = arith.addi %mul3A_419, %add3A_420 : i32
    %dma_start3A_422 = arith.constant 0 : i32
    %dma_start3A_423 = tpu.memref_slice %arg13[%add3A_421, %dma_start3A_422] : memref<3072x1024xf32, #tpu.memory_space<hbm>> -> memref<24x1024xf32, #tpu.memory_space<hbm>>
    %dma_start3A_424 = arith.constant 0 : i32
    %dma_start3A_425 = tpu.memref_slice %arg13[%add3A_421, %dma_start3A_424] : memref<3072x1024xf32, #tpu.memory_space<hbm>> -> memref<24x1024xf32, #tpu.memory_space<hbm>>
    tpu.enqueue_dma source(%arg21 : memref<24x1024xf32, #tpu.memory_space<vmem>>) target(%dma_start3A_425 : memref<24x1024xf32, #tpu.memory_space<hbm>>) target_semaphore(%arg29 : memref<!tpu.dma_semaphore, #tpu.memory_space<semaphore_mem>>)
    %dma_wait3A_426 = arith.constant 0 : i32
    %dma_wait3A_427 = tpu.memref_slice %arg13[%add3A_377, %dma_wait3A_426] : memref<3072x1024xf32, #tpu.memory_space<hbm>> -> memref<24x1024xf32, #tpu.memory_space<hbm>>
    %dma_wait3A_428 = arith.constant 0 : i32
    %dma_wait3A_429 = tpu.memref_slice %arg13[%add3A_377, %dma_wait3A_428] : memref<3072x1024xf32, #tpu.memory_space<hbm>> -> memref<24x1024xf32, #tpu.memory_space<hbm>>
    tpu.wait_dma2 semaphore(%arg27 : memref<!tpu.dma_semaphore, #tpu.memory_space<semaphore_mem>>) src(%arg19 : memref<24x1024xf32, #tpu.memory_space<vmem>>) dst(%dma_wait3A_429 : memref<24x1024xf32, #tpu.memory_space<hbm>>)
    %dma_start3A_430 = arith.constant 0 : i32
    %dma_start3A_431 = tpu.memref_slice %arg18[%dma_start3A_430] : memref<192xi32, #tpu.memory_space<vmem>> -> memref<24xi32, #tpu.memory_space<vmem>>
    %dma_start3A_432 = arith.constant 0 : i32
    %dma_start3A_433 = arith.constant 0 : i32
    %dma_start3A_434 = tpu.memref_slice %arg5[%dma_start3A_432, %dma_start3A_433] : memref<6144x1024xf32, #tpu.memory_space<hbm>> -> memref<6144x1024xf32, #tpu.memory_space<hbm>>
    tpu.enqueue_indirect_dma source(%dma_start3A_434 : memref<6144x1024xf32, #tpu.memory_space<hbm>>) target(%arg19 : memref<24x1024xf32, #tpu.memory_space<vmem>>) offsets(%dma_start3A_431 : memref<24xi32, #tpu.memory_space<vmem>>) semaphore(%arg23 : memref<!tpu.dma_semaphore, #tpu.memory_space<semaphore_mem>>)
    %dma_wait3A_435 = arith.constant 168 : i32
    %dma_wait3A_436 = tpu.memref_slice %arg18[%dma_wait3A_435] : memref<192xi32, #tpu.memory_space<vmem>> -> memref<24xi32, #tpu.memory_space<vmem>>
    %dma_wait3A_437 = arith.constant 0 : i32
    %dma_wait3A_438 = arith.constant 0 : i32
    %dma_wait3A_439 = tpu.memref_slice %arg4[%dma_wait3A_437, %dma_wait3A_438] : memref<6144x1024xf32, #tpu.memory_space<hbm>> -> memref<6144x1024xf32, #tpu.memory_space<hbm>>
    tpu.wait_indirect_dma semaphore(%arg26 : memref<!tpu.dma_semaphore, #tpu.memory_space<semaphore_mem>>) src(%dma_wait3A_439 : memref<6144x1024xf32, #tpu.memory_space<hbm>>) dst(%arg22 : memref<24x1024xf32, #tpu.memory_space<vmem>>)
    %mul3A_440 = arith.constant 96 : i32
    %mul3A_441 = arith.muli %add3A, %mul3A_440 : i32
    %add3A_442 = arith.constant 72 : i32
    %add3A_443 = arith.addi %mul3A_441, %add3A_442 : i32
    %dma_start3A_444 = arith.constant 0 : i32
    %dma_start3A_445 = tpu.memref_slice %arg13[%add3A_443, %dma_start3A_444] : memref<3072x1024xf32, #tpu.memory_space<hbm>> -> memref<24x1024xf32, #tpu.memory_space<hbm>>
    %dma_start3A_446 = arith.constant 0 : i32
    %dma_start3A_447 = tpu.memref_slice %arg13[%add3A_443, %dma_start3A_446] : memref<3072x1024xf32, #tpu.memory_space<hbm>> -> memref<24x1024xf32, #tpu.memory_space<hbm>>
    tpu.enqueue_dma source(%arg22 : memref<24x1024xf32, #tpu.memory_space<vmem>>) target(%dma_start3A_447 : memref<24x1024xf32, #tpu.memory_space<hbm>>) target_semaphore(%arg30 : memref<!tpu.dma_semaphore, #tpu.memory_space<semaphore_mem>>)
    %dma_wait3A_448 = arith.constant 0 : i32
    %dma_wait3A_449 = tpu.memref_slice %arg13[%add3A_399, %dma_wait3A_448] : memref<3072x1024xf32, #tpu.memory_space<hbm>> -> memref<24x1024xf32, #tpu.memory_space<hbm>>
    %dma_wait3A_450 = arith.constant 0 : i32
    %dma_wait3A_451 = tpu.memref_slice %arg13[%add3A_399, %dma_wait3A_450] : memref<3072x1024xf32, #tpu.memory_space<hbm>> -> memref<24x1024xf32, #tpu.memory_space<hbm>>
    tpu.wait_dma2 semaphore(%arg28 : memref<!tpu.dma_semaphore, #tpu.memory_space<semaphore_mem>>) src(%arg20 : memref<24x1024xf32, #tpu.memory_space<vmem>>) dst(%dma_wait3A_451 : memref<24x1024xf32, #tpu.memory_space<hbm>>)
    %dma_start3A_452 = arith.constant 24 : i32
    %dma_start3A_453 = tpu.memref_slice %arg18[%dma_start3A_452] : memref<192xi32, #tpu.memory_space<vmem>> -> memref<24xi32, #tpu.memory_space<vmem>>
    %dma_start3A_454 = arith.constant 0 : i32
    %dma_start3A_455 = arith.constant 0 : i32
    %dma_start3A_456 = tpu.memref_slice %arg5[%dma_start3A_454, %dma_start3A_455] : memref<6144x1024xf32, #tpu.memory_space<hbm>> -> memref<6144x1024xf32, #tpu.memory_space<hbm>>
    tpu.enqueue_indirect_dma source(%dma_start3A_456 : memref<6144x1024xf32, #tpu.memory_space<hbm>>) target(%arg20 : memref<24x1024xf32, #tpu.memory_space<vmem>>) offsets(%dma_start3A_453 : memref<24xi32, #tpu.memory_space<vmem>>) semaphore(%arg24 : memref<!tpu.dma_semaphore, #tpu.memory_space<semaphore_mem>>)
    %dma_wait3A_457 = arith.constant 0 : i32
    %dma_wait3A_458 = tpu.memref_slice %arg18[%dma_wait3A_457] : memref<192xi32, #tpu.memory_space<vmem>> -> memref<24xi32, #tpu.memory_space<vmem>>
    %dma_wait3A_459 = arith.constant 0 : i32
    %dma_wait3A_460 = arith.constant 0 : i32
    %dma_wait3A_461 = tpu.memref_slice %arg5[%dma_wait3A_459, %dma_wait3A_460] : memref<6144x1024xf32, #tpu.memory_space<hbm>> -> memref<6144x1024xf32, #tpu.memory_space<hbm>>
    tpu.wait_indirect_dma semaphore(%arg23 : memref<!tpu.dma_semaphore, #tpu.memory_space<semaphore_mem>>) src(%dma_wait3A_461 : memref<6144x1024xf32, #tpu.memory_space<hbm>>) dst(%arg19 : memref<24x1024xf32, #tpu.memory_space<vmem>>)
    %mul3A_462 = arith.constant 24 : i32
    %mul3A_463 = arith.muli %add3A, %mul3A_462 : i32
    %add3A_464 = arith.constant 0 : i32
    %add3A_465 = arith.addi %mul3A_463, %add3A_464 : i32
    %dma_start3A_466 = arith.constant 0 : i32
    %dma_start3A_467 = tpu.memref_slice %arg14[%add3A_465, %dma_start3A_466] : memref<768x1024xf32, #tpu.memory_space<hbm>> -> memref<24x1024xf32, #tpu.memory_space<hbm>>
    %dma_start3A_468 = arith.constant 0 : i32
    %dma_start3A_469 = tpu.memref_slice %arg14[%add3A_465, %dma_start3A_468] : memref<768x1024xf32, #tpu.memory_space<hbm>> -> memref<24x1024xf32, #tpu.memory_space<hbm>>
    tpu.enqueue_dma source(%arg19 : memref<24x1024xf32, #tpu.memory_space<vmem>>) target(%dma_start3A_469 : memref<24x1024xf32, #tpu.memory_space<hbm>>) target_semaphore(%arg27 : memref<!tpu.dma_semaphore, #tpu.memory_space<semaphore_mem>>)
    %dma_wait3A_470 = arith.constant 0 : i32
    %dma_wait3A_471 = tpu.memref_slice %arg13[%add3A_421, %dma_wait3A_470] : memref<3072x1024xf32, #tpu.memory_space<hbm>> -> memref<24x1024xf32, #tpu.memory_space<hbm>>
    %dma_wait3A_472 = arith.constant 0 : i32
    %dma_wait3A_473 = tpu.memref_slice %arg13[%add3A_421, %dma_wait3A_472] : memref<3072x1024xf32, #tpu.memory_space<hbm>> -> memref<24x1024xf32, #tpu.memory_space<hbm>>
    tpu.wait_dma2 semaphore(%arg29 : memref<!tpu.dma_semaphore, #tpu.memory_space<semaphore_mem>>) src(%arg21 : memref<24x1024xf32, #tpu.memory_space<vmem>>) dst(%dma_wait3A_473 : memref<24x1024xf32, #tpu.memory_space<hbm>>)
    %dma_start3A_474 = arith.constant 48 : i32
    %dma_start3A_475 = tpu.memref_slice %arg18[%dma_start3A_474] : memref<192xi32, #tpu.memory_space<vmem>> -> memref<24xi32, #tpu.memory_space<vmem>>
    %dma_start3A_476 = arith.constant 0 : i32
    %dma_start3A_477 = arith.constant 0 : i32
    %dma_start3A_478 = tpu.memref_slice %arg5[%dma_start3A_476, %dma_start3A_477] : memref<6144x1024xf32, #tpu.memory_space<hbm>> -> memref<6144x1024xf32, #tpu.memory_space<hbm>>
    tpu.enqueue_indirect_dma source(%dma_start3A_478 : memref<6144x1024xf32, #tpu.memory_space<hbm>>) target(%arg21 : memref<24x1024xf32, #tpu.memory_space<vmem>>) offsets(%dma_start3A_475 : memref<24xi32, #tpu.memory_space<vmem>>) semaphore(%arg25 : memref<!tpu.dma_semaphore, #tpu.memory_space<semaphore_mem>>)
    %dma_wait3A_479 = arith.constant 24 : i32
    %dma_wait3A_480 = tpu.memref_slice %arg18[%dma_wait3A_479] : memref<192xi32, #tpu.memory_space<vmem>> -> memref<24xi32, #tpu.memory_space<vmem>>
    %dma_wait3A_481 = arith.constant 0 : i32
    %dma_wait3A_482 = arith.constant 0 : i32
    %dma_wait3A_483 = tpu.memref_slice %arg5[%dma_wait3A_481, %dma_wait3A_482] : memref<6144x1024xf32, #tpu.memory_space<hbm>> -> memref<6144x1024xf32, #tpu.memory_space<hbm>>
    tpu.wait_indirect_dma semaphore(%arg24 : memref<!tpu.dma_semaphore, #tpu.memory_space<semaphore_mem>>) src(%dma_wait3A_483 : memref<6144x1024xf32, #tpu.memory_space<hbm>>) dst(%arg20 : memref<24x1024xf32, #tpu.memory_space<vmem>>)
    %mul3A_484 = arith.constant 24 : i32
    %mul3A_485 = arith.muli %add3A, %mul3A_484 : i32
    %add3A_486 = arith.constant 0 : i32
    %add3A_487 = arith.addi %mul3A_485, %add3A_486 : i32
    %dma_start3A_488 = arith.constant 0 : i32
    %dma_start3A_489 = tpu.memref_slice %arg15[%add3A_487, %dma_start3A_488] : memref<768x1024xf32, #tpu.memory_space<hbm>> -> memref<24x1024xf32, #tpu.memory_space<hbm>>
    %dma_start3A_490 = arith.constant 0 : i32
    %dma_start3A_491 = tpu.memref_slice %arg15[%add3A_487, %dma_start3A_490] : memref<768x1024xf32, #tpu.memory_space<hbm>> -> memref<24x1024xf32, #tpu.memory_space<hbm>>
    tpu.enqueue_dma source(%arg20 : memref<24x1024xf32, #tpu.memory_space<vmem>>) target(%dma_start3A_491 : memref<24x1024xf32, #tpu.memory_space<hbm>>) target_semaphore(%arg28 : memref<!tpu.dma_semaphore, #tpu.memory_space<semaphore_mem>>)
    %dma_wait3A_492 = arith.constant 0 : i32
    %dma_wait3A_493 = tpu.memref_slice %arg13[%add3A_443, %dma_wait3A_492] : memref<3072x1024xf32, #tpu.memory_space<hbm>> -> memref<24x1024xf32, #tpu.memory_space<hbm>>
    %dma_wait3A_494 = arith.constant 0 : i32
    %dma_wait3A_495 = tpu.memref_slice %arg13[%add3A_443, %dma_wait3A_494] : memref<3072x1024xf32, #tpu.memory_space<hbm>> -> memref<24x1024xf32, #tpu.memory_space<hbm>>
    tpu.wait_dma2 semaphore(%arg30 : memref<!tpu.dma_semaphore, #tpu.memory_space<semaphore_mem>>) src(%arg22 : memref<24x1024xf32, #tpu.memory_space<vmem>>) dst(%dma_wait3A_495 : memref<24x1024xf32, #tpu.memory_space<hbm>>)
    %dma_start3A_496 = arith.constant 72 : i32
    %dma_start3A_497 = tpu.memref_slice %arg18[%dma_start3A_496] : memref<192xi32, #tpu.memory_space<vmem>> -> memref<24xi32, #tpu.memory_space<vmem>>
    %dma_start3A_498 = arith.constant 0 : i32
    %dma_start3A_499 = arith.constant 0 : i32
    %dma_start3A_500 = tpu.memref_slice %arg5[%dma_start3A_498, %dma_start3A_499] : memref<6144x1024xf32, #tpu.memory_space<hbm>> -> memref<6144x1024xf32, #tpu.memory_space<hbm>>
    tpu.enqueue_indirect_dma source(%dma_start3A_500 : memref<6144x1024xf32, #tpu.memory_space<hbm>>) target(%arg22 : memref<24x1024xf32, #tpu.memory_space<vmem>>) offsets(%dma_start3A_497 : memref<24xi32, #tpu.memory_space<vmem>>) semaphore(%arg26 : memref<!tpu.dma_semaphore, #tpu.memory_space<semaphore_mem>>)
    %dma_wait3A_501 = arith.constant 48 : i32
    %dma_wait3A_502 = tpu.memref_slice %arg18[%dma_wait3A_501] : memref<192xi32, #tpu.memory_space<vmem>> -> memref<24xi32, #tpu.memory_space<vmem>>
    %dma_wait3A_503 = arith.constant 0 : i32
    %dma_wait3A_504 = arith.constant 0 : i32
    %dma_wait3A_505 = tpu.memref_slice %arg5[%dma_wait3A_503, %dma_wait3A_504] : memref<6144x1024xf32, #tpu.memory_space<hbm>> -> memref<6144x1024xf32, #tpu.memory_space<hbm>>
    tpu.wait_indirect_dma semaphore(%arg25 : memref<!tpu.dma_semaphore, #tpu.memory_space<semaphore_mem>>) src(%dma_wait3A_505 : memref<6144x1024xf32, #tpu.memory_space<hbm>>) dst(%arg21 : memref<24x1024xf32, #tpu.memory_space<vmem>>)
    %mul3A_506 = arith.constant 48 : i32
    %mul3A_507 = arith.muli %add3A, %mul3A_506 : i32
    %add3A_508 = arith.constant 0 : i32
    %add3A_509 = arith.addi %mul3A_507, %add3A_508 : i32
    %dma_start3A_510 = arith.constant 0 : i32
    %dma_start3A_511 = tpu.memref_slice %arg16[%add3A_509, %dma_start3A_510] : memref<1536x1024xf32, #tpu.memory_space<hbm>> -> memref<24x1024xf32, #tpu.memory_space<hbm>>
    %dma_start3A_512 = arith.constant 0 : i32
    %dma_start3A_513 = tpu.memref_slice %arg16[%add3A_509, %dma_start3A_512] : memref<1536x1024xf32, #tpu.memory_space<hbm>> -> memref<24x1024xf32, #tpu.memory_space<hbm>>
    tpu.enqueue_dma source(%arg21 : memref<24x1024xf32, #tpu.memory_space<vmem>>) target(%dma_start3A_513 : memref<24x1024xf32, #tpu.memory_space<hbm>>) target_semaphore(%arg29 : memref<!tpu.dma_semaphore, #tpu.memory_space<semaphore_mem>>)
    %dma_wait3A_514 = arith.constant 0 : i32
    %dma_wait3A_515 = tpu.memref_slice %arg14[%add3A_465, %dma_wait3A_514] : memref<768x1024xf32, #tpu.memory_space<hbm>> -> memref<24x1024xf32, #tpu.memory_space<hbm>>
    %dma_wait3A_516 = arith.constant 0 : i32
    %dma_wait3A_517 = tpu.memref_slice %arg14[%add3A_465, %dma_wait3A_516] : memref<768x1024xf32, #tpu.memory_space<hbm>> -> memref<24x1024xf32, #tpu.memory_space<hbm>>
    tpu.wait_dma2 semaphore(%arg27 : memref<!tpu.dma_semaphore, #tpu.memory_space<semaphore_mem>>) src(%arg19 : memref<24x1024xf32, #tpu.memory_space<vmem>>) dst(%dma_wait3A_517 : memref<24x1024xf32, #tpu.memory_space<hbm>>)
    %dma_start3A_518 = arith.constant 96 : i32
    %dma_start3A_519 = tpu.memref_slice %arg18[%dma_start3A_518] : memref<192xi32, #tpu.memory_space<vmem>> -> memref<24xi32, #tpu.memory_space<vmem>>
    %dma_start3A_520 = arith.constant 0 : i32
    %dma_start3A_521 = arith.constant 0 : i32
    %dma_start3A_522 = tpu.memref_slice %arg5[%dma_start3A_520, %dma_start3A_521] : memref<6144x1024xf32, #tpu.memory_space<hbm>> -> memref<6144x1024xf32, #tpu.memory_space<hbm>>
    tpu.enqueue_indirect_dma source(%dma_start3A_522 : memref<6144x1024xf32, #tpu.memory_space<hbm>>) target(%arg19 : memref<24x1024xf32, #tpu.memory_space<vmem>>) offsets(%dma_start3A_519 : memref<24xi32, #tpu.memory_space<vmem>>) semaphore(%arg23 : memref<!tpu.dma_semaphore, #tpu.memory_space<semaphore_mem>>)
    %dma_wait3A_523 = arith.constant 72 : i32
    %dma_wait3A_524 = tpu.memref_slice %arg18[%dma_wait3A_523] : memref<192xi32, #tpu.memory_space<vmem>> -> memref<24xi32, #tpu.memory_space<vmem>>
    %dma_wait3A_525 = arith.constant 0 : i32
    %dma_wait3A_526 = arith.constant 0 : i32
    %dma_wait3A_527 = tpu.memref_slice %arg5[%dma_wait3A_525, %dma_wait3A_526] : memref<6144x1024xf32, #tpu.memory_space<hbm>> -> memref<6144x1024xf32, #tpu.memory_space<hbm>>
    tpu.wait_indirect_dma semaphore(%arg26 : memref<!tpu.dma_semaphore, #tpu.memory_space<semaphore_mem>>) src(%dma_wait3A_527 : memref<6144x1024xf32, #tpu.memory_space<hbm>>) dst(%arg22 : memref<24x1024xf32, #tpu.memory_space<vmem>>)
    %mul3A_528 = arith.constant 48 : i32
    %mul3A_529 = arith.muli %add3A, %mul3A_528 : i32
    %add3A_530 = arith.constant 24 : i32
    %add3A_531 = arith.addi %mul3A_529, %add3A_530 : i32
    %dma_start3A_532 = arith.constant 0 : i32
    %dma_start3A_533 = tpu.memref_slice %arg16[%add3A_531, %dma_start3A_532] : memref<1536x1024xf32, #tpu.memory_space<hbm>> -> memref<24x1024xf32, #tpu.memory_space<hbm>>
    %dma_start3A_534 = arith.constant 0 : i32
    %dma_start3A_535 = tpu.memref_slice %arg16[%add3A_531, %dma_start3A_534] : memref<1536x1024xf32, #tpu.memory_space<hbm>> -> memref<24x1024xf32, #tpu.memory_space<hbm>>
    tpu.enqueue_dma source(%arg22 : memref<24x1024xf32, #tpu.memory_space<vmem>>) target(%dma_start3A_535 : memref<24x1024xf32, #tpu.memory_space<hbm>>) target_semaphore(%arg30 : memref<!tpu.dma_semaphore, #tpu.memory_space<semaphore_mem>>)
    %dma_wait3A_536 = arith.constant 0 : i32
    %dma_wait3A_537 = tpu.memref_slice %arg15[%add3A_487, %dma_wait3A_536] : memref<768x1024xf32, #tpu.memory_space<hbm>> -> memref<24x1024xf32, #tpu.memory_space<hbm>>
    %dma_wait3A_538 = arith.constant 0 : i32
    %dma_wait3A_539 = tpu.memref_slice %arg15[%add3A_487, %dma_wait3A_538] : memref<768x1024xf32, #tpu.memory_space<hbm>> -> memref<24x1024xf32, #tpu.memory_space<hbm>>
    tpu.wait_dma2 semaphore(%arg28 : memref<!tpu.dma_semaphore, #tpu.memory_space<semaphore_mem>>) src(%arg20 : memref<24x1024xf32, #tpu.memory_space<vmem>>) dst(%dma_wait3A_539 : memref<24x1024xf32, #tpu.memory_space<hbm>>)
    %dma_start3A_540 = arith.constant 120 : i32
    %dma_start3A_541 = tpu.memref_slice %arg18[%dma_start3A_540] : memref<192xi32, #tpu.memory_space<vmem>> -> memref<24xi32, #tpu.memory_space<vmem>>
    %dma_start3A_542 = arith.constant 0 : i32
    %dma_start3A_543 = arith.constant 0 : i32
    %dma_start3A_544 = tpu.memref_slice %arg5[%dma_start3A_542, %dma_start3A_543] : memref<6144x1024xf32, #tpu.memory_space<hbm>> -> memref<6144x1024xf32, #tpu.memory_space<hbm>>
    tpu.enqueue_indirect_dma source(%dma_start3A_544 : memref<6144x1024xf32, #tpu.memory_space<hbm>>) target(%arg20 : memref<24x1024xf32, #tpu.memory_space<vmem>>) offsets(%dma_start3A_541 : memref<24xi32, #tpu.memory_space<vmem>>) semaphore(%arg24 : memref<!tpu.dma_semaphore, #tpu.memory_space<semaphore_mem>>)
    %dma_wait3A_545 = arith.constant 96 : i32
    %dma_wait3A_546 = tpu.memref_slice %arg18[%dma_wait3A_545] : memref<192xi32, #tpu.memory_space<vmem>> -> memref<24xi32, #tpu.memory_space<vmem>>
    %dma_wait3A_547 = arith.constant 0 : i32
    %dma_wait3A_548 = arith.constant 0 : i32
    %dma_wait3A_549 = tpu.memref_slice %arg5[%dma_wait3A_547, %dma_wait3A_548] : memref<6144x1024xf32, #tpu.memory_space<hbm>> -> memref<6144x1024xf32, #tpu.memory_space<hbm>>
    tpu.wait_indirect_dma semaphore(%arg23 : memref<!tpu.dma_semaphore, #tpu.memory_space<semaphore_mem>>) src(%dma_wait3A_549 : memref<6144x1024xf32, #tpu.memory_space<hbm>>) dst(%arg19 : memref<24x1024xf32, #tpu.memory_space<vmem>>)
    %mul3A_550 = arith.constant 96 : i32
    %mul3A_551 = arith.muli %add3A, %mul3A_550 : i32
    %add3A_552 = arith.constant 0 : i32
    %add3A_553 = arith.addi %mul3A_551, %add3A_552 : i32
    %dma_start3A_554 = arith.constant 0 : i32
    %dma_start3A_555 = tpu.memref_slice %arg17[%add3A_553, %dma_start3A_554] : memref<3072x1024xf32, #tpu.memory_space<hbm>> -> memref<24x1024xf32, #tpu.memory_space<hbm>>
    %dma_start3A_556 = arith.constant 0 : i32
    %dma_start3A_557 = tpu.memref_slice %arg17[%add3A_553, %dma_start3A_556] : memref<3072x1024xf32, #tpu.memory_space<hbm>> -> memref<24x1024xf32, #tpu.memory_space<hbm>>
    tpu.enqueue_dma source(%arg19 : memref<24x1024xf32, #tpu.memory_space<vmem>>) target(%dma_start3A_557 : memref<24x1024xf32, #tpu.memory_space<hbm>>) target_semaphore(%arg27 : memref<!tpu.dma_semaphore, #tpu.memory_space<semaphore_mem>>)
    %dma_wait3A_558 = arith.constant 0 : i32
    %dma_wait3A_559 = tpu.memref_slice %arg16[%add3A_509, %dma_wait3A_558] : memref<1536x1024xf32, #tpu.memory_space<hbm>> -> memref<24x1024xf32, #tpu.memory_space<hbm>>
    %dma_wait3A_560 = arith.constant 0 : i32
    %dma_wait3A_561 = tpu.memref_slice %arg16[%add3A_509, %dma_wait3A_560] : memref<1536x1024xf32, #tpu.memory_space<hbm>> -> memref<24x1024xf32, #tpu.memory_space<hbm>>
    tpu.wait_dma2 semaphore(%arg29 : memref<!tpu.dma_semaphore, #tpu.memory_space<semaphore_mem>>) src(%arg21 : memref<24x1024xf32, #tpu.memory_space<vmem>>) dst(%dma_wait3A_561 : memref<24x1024xf32, #tpu.memory_space<hbm>>)
    %dma_start3A_562 = arith.constant 144 : i32
    %dma_start3A_563 = tpu.memref_slice %arg18[%dma_start3A_562] : memref<192xi32, #tpu.memory_space<vmem>> -> memref<24xi32, #tpu.memory_space<vmem>>
    %dma_start3A_564 = arith.constant 0 : i32
    %dma_start3A_565 = arith.constant 0 : i32
    %dma_start3A_566 = tpu.memref_slice %arg5[%dma_start3A_564, %dma_start3A_565] : memref<6144x1024xf32, #tpu.memory_space<hbm>> -> memref<6144x1024xf32, #tpu.memory_space<hbm>>
    tpu.enqueue_indirect_dma source(%dma_start3A_566 : memref<6144x1024xf32, #tpu.memory_space<hbm>>) target(%arg21 : memref<24x1024xf32, #tpu.memory_space<vmem>>) offsets(%dma_start3A_563 : memref<24xi32, #tpu.memory_space<vmem>>) semaphore(%arg25 : memref<!tpu.dma_semaphore, #tpu.memory_space<semaphore_mem>>)
    %dma_wait3A_567 = arith.constant 120 : i32
    %dma_wait3A_568 = tpu.memref_slice %arg18[%dma_wait3A_567] : memref<192xi32, #tpu.memory_space<vmem>> -> memref<24xi32, #tpu.memory_space<vmem>>
    %dma_wait3A_569 = arith.constant 0 : i32
    %dma_wait3A_570 = arith.constant 0 : i32
    %dma_wait3A_571 = tpu.memref_slice %arg5[%dma_wait3A_569, %dma_wait3A_570] : memref<6144x1024xf32, #tpu.memory_space<hbm>> -> memref<6144x1024xf32, #tpu.memory_space<hbm>>
    tpu.wait_indirect_dma semaphore(%arg24 : memref<!tpu.dma_semaphore, #tpu.memory_space<semaphore_mem>>) src(%dma_wait3A_571 : memref<6144x1024xf32, #tpu.memory_space<hbm>>) dst(%arg20 : memref<24x1024xf32, #tpu.memory_space<vmem>>)
    %mul3A_572 = arith.constant 96 : i32
    %mul3A_573 = arith.muli %add3A, %mul3A_572 : i32
    %add3A_574 = arith.constant 24 : i32
    %add3A_575 = arith.addi %mul3A_573, %add3A_574 : i32
    %dma_start3A_576 = arith.constant 0 : i32
    %dma_start3A_577 = tpu.memref_slice %arg17[%add3A_575, %dma_start3A_576] : memref<3072x1024xf32, #tpu.memory_space<hbm>> -> memref<24x1024xf32, #tpu.memory_space<hbm>>
    %dma_start3A_578 = arith.constant 0 : i32
    %dma_start3A_579 = tpu.memref_slice %arg17[%add3A_575, %dma_start3A_578] : memref<3072x1024xf32, #tpu.memory_space<hbm>> -> memref<24x1024xf32, #tpu.memory_space<hbm>>
    tpu.enqueue_dma source(%arg20 : memref<24x1024xf32, #tpu.memory_space<vmem>>) target(%dma_start3A_579 : memref<24x1024xf32, #tpu.memory_space<hbm>>) target_semaphore(%arg28 : memref<!tpu.dma_semaphore, #tpu.memory_space<semaphore_mem>>)
    %dma_wait3A_580 = arith.constant 0 : i32
    %dma_wait3A_581 = tpu.memref_slice %arg16[%add3A_531, %dma_wait3A_580] : memref<1536x1024xf32, #tpu.memory_space<hbm>> -> memref<24x1024xf32, #tpu.memory_space<hbm>>
    %dma_wait3A_582 = arith.constant 0 : i32
    %dma_wait3A_583 = tpu.memref_slice %arg16[%add3A_531, %dma_wait3A_582] : memref<1536x1024xf32, #tpu.memory_space<hbm>> -> memref<24x1024xf32, #tpu.memory_space<hbm>>
    tpu.wait_dma2 semaphore(%arg30 : memref<!tpu.dma_semaphore, #tpu.memory_space<semaphore_mem>>) src(%arg22 : memref<24x1024xf32, #tpu.memory_space<vmem>>) dst(%dma_wait3A_583 : memref<24x1024xf32, #tpu.memory_space<hbm>>)
    %dma_start3A_584 = arith.constant 168 : i32
    %dma_start3A_585 = tpu.memref_slice %arg18[%dma_start3A_584] : memref<192xi32, #tpu.memory_space<vmem>> -> memref<24xi32, #tpu.memory_space<vmem>>
    %dma_start3A_586 = arith.constant 0 : i32
    %dma_start3A_587 = arith.constant 0 : i32
    %dma_start3A_588 = tpu.memref_slice %arg5[%dma_start3A_586, %dma_start3A_587] : memref<6144x1024xf32, #tpu.memory_space<hbm>> -> memref<6144x1024xf32, #tpu.memory_space<hbm>>
    tpu.enqueue_indirect_dma source(%dma_start3A_588 : memref<6144x1024xf32, #tpu.memory_space<hbm>>) target(%arg22 : memref<24x1024xf32, #tpu.memory_space<vmem>>) offsets(%dma_start3A_585 : memref<24xi32, #tpu.memory_space<vmem>>) semaphore(%arg26 : memref<!tpu.dma_semaphore, #tpu.memory_space<semaphore_mem>>)
    %dma_wait3A_589 = arith.constant 144 : i32
    %dma_wait3A_590 = tpu.memref_slice %arg18[%dma_wait3A_589] : memref<192xi32, #tpu.memory_space<vmem>> -> memref<24xi32, #tpu.memory_space<vmem>>
    %dma_wait3A_591 = arith.constant 0 : i32
    %dma_wait3A_592 = arith.constant 0 : i32
    %dma_wait3A_593 = tpu.memref_slice %arg5[%dma_wait3A_591, %dma_wait3A_592] : memref<6144x1024xf32, #tpu.memory_space<hbm>> -> memref<6144x1024xf32, #tpu.memory_space<hbm>>
    tpu.wait_indirect_dma semaphore(%arg25 : memref<!tpu.dma_semaphore, #tpu.memory_space<semaphore_mem>>) src(%dma_wait3A_593 : memref<6144x1024xf32, #tpu.memory_space<hbm>>) dst(%arg21 : memref<24x1024xf32, #tpu.memory_space<vmem>>)
    %mul3A_594 = arith.constant 96 : i32
    %mul3A_595 = arith.muli %add3A, %mul3A_594 : i32
    %add3A_596 = arith.constant 48 : i32
    %add3A_597 = arith.addi %mul3A_595, %add3A_596 : i32
    %dma_start3A_598 = arith.constant 0 : i32
    %dma_start3A_599 = tpu.memref_slice %arg17[%add3A_597, %dma_start3A_598] : memref<3072x1024xf32, #tpu.memory_space<hbm>> -> memref<24x1024xf32, #tpu.memory_space<hbm>>
    %dma_start3A_600 = arith.constant 0 : i32
    %dma_start3A_601 = tpu.memref_slice %arg17[%add3A_597, %dma_start3A_600] : memref<3072x1024xf32, #tpu.memory_space<hbm>> -> memref<24x1024xf32, #tpu.memory_space<hbm>>
    tpu.enqueue_dma source(%arg21 : memref<24x1024xf32, #tpu.memory_space<vmem>>) target(%dma_start3A_601 : memref<24x1024xf32, #tpu.memory_space<hbm>>) target_semaphore(%arg29 : memref<!tpu.dma_semaphore, #tpu.memory_space<semaphore_mem>>)
    %dma_wait3A_602 = arith.constant 168 : i32
    %dma_wait3A_603 = tpu.memref_slice %arg18[%dma_wait3A_602] : memref<192xi32, #tpu.memory_space<vmem>> -> memref<24xi32, #tpu.memory_space<vmem>>
    %dma_wait3A_604 = arith.constant 0 : i32
    %dma_wait3A_605 = arith.constant 0 : i32
    %dma_wait3A_606 = tpu.memref_slice %arg5[%dma_wait3A_604, %dma_wait3A_605] : memref<6144x1024xf32, #tpu.memory_space<hbm>> -> memref<6144x1024xf32, #tpu.memory_space<hbm>>
    tpu.wait_indirect_dma semaphore(%arg26 : memref<!tpu.dma_semaphore, #tpu.memory_space<semaphore_mem>>) src(%dma_wait3A_606 : memref<6144x1024xf32, #tpu.memory_space<hbm>>) dst(%arg22 : memref<24x1024xf32, #tpu.memory_space<vmem>>)
    %mul3A_607 = arith.constant 96 : i32
    %mul3A_608 = arith.muli %add3A, %mul3A_607 : i32
    %add3A_609 = arith.constant 72 : i32
    %add3A_610 = arith.addi %mul3A_608, %add3A_609 : i32
    %dma_start3A_611 = arith.constant 0 : i32
    %dma_start3A_612 = tpu.memref_slice %arg17[%add3A_610, %dma_start3A_611] : memref<3072x1024xf32, #tpu.memory_space<hbm>> -> memref<24x1024xf32, #tpu.memory_space<hbm>>
    %dma_start3A_613 = arith.constant 0 : i32
    %dma_start3A_614 = tpu.memref_slice %arg17[%add3A_610, %dma_start3A_613] : memref<3072x1024xf32, #tpu.memory_space<hbm>> -> memref<24x1024xf32, #tpu.memory_space<hbm>>
    tpu.enqueue_dma source(%arg22 : memref<24x1024xf32, #tpu.memory_space<vmem>>) target(%dma_start3A_614 : memref<24x1024xf32, #tpu.memory_space<hbm>>) target_semaphore(%arg30 : memref<!tpu.dma_semaphore, #tpu.memory_space<semaphore_mem>>)
    %dma_wait3A_615 = arith.constant 0 : i32
    %dma_wait3A_616 = tpu.memref_slice %arg17[%add3A_553, %dma_wait3A_615] : memref<3072x1024xf32, #tpu.memory_space<hbm>> -> memref<24x1024xf32, #tpu.memory_space<hbm>>
    %dma_wait3A_617 = arith.constant 0 : i32
    %dma_wait3A_618 = tpu.memref_slice %arg17[%add3A_553, %dma_wait3A_617] : memref<3072x1024xf32, #tpu.memory_space<hbm>> -> memref<24x1024xf32, #tpu.memory_space<hbm>>
    tpu.wait_dma2 semaphore(%arg27 : memref<!tpu.dma_semaphore, #tpu.memory_space<semaphore_mem>>) src(%arg19 : memref<24x1024xf32, #tpu.memory_space<vmem>>) dst(%dma_wait3A_618 : memref<24x1024xf32, #tpu.memory_space<hbm>>)
    %dma_wait3A_619 = arith.constant 0 : i32
    %dma_wait3A_620 = tpu.memref_slice %arg17[%add3A_575, %dma_wait3A_619] : memref<3072x1024xf32, #tpu.memory_space<hbm>> -> memref<24x1024xf32, #tpu.memory_space<hbm>>
    %dma_wait3A_621 = arith.constant 0 : i32
    %dma_wait3A_622 = tpu.memref_slice %arg17[%add3A_575, %dma_wait3A_621] : memref<3072x1024xf32, #tpu.memory_space<hbm>> -> memref<24x1024xf32, #tpu.memory_space<hbm>>
    tpu.wait_dma2 semaphore(%arg28 : memref<!tpu.dma_semaphore, #tpu.memory_space<semaphore_mem>>) src(%arg20 : memref<24x1024xf32, #tpu.memory_space<vmem>>) dst(%dma_wait3A_622 : memref<24x1024xf32, #tpu.memory_space<hbm>>)
    %dma_wait3A_623 = arith.constant 0 : i32
    %dma_wait3A_624 = tpu.memref_slice %arg17[%add3A_597, %dma_wait3A_623] : memref<3072x1024xf32, #tpu.memory_space<hbm>> -> memref<24x1024xf32, #tpu.memory_space<hbm>>
    %dma_wait3A_625 = arith.constant 0 : i32
    %dma_wait3A_626 = tpu.memref_slice %arg17[%add3A_597, %dma_wait3A_625] : memref<3072x1024xf32, #tpu.memory_space<hbm>> -> memref<24x1024xf32, #tpu.memory_space<hbm>>
    tpu.wait_dma2 semaphore(%arg29 : memref<!tpu.dma_semaphore, #tpu.memory_space<semaphore_mem>>) src(%arg21 : memref<24x1024xf32, #tpu.memory_space<vmem>>) dst(%dma_wait3A_626 : memref<24x1024xf32, #tpu.memory_space<hbm>>)
    %dma_wait3A_627 = arith.constant 0 : i32
    %dma_wait3A_628 = tpu.memref_slice %arg17[%add3A_610, %dma_wait3A_627] : memref<3072x1024xf32, #tpu.memory_space<hbm>> -> memref<24x1024xf32, #tpu.memory_space<hbm>>
    %dma_wait3A_629 = arith.constant 0 : i32
    %dma_wait3A_630 = tpu.memref_slice %arg17[%add3A_610, %dma_wait3A_629] : memref<3072x1024xf32, #tpu.memory_space<hbm>> -> memref<24x1024xf32, #tpu.memory_space<hbm>>
    tpu.wait_dma2 semaphore(%arg30 : memref<!tpu.dma_semaphore, #tpu.memory_space<semaphore_mem>>) src(%arg22 : memref<24x1024xf32, #tpu.memory_space<vmem>>) dst(%dma_wait3A_630 : memref<24x1024xf32, #tpu.memory_space<hbm>>)
    return
  }
}

module attributes {stable_mosaic.version = 14 : i64} {
  func.func @_stats_body(%arg0: i32, %arg1: memref<8x128x1024xf32, #tpu.memory_space<vmem>>, %arg2: memref<8x768xi32, #tpu.memory_space<vmem>>, %arg3: memref<768x1024xf32, #tpu.memory_space<vmem>>, %arg4: memref<768x768xf32, #tpu.memory_space<vmem>>, %arg5: memref<768x1xf32, #tpu.memory_space<vmem>>, %arg6: memref<1x768xf32, #tpu.memory_space<vmem>>, %arg7: memref<768x1xf32, #tpu.memory_space<vmem>>, %arg8: memref<1x768xf32, #tpu.memory_space<vmem>>, %arg9: memref<1x768xi32, #tpu.memory_space<vmem>>) attributes {dimension_semantics = [#tpu.dimension_semantics<arbitrary>], iteration_bounds = array<i64: 43>, scalar_prefetch = 0 : i64, scratch_operands = 7 : i64, tpu.core_type = #tpu.core_type<tc>, window_params = [{transform_indices = @transform_0, window_bounds = array<i64: 8, 128, 1024>}, {pipeline_mode = #tpu.pipeline_mode<synchronous>, transform_indices = @transform_1, window_bounds = array<i64: 8, 768>}]} {
    %jit3A = arith.constant 6 : i32
    %div3A = arith.divsi %arg0, %jit3A : i32
    %sign3A = arith.constant 0 : i32
    %sign3A_0 = arith.cmpi sgt, %arg0, %sign3A : i32
    %sign3A_1 = arith.extui %sign3A_0 : i1 to i32
    %sign3A_2 = arith.constant 0 : i32
    %sign3A_3 = arith.cmpi slt, %arg0, %sign3A_2 : i32
    %sign3A_4 = arith.extui %sign3A_3 : i1 to i32
    %sign3A_5 = arith.subi %sign3A_1, %sign3A_4 : i32
    %sign3A_6 = arith.constant 0 : i32
    %sign3A_7 = arith.cmpi sgt, %jit3A, %sign3A_6 : i32
    %sign3A_8 = arith.extui %sign3A_7 : i1 to i32
    %sign3A_9 = arith.constant 0 : i32
    %sign3A_10 = arith.cmpi slt, %jit3A, %sign3A_9 : i32
    %sign3A_11 = arith.extui %sign3A_10 : i1 to i32
    %sign3A_12 = arith.subi %sign3A_8, %sign3A_11 : i32
    %ne3A = arith.cmpi ne, %sign3A_5, %sign3A_12 : i32
    %rem3A = arith.remsi %arg0, %jit3A : i32
    %ne3A_13 = arith.constant 0 : i32
    %ne3A_14 = arith.cmpi ne, %rem3A, %ne3A_13 : i32
    %and3A = arith.andi %ne3A, %ne3A_14 : i1
    %sub3A = arith.constant 1 : i32
    %sub3A_15 = arith.subi %div3A, %sub3A : i32
    %select_n3A = arith.select %and3A, %sub3A_15, %div3A : i32
    %min3A = arith.constant 3 : i32
    %min3A_16 = arith.minsi %select_n3A, %min3A : i32
    %jit3A_17 = arith.constant 6 : i32
    %eq3A = arith.constant 0 : i32
    %eq3A_18 = arith.cmpi eq, %jit3A_17, %eq3A : i32
    %jit3A_19 = arith.constant 1 : i32
    %select_n3A_20 = arith.select %eq3A_18, %jit3A_19, %jit3A_17 : i32
    %rem3A_21 = arith.remsi %arg0, %select_n3A_20 : i32
    %ne3A_22 = arith.constant 0 : i32
    %ne3A_23 = arith.cmpi ne, %rem3A_21, %ne3A_22 : i32
    %lt3A = arith.constant 0 : i32
    %lt3A_24 = arith.cmpi slt, %rem3A_21, %lt3A : i32
    %lt3A_25 = arith.constant 0 : i32
    %lt3A_26 = arith.cmpi slt, %select_n3A_20, %lt3A_25 : i32
    %ne3A_27 = arith.xori %lt3A_24, %lt3A_26 : i1
    %and3A_28 = arith.andi %ne3A_27, %ne3A_23 : i1
    %add3A = arith.addi %rem3A_21, %select_n3A_20 : i32
    %select_n3A_29 = arith.select %and3A_28, %add3A, %rem3A_21 : i32
    %mul3A = arith.constant 128 : i32
    %mul3A_30 = arith.muli %select_n3A_29, %mul3A : i32
    %eq3A_31 = arith.constant 0 : i32
    %eq3A_32 = arith.cmpi eq, %min3A_16, %eq3A_31 : i32
    %convert_element_type3A = arith.extui %eq3A_32 : i1 to i32
    %cond3A = arith.constant 0 : i32
    %cond3A_33 = arith.cmpi ne, %convert_element_type3A, %cond3A : i32
    scf.if %cond3A_33 {
      %get3A = arith.constant 0 : index
      %get3A_57 = arith.constant 0 : index
      %get3A_58 = arith.constant 0 : index
      %get3A_59 = vector.load %arg1[%get3A, %get3A_57, %get3A_58] : memref<8x128x1024xf32, #tpu.memory_space<vmem>>, vector<8x128x1024xf32>
      %reduce_sum3A = arith.constant dense<0.000000e+00> : vector<128x1024xf32>
      %reduce_sum3A_60 = vector.multi_reduction <add>, %get3A_59, %reduce_sum3A [0] : vector<8x128x1024xf32> to vector<128x1024xf32>
      %div3A_61 = arith.constant 8.000000e+00 : f32
      %div3A_62 = vector.broadcast %div3A_61 : f32 to vector<128x1024xf32>
      %div3A_63 = arith.divf %reduce_sum3A_60, %div3A_62 : vector<128x1024xf32>
      %reduce_sum3A_64 = arith.constant dense<0.000000e+00> : vector<128xf32>
      %reduce_sum3A_65 = vector.multi_reduction <add>, %div3A_63, %reduce_sum3A_64 [1] : vector<128x1024xf32> to vector<128xf32>
      %broadcast_in_dim3A = vector.shape_cast %reduce_sum3A_65 : vector<128xf32> to vector<128x1xf32>
      %div3A_66 = arith.constant 1.024000e+03 : f32
      %div3A_67 = vector.broadcast %div3A_66 : f32 to vector<128x1xf32>
      %div3A_68 = arith.divf %broadcast_in_dim3A, %div3A_67 : vector<128x1xf32>
      %sub3A_69 = vector.broadcast %div3A_68 : vector<128x1xf32> to vector<128x1024xf32>
      %sub3A_70 = arith.subf %div3A_63, %sub3A_69 : vector<128x1024xf32>
      %swap3A = arith.index_cast %mul3A_30 : i32 to index
      %swap3A_71 = arith.constant 0 : index
      %swap3A_72 = vector.load %arg3[%swap3A, %swap3A_71] : memref<768x1024xf32, #tpu.memory_space<vmem>>, vector<128x1024xf32>
      tpu.vector_store %arg3[%swap3A, %swap3A_71], %sub3A_70 {strides = array<i32>} : memref<768x1024xf32, #tpu.memory_space<vmem>>, vector<128x1024xf32>,
    } else {
    }
    %eq3A_34 = arith.constant 1 : i32
    %eq3A_35 = arith.cmpi eq, %min3A_16, %eq3A_34 : i32
    %convert_element_type3A_36 = arith.extui %eq3A_35 : i1 to i32
    %cond3A_37 = arith.constant 0 : i32
    %cond3A_38 = arith.cmpi ne, %convert_element_type3A_36, %cond3A_37 : i32
    scf.if %cond3A_38 {
      %get3A = arith.index_cast %mul3A_30 : i32 to index
      %get3A_57 = arith.constant 0 : index
      %get3A_58 = vector.load %arg3[%get3A, %get3A_57] : memref<768x1024xf32, #tpu.memory_space<vmem>>, vector<128x1024xf32>
      %get3A_59 = arith.constant 0 : index
      %get3A_60 = arith.constant 0 : index
      %get3A_61 = vector.load %arg3[%get3A_59, %get3A_60] : memref<768x1024xf32, #tpu.memory_space<vmem>>, vector<768x1024xf32>
      %dot_general3A = arith.constant dense<0.000000e+00> : vector<128x768xf32>
      %dot_general3A_62 = tpu.matmul %get3A_58, %get3A_61, %dot_general3A {dimension_numbers = #tpu.dot_dimension_numbers<[1], [1], [0], [0], [0, 0, 1, 0], [], []>, transpose_lhs_hint = false} : vector<128x1024xf32>, vector<768x1024xf32>, vector<128x768xf32> -> vector<128x768xf32>
      %div3A_63 = arith.constant 1.023000e+03 : f32
      %div3A_64 = vector.broadcast %div3A_63 : f32 to vector<128x768xf32>
      %div3A_65 = arith.divf %dot_general3A_62, %div3A_64 : vector<128x768xf32>
      %swap3A = arith.index_cast %mul3A_30 : i32 to index
      %swap3A_66 = arith.constant 0 : index
      %swap3A_67 = vector.load %arg4[%swap3A, %swap3A_66] : memref<768x768xf32, #tpu.memory_space<vmem>>, vector<128x768xf32>
      tpu.vector_store %arg4[%swap3A, %swap3A_66], %div3A_65 {strides = array<i32>} : memref<768x768xf32, #tpu.memory_space<vmem>>, vector<128x768xf32>,
      %iota3A = tpu.iota {dimensions = array<i32: 0>} : vector<128x768xi32>
      %add3A_68 = vector.broadcast %mul3A_30 : i32 to vector<128x768xi32>
      %add3A_69 = arith.addi %add3A_68, %iota3A : vector<128x768xi32>
      %iota3A_70 = tpu.iota {dimensions = array<i32: 1>} : vector<128x768xi32>
      %eq3A_71 = arith.cmpi eq, %add3A_69, %iota3A_70 : vector<128x768xi32>
      %jit3A_72 = arith.constant 0.000000e+00 : f32
      %broadcast_in_dim3A = vector.broadcast %jit3A_72 : f32 to vector<128x768xf32>
      %select_n3A_73 = arith.select %eq3A_71, %div3A_65, %broadcast_in_dim3A : vector<128x768xi1>, vector<128x768xf32>
      %reduce_sum3A = arith.constant dense<0.000000e+00> : vector<128xf32>
      %reduce_sum3A_74 = vector.multi_reduction <add>, %select_n3A_73, %reduce_sum3A [1] : vector<128x768xf32> to vector<128xf32>
      %broadcast_in_dim3A_75 = vector.shape_cast %reduce_sum3A_74 : vector<128xf32> to vector<128x1xf32>
      %swap3A_76 = arith.index_cast %mul3A_30 : i32 to index
      %swap3A_77 = arith.constant 0 : index
      %swap3A_78 = vector.load %arg5[%swap3A_76, %swap3A_77] : memref<768x1xf32, #tpu.memory_space<vmem>>, vector<128x1xf32>
      tpu.vector_store %arg5[%swap3A_76, %swap3A_77], %broadcast_in_dim3A_75 {strides = array<i32>} : memref<768x1xf32, #tpu.memory_space<vmem>>, vector<128x1xf32>,
      %reduce_sum3A_79 = arith.constant dense<0.000000e+00> : vector<768xf32>
      %reduce_sum3A_80 = vector.multi_reduction <add>, %select_n3A_73, %reduce_sum3A_79 [0] : vector<128x768xf32> to vector<768xf32>
      %broadcast_in_dim3A_81 = vector.shape_cast %reduce_sum3A_80 : vector<768xf32> to vector<1x768xf32>
      %eq3A_82 = arith.constant 0 : i32
      %eq3A_83 = arith.cmpi eq, %select_n3A_29, %eq3A_82 : i32
      %broadcast_in_dim3A_84 = arith.constant 0.000000e+00 : f32
      %broadcast_in_dim3A_85 = vector.broadcast %broadcast_in_dim3A_84 : f32 to vector<1x768xf32>
      %get3A_86 = arith.constant 0 : index
      %get3A_87 = arith.constant 0 : index
      %get3A_88 = vector.load %arg6[%get3A_86, %get3A_87] : memref<1x768xf32, #tpu.memory_space<vmem>>, vector<1x768xf32>
      %select_n3A_89 = arith.select %eq3A_83, %broadcast_in_dim3A_85, %get3A_88 : vector<1x768xf32>
      %add3A_90 = arith.addf %select_n3A_89, %broadcast_in_dim3A_81 : vector<1x768xf32>
      %swap3A_91 = arith.constant 0 : index
      %swap3A_92 = arith.constant 0 : index
      %swap3A_93 = vector.load %arg6[%swap3A_91, %swap3A_92] : memref<1x768xf32, #tpu.memory_space<vmem>>, vector<1x768xf32>
      tpu.vector_store %arg6[%swap3A_91, %swap3A_92], %add3A_90 {strides = array<i32>} : memref<1x768xf32, #tpu.memory_space<vmem>>, vector<1x768xf32>,
    } else {
    }
    %eq3A_39 = arith.constant 2 : i32
    %eq3A_40 = arith.cmpi eq, %min3A_16, %eq3A_39 : i32
    %convert_element_type3A_41 = arith.extui %eq3A_40 : i1 to i32
    %cond3A_42 = arith.constant 0 : i32
    %cond3A_43 = arith.cmpi ne, %convert_element_type3A_41, %cond3A_42 : i32
    scf.if %cond3A_43 {
      %get3A = arith.index_cast %mul3A_30 : i32 to index
      %get3A_57 = arith.constant 0 : index
      %get3A_58 = vector.load %arg4[%get3A, %get3A_57] : memref<768x768xf32, #tpu.memory_space<vmem>>, vector<128x768xf32>
      %get3A_59 = arith.index_cast %mul3A_30 : i32 to index
      %get3A_60 = arith.constant 0 : index
      %get3A_61 = vector.load %arg5[%get3A_59, %get3A_60] : memref<768x1xf32, #tpu.memory_space<vmem>>, vector<128x1xf32>
      %sqrt3A = math.sqrt %get3A_61 : vector<128x1xf32>
      %get3A_62 = arith.constant 0 : index
      %get3A_63 = arith.constant 0 : index
      %get3A_64 = vector.load %arg6[%get3A_62, %get3A_63] : memref<1x768xf32, #tpu.memory_space<vmem>>, vector<1x768xf32>
      %sqrt3A_65 = math.sqrt %get3A_64 : vector<1x768xf32>
      %mul3A_66 = vector.broadcast %sqrt3A : vector<128x1xf32> to vector<128x768xf32>
      %mul3A_67 = vector.broadcast %sqrt3A_65 : vector<1x768xf32> to vector<128x768xf32>
      %mul3A_68 = arith.mulf %mul3A_66, %mul3A_67 : vector<128x768xf32>
      %div3A_69 = arith.divf %get3A_58, %mul3A_68 : vector<128x768xf32>
      %reduce_sum3A = arith.constant dense<0.000000e+00> : vector<128xf32>
      %reduce_sum3A_70 = vector.multi_reduction <add>, %div3A_69, %reduce_sum3A [1] : vector<128x768xf32> to vector<128xf32>
      %broadcast_in_dim3A = vector.shape_cast %reduce_sum3A_70 : vector<128xf32> to vector<128x1xf32>
      %div3A_71 = arith.constant 7.680000e+02 : f32
      %div3A_72 = vector.broadcast %div3A_71 : f32 to vector<128x1xf32>
      %div3A_73 = arith.divf %broadcast_in_dim3A, %div3A_72 : vector<128x1xf32>
      %swap3A = arith.index_cast %mul3A_30 : i32 to index
      %swap3A_74 = arith.constant 0 : index
      %swap3A_75 = vector.load %arg7[%swap3A, %swap3A_74] : memref<768x1xf32, #tpu.memory_space<vmem>>, vector<128x1xf32>
      tpu.vector_store %arg7[%swap3A, %swap3A_74], %div3A_73 {strides = array<i32>} : memref<768x1xf32, #tpu.memory_space<vmem>>, vector<128x1xf32>,
      %iota3A = tpu.iota {dimensions = array<i32: 0>} : vector<128x768xi32>
      %add3A_76 = vector.broadcast %mul3A_30 : i32 to vector<128x768xi32>
      %add3A_77 = arith.addi %add3A_76, %iota3A : vector<128x768xi32>
      %iota3A_78 = tpu.iota {dimensions = array<i32: 1>} : vector<128x768xi32>
      %eq3A_79 = arith.cmpi eq, %add3A_77, %iota3A_78 : vector<128x768xi32>
      %jit3A_80 = arith.constant 0.000000e+00 : f32
      %broadcast_in_dim3A_81 = vector.shape_cast %div3A_73 : vector<128x1xf32> to vector<128x1xf32>
      %broadcast_in_dim3A_82 = vector.broadcast %broadcast_in_dim3A_81 : vector<128x1xf32> to vector<128x768xf32>
      %broadcast_in_dim3A_83 = vector.broadcast %jit3A_80 : f32 to vector<128x768xf32>
      %select_n3A_84 = arith.select %eq3A_79, %broadcast_in_dim3A_82, %broadcast_in_dim3A_83 : vector<128x768xi1>, vector<128x768xf32>
      %reduce_sum3A_85 = arith.constant dense<0.000000e+00> : vector<768xf32>
      %reduce_sum3A_86 = vector.multi_reduction <add>, %select_n3A_84, %reduce_sum3A_85 [0] : vector<128x768xf32> to vector<768xf32>
      %broadcast_in_dim3A_87 = vector.shape_cast %reduce_sum3A_86 : vector<768xf32> to vector<1x768xf32>
      %eq3A_88 = arith.constant 0 : i32
      %eq3A_89 = arith.cmpi eq, %select_n3A_29, %eq3A_88 : i32
      %broadcast_in_dim3A_90 = arith.constant 0.000000e+00 : f32
      %broadcast_in_dim3A_91 = vector.broadcast %broadcast_in_dim3A_90 : f32 to vector<1x768xf32>
      %get3A_92 = arith.constant 0 : index
      %get3A_93 = arith.constant 0 : index
      %get3A_94 = vector.load %arg8[%get3A_92, %get3A_93] : memref<1x768xf32, #tpu.memory_space<vmem>>, vector<1x768xf32>
      %select_n3A_95 = arith.select %eq3A_89, %broadcast_in_dim3A_91, %get3A_94 : vector<1x768xf32>
      %add3A_96 = arith.addf %select_n3A_95, %broadcast_in_dim3A_87 : vector<1x768xf32>
      %swap3A_97 = arith.constant 0 : index
      %swap3A_98 = arith.constant 0 : index
      %swap3A_99 = vector.load %arg8[%swap3A_97, %swap3A_98] : memref<1x768xf32, #tpu.memory_space<vmem>>, vector<1x768xf32>
      tpu.vector_store %arg8[%swap3A_97, %swap3A_98], %add3A_96 {strides = array<i32>} : memref<1x768xf32, #tpu.memory_space<vmem>>, vector<1x768xf32>,
    } else {
    }
    %eq3A_44 = arith.constant 3 : i32
    %eq3A_45 = arith.cmpi eq, %min3A_16, %eq3A_44 : i32
    %lt3A_46 = arith.constant 42 : i32
    %lt3A_47 = arith.cmpi slt, %arg0, %lt3A_46 : i32
    %and3A_48 = arith.andi %eq3A_45, %lt3A_47 : i1
    %convert_element_type3A_49 = arith.extui %and3A_48 : i1 to i32
    %cond3A_50 = arith.constant 0 : i32
    %cond3A_51 = arith.cmpi ne, %convert_element_type3A_49, %cond3A_50 : i32
    scf.if %cond3A_51 {
      %sub3A_57 = arith.constant 18 : i32
      %sub3A_58 = arith.subi %arg0, %sub3A_57 : i32
      %mul3A_59 = arith.constant 32 : i32
      %mul3A_60 = arith.muli %sub3A_58, %mul3A_59 : i32
      %get3A = arith.constant 0 : index
      %get3A_61 = arith.constant 0 : index
      %get3A_62 = vector.load %arg8[%get3A, %get3A_61] : memref<1x768xf32, #tpu.memory_space<vmem>>, vector<1x768xf32>
      %get3A_63 = arith.index_cast %mul3A_60 : i32 to index
      %get3A_64 = arith.constant 0 : index
      %get3A_65 = vector.load %arg7[%get3A_63, %get3A_64] : memref<768x1xf32, #tpu.memory_space<vmem>>, vector<32x1xf32>
      %iota3A = tpu.iota {dimensions = array<i32: 0>} : vector<32x768xi32>
      %add3A_66 = vector.broadcast %mul3A_60 : i32 to vector<32x768xi32>
      %add3A_67 = arith.addi %add3A_66, %iota3A : vector<32x768xi32>
      %iota3A_68 = tpu.iota {dimensions = array<i32: 1>} : vector<32x768xi32>
      %gt3A = vector.broadcast %get3A_62 : vector<1x768xf32> to vector<32x768xf32>
      %gt3A_69 = vector.broadcast %get3A_65 : vector<32x1xf32> to vector<32x768xf32>
      %gt3A_70 = arith.cmpf ogt, %gt3A, %gt3A_69 : vector<32x768xf32>
      %eq3A_71 = vector.broadcast %get3A_62 : vector<1x768xf32> to vector<32x768xf32>
      %eq3A_72 = vector.broadcast %get3A_65 : vector<32x1xf32> to vector<32x768xf32>
      %eq3A_73 = arith.cmpf oeq, %eq3A_71, %eq3A_72 : vector<32x768xf32>
      %lt3A_74 = arith.cmpi slt, %iota3A_68, %add3A_67 : vector<32x768xi32>
      %and3A_75 = arith.andi %eq3A_73, %lt3A_74 : vector<32x768xi1>
      %or3A = arith.ori %gt3A_70, %and3A_75 : vector<32x768xi1>
      %convert_element_type3A_76 = arith.extui %or3A : vector<32x768xi1> to vector<32x768xi32>
      %reduce_sum3A = arith.constant dense<0> : vector<32xi32>
      %reduce_sum3A_77 = vector.multi_reduction <add>, %convert_element_type3A_76, %reduce_sum3A [1] : vector<32x768xi32> to vector<32xi32>
      %broadcast_in_dim3A = vector.shape_cast %reduce_sum3A_77 : vector<32xi32> to vector<32x1xi32>
      %eq3A_78 = vector.broadcast %broadcast_in_dim3A : vector<32x1xi32> to vector<32x768xi32>
      %eq3A_79 = arith.cmpi eq, %eq3A_78, %iota3A_68 : vector<32x768xi32>
      %jit3A_80 = arith.constant 0 : i32
      %broadcast_in_dim3A_81 = vector.broadcast %jit3A_80 : i32 to vector<32x768xi32>
      %select_n3A_82 = arith.select %eq3A_79, %add3A_67, %broadcast_in_dim3A_81 : vector<32x768xi1>, vector<32x768xi32>
      %reduce_sum3A_83 = arith.constant dense<0> : vector<768xi32>
      %reduce_sum3A_84 = vector.multi_reduction <add>, %select_n3A_82, %reduce_sum3A_83 [0] : vector<32x768xi32> to vector<768xi32>
      %broadcast_in_dim3A_85 = vector.shape_cast %reduce_sum3A_84 : vector<768xi32> to vector<1x768xi32>
      %eq3A_86 = arith.constant 18 : i32
      %eq3A_87 = arith.cmpi eq, %arg0, %eq3A_86 : i32
      %broadcast_in_dim3A_88 = arith.constant 0 : i32
      %broadcast_in_dim3A_89 = vector.broadcast %broadcast_in_dim3A_88 : i32 to vector<1x768xi32>
      %get3A_90 = arith.constant 0 : index
      %get3A_91 = arith.constant 0 : index
      %get3A_92 = vector.load %arg9[%get3A_90, %get3A_91] : memref<1x768xi32, #tpu.memory_space<vmem>>, vector<1x768xi32>
      %select_n3A_93 = arith.select %eq3A_87, %broadcast_in_dim3A_89, %get3A_92 : vector<1x768xi32>
      %add3A_94 = arith.addi %select_n3A_93, %broadcast_in_dim3A_85 : vector<1x768xi32>
      %swap3A = arith.constant 0 : index
      %swap3A_95 = arith.constant 0 : index
      %swap3A_96 = vector.load %arg9[%swap3A, %swap3A_95] : memref<1x768xi32, #tpu.memory_space<vmem>>, vector<1x768xi32>
      tpu.vector_store %arg9[%swap3A, %swap3A_95], %add3A_94 {strides = array<i32>} : memref<1x768xi32, #tpu.memory_space<vmem>>, vector<1x768xi32>,
    } else {
    }
    %eq3A_52 = arith.constant 42 : i32
    %eq3A_53 = arith.cmpi eq, %arg0, %eq3A_52 : i32
    %convert_element_type3A_54 = arith.extui %eq3A_53 : i1 to i32
    %cond3A_55 = arith.constant 0 : i32
    %cond3A_56 = arith.cmpi ne, %convert_element_type3A_54, %cond3A_55 : i32
    scf.if %cond3A_56 {
      %iota3A = tpu.iota {dimensions = array<i32: 0>} : vector<8x768xi32>
      %mul3A_57 = arith.constant 768 : i32
      %mul3A_58 = vector.broadcast %mul3A_57 : i32 to vector<8x768xi32>
      %mul3A_59 = arith.muli %iota3A, %mul3A_58 : vector<8x768xi32>
      %get3A = arith.constant 0 : index
      %get3A_60 = arith.constant 0 : index
      %get3A_61 = vector.load %arg9[%get3A, %get3A_60] : memref<1x768xi32, #tpu.memory_space<vmem>>, vector<1x768xi32>
      %add3A_62 = vector.broadcast %get3A_61 : vector<1x768xi32> to vector<8x768xi32>
      %add3A_63 = arith.addi %mul3A_59, %add3A_62 : vector<8x768xi32>
      %swap3A = arith.constant 0 : index
      %swap3A_64 = arith.constant 0 : index
      %swap3A_65 = vector.load %arg2[%swap3A, %swap3A_64] : memref<8x768xi32, #tpu.memory_space<vmem>>, vector<8x768xi32>
      tpu.vector_store %arg2[%swap3A, %swap3A_64], %add3A_63 {strides = array<i32>} : memref<8x768xi32, #tpu.memory_space<vmem>>, vector<8x768xi32>,
    } else {
    }
    return
  }
  func.func @transform_0(%arg0: i32) -> (i32, i32, i32) {
    %min3A = arith.constant 5 : i32
    %min3A_0 = arith.minsi %arg0, %min3A : i32
    %c0_i32 = arith.constant 0 : i32
    %c0_i32_1 = arith.constant 0 : i32
    %c0_i32_2 = arith.constant 0 : i32
    return %c0_i32, %min3A_0, %c0_i32_1 : i32, i32, i32
  }
  func.func @transform_1(%arg0: i32) -> (i32, i32) {
    %c0_i32 = arith.constant 0 : i32
    %c0_i32_0 = arith.constant 0 : i32
    %c0_i32_1 = arith.constant 0 : i32
    return %c0_i32, %c0_i32_0 : i32, i32
  }
}

</mosaic_0001>

<sc_bundles>
// kernel: kernel.4.cloned.1.call-start
scs
__scs_entry_jumppad:
0x0: {  	(pc) =	sbr.rel $0x88, $3  }
0x1: {  	(tag) =	ssettag $0x0;
	lr =	simm.s32 $0x1  }
0x2: {  	[smem:$0x3F9E] =	sst lr;
	_ =	strace $0xD0000000  }
0x3: {  	_ = 	snop  }
0x4: {  	_ = 	snop  }
0x5: {  	_ = 	snop  }
0x6: {  	_ = 	snop  }
0x7: {  	_ = 	snop  }
__scs_overlays_trampoline_lowered:
0x8: {  	[smem:$0x3FAD] =	sst s0  }
0x9: {  	[smem:$0x3FAE] =	sst s1  }
0xa: {  	[smem:$0x3FAF] =	sst s2  }
0xb: {  	[smem:$0x3FB0] =	sst s3  }
0xc: {  	[smem:$0x3FB1] =	sst s4  }
0xd: {  	[smem:$0x3FB2] =	sst s5  }
0xe: {  	[smem:$0x3FB3] =	sst s6  }
0xf: {  	[smem:$0x3FB4] =	sst s7  }
0x10: {  	[smem:$0x3FB5] =	sst s8  }
0x11: {  	[smem:$0x3FB6] =	sst s9;
	s0 =	simm.s32 @!p0 $0x0  }
0x12: {  	s1 =	sld [smem:$0x3F9C];
	s0 =	simm.s32 @p0 $0x1  }
0x13: {  	[smem:$0x3FB7] =	sst s0;
	s0 =	simm.s32 @!p1 $0x0  }
0x14: {  	s2 =	sld [smem:$0x3F9B];
	s0 =	simm.s32 @p1 $0x1  }
0x15: {  	[smem:$0x3FB8] =	sst s0;
	s0 =	simm.s32 @!p2 $0x0  }
0x16: {  	s3 =	sld [smem:$0x3FDB];
	s0 =	simm.s32 @p2 $0x1  }
0x17: {  	s4 =	simm.s32 $0x1BF5;
	[smem:$0x3FBA] =	sst s0  }
0x18: {  	s0 =	sld [smem:$0x3F9D];
	_ =	swait.ge [sflag:s4], $0x0  }
0x19: {  	s7 =	sld [smem:$0x3F9E]  }
0x1a: {  	s8 =	sadd.s32 $0xFFFFE003, lr  }
0x1b: {  	s9 =	sadd.s32 $0xFFFFFEF7, lr;
	s5 =	simm.s32 $0xFFFFFFFF;
	p2 =	slt.u32 s8, $0xFFFFF086  }
0x1c: {  	p1 =	slt.u32 s9, $0xF7A;
	s5 =	simm.s32 @!p2 $0x0  }
0x1d: {  	s5 =	simm.s32 @p1 $0x1;
	p0 =	seq.s32 s7, s2  }
0x1e: {  	s7 =	smul.u32 @!p0 $0xF7A, s2;
	p2 =	seq.s32 @!p0 s5, $0x0  }
0x1f: {  	s9 =	smul.u32 $0xF7A, s1;
	s8 =	simm.s32 @!p0 $0x1BF5;
	p2 =	por !p2, p0  }
0x20: {  	[sflag:s8] =	ssyncset.s32 @!p0 $0xFFFFF086;
	s6 =	sadd.s32 @!p0 s3, s7;
	s7 =	simm.s32 @!p0 $0x108  }
0x21: {  	s3 =	sadd.s32 s3, s9;
	s6 =	sadd.s32 @!p0 $0x88, s6;
	s7 =	simm.s32 @p2 $0x1082  }
0x22: {  	[simem:s7], [sflag:s8] =	dma.local @!p0 [hbm:s6], $0xF7A  }
0x23: {  	s9 =	sor.u32 $0xD0000000, s2;
	s6 =	simm.s32 $0x108;
	_ =	swait.ge @!p0 [sflag:s8], $0x0  }
0x24: {  	s3 =	sadd.s32 $0x88, s3;
	s6 =	simm.s32 @!p1 $0x1082;
	[sflag:s4] =	ssyncset.s32 $0xFFFFF086  }
0x25: {  	[simem:s6], [sflag:s4] =	dma.local [hbm:s3], $0xF7A  }
0x26: {  	[smem:$0x3F9E] =	sst s1;
	(tag) =	ssettag s2;
	_ =	strace s9  }
0x27: {  	s1 =	sld [smem:$0x3FAE]  }
0x28: {  	s2 =	sld [smem:$0x3FAF]  }
0x29: {  	s4 =	sld [smem:$0x3FB1]  }
0x2a: {  	p0 =	seq.s32 s5, $0x0;
	s5 =	sld [smem:$0x3FB2]  }
0x2b: {  	s6 =	sld [smem:$0x3FB3]  }
0x2c: {  	s7 =	sld [smem:$0x3FB4]  }
0x2d: {  	s3 =	simm.s32 $0x108;
	s8 =	sld [smem:$0x3FB5]  }
0x2e: {  	s3 =	simm.s32 @!p0 $0x1082;
	s9 =	sld [smem:$0x3FB6]  }
0x2f: {  	lr =	sadd.s32 s0, s3;
	s0 =	sld [smem:$0x3FAD]  }
0x30: {  	s3 =	sld [smem:$0x3FB0]  }
0x31: {  	[smem:$0x3FB9] =	sst s10  }
0x32: {  	s10 =	sld [smem:$0x3FB7];
	_ =	sdelay $0x3  }
0x33: {  	p0 =	seq.s32 s10, $0x1;
	s10 =	sld [smem:$0x3FB9];
	_ =	sdelay $0x3  }
0x34: {  	[smem:$0x3FB9] =	sst s10  }
0x35: {  	s10 =	sld [smem:$0x3FB8];
	_ =	sdelay $0x3  }
0x36: {  	p1 =	seq.s32 s10, $0x1;
	s10 =	sld [smem:$0x3FB9];
	_ =	sdelay $0x3  }
0x37: {  	[smem:$0x3FB9] =	sst s10  }
0x38: {  	s10 =	sld [smem:$0x3FBA]  }
0x39: {  	_ = 	snop;
	(pc) =	sbr.ind lr, $3  }
0x3a: {  	_ = 	snop  }
0x3b: {  	_ = 	snop  }
0x3c: {  	p2 =	seq.s32 s10, $0x1;
	s10 =	sld [smem:$0x3FB9]  }
0x3d: {  	_ =	shalt  }
0x3e: {  	_ =	shalt  }
0x3f: {  	_ =	shalt  }
0x40: {  	_ =	shalt  }
0x41: {  	_ =	shalt  }
0x42: {  	_ =	shalt  }
0x43: {  	_ =	shalt  }
0x44: {  	_ =	shalt  }
0x45: {  	_ =	shalt  }
0x46: {  	_ =	shalt  }
0x47: {  	_ =	shalt  }
0x48: {  	_ =	shalt  }
0x49: {  	_ =	shalt  }
0x4a: {  	_ =	shalt  }
0x4b: {  	_ =	shalt  }
0x4c: {  	_ =	shalt  }
0x4d: {  	_ =	shalt  }
0x4e: {  	_ =	shalt  }
0x4f: {  	_ =	shalt  }
0x50: {  	_ =	shalt  }
0x51: {  	_ =	shalt  }
0x52: {  	_ =	shalt  }
0x53: {  	_ =	shalt  }
0x54: {  	_ =	shalt  }
0x55: {  	_ =	shalt  }
0x56: {  	_ =	shalt  }
0x57: {  	_ =	shalt  }
0x58: {  	_ =	shalt  }
0x59: {  	_ =	shalt  }
0x5a: {  	_ =	shalt  }
0x5b: {  	_ =	shalt  }
0x5c: {  	_ =	shalt  }
0x5d: {  	_ =	shalt  }
0x5e: {  	_ =	shalt  }
0x5f: {  	_ =	shalt  }
0x60: {  	_ =	shalt  }
0x61: {  	_ =	shalt  }
0x62: {  	_ =	shalt  }
0x63: {  	_ =	shalt  }
0x64: {  	_ =	shalt  }
0x65: {  	_ =	shalt  }
0x66: {  	_ =	shalt  }
0x67: {  	_ =	shalt  }
0x68: {  	_ =	shalt  }
0x69: {  	_ =	shalt  }
0x6a: {  	_ =	shalt  }
0x6b: {  	_ =	shalt  }
0x6c: {  	_ =	shalt  }
0x6d: {  	_ =	shalt  }
0x6e: {  	_ =	shalt  }
0x6f: {  	_ =	shalt  }
0x70: {  	_ =	shalt  }
0x71: {  	_ =	shalt  }
0x72: {  	_ =	shalt  }
0x73: {  	_ =	shalt  }
0x74: {  	_ =	shalt  }
0x75: {  	_ =	shalt  }
0x76: {  	_ =	shalt  }
0x77: {  	_ =	shalt  }
0x78: {  	_ =	shalt  }
0x79: {  	_ =	shalt  }
0x7a: {  	_ =	shalt  }
0x7b: {  	_ =	shalt  }
0x7c: {  	_ =	shalt  }
0x7d: {  	_ =	shalt  }
0x7e: {  	_ =	shalt  }
0x7f: {  	_ =	shalt  }
0x80: {  	_ =	shalt  }
0x81: {  	_ =	shalt  }
0x82: {  	_ =	shalt  }
0x83: {  	_ =	shalt  }
0x84: {  	_ =	shalt  }
0x85: {  	_ =	shalt  }
0x86: {  	_ =	shalt  }
0x87: {  	_ =	shalt  }
.Lfunc_end0:
.L_simem_size_0:
called_computation_lowered:
.L_overlay_start_0:
0x88: {  	s2 =	sld [smem:$0x3FD9]  }
0x89: {  	s3 =	sld [smem:$0x3FFE];
	_ =	sdelay $0x1  }
0x8a: {  	s1 =	srdreg.scid  }
0x8b: {  	s0 =	sand.u32 $0x1, s1  }
0x8c: {  	s22 =	sshll.u32 s0, $0xA;
	s2 =	sadd.s32 s3, s2  }
0x8d: {  	s2 =	sadd.s32 s2, s22  }
0x8e: {  	[smem:$0x3FC5] =	sst s2  }
0x8f: {  	_ = 	snop  }
0x90: {  	s13 =	sld [smem:$0x3FD0]  }
0x91: {  	s2 =	sld [smem:$0x3FC9]  }
0x92: {  	s3 =	sld [smem:$0x3FC8]  }
0x93: {  	s15 =	simm.s32 $0xA;
	s14 =	simm.s32 $0x10;
	s4 =	sld [smem:$0x3FC7]  }
0x94: {  	[smem:s14], [sflag:s15] =	dma.local [hbm:s13], $0x1  }
0x95: {  	_ =	swait.eq [sflag:s15], $0x1  }
0x96: {  	s5 =	sld [smem:$0x10]  }
0x97: {  	s6 =	sld [smem:$0x11]  }
0x98: {  	s7 =	sld [smem:$0x12]  }
0x99: {  	s8 =	sld [smem:$0x13]  }
0x9a: {  	s9 =	sld [smem:$0x14]  }
0x9b: {  	s10 =	sld [smem:$0x15];
	[sflag:s15] =	ssyncset.done $0x0  }
0x9c: {  	s11 =	sld [smem:$0x16];
	[sflag:s15] =	ssyncadd.s32 $0xFFFFFFFF  }
0x9d: {  	s13 =	sadd.s32 $0x1, s13;
	s12 =	sld [smem:$0x17]  }
0x9e: {  	[smem:s14], [sflag:s15] =	dma.local [hbm:s13], $0x1  }
0x9f: {  	_ =	swait.eq [sflag:s15], $0x1  }
0xa0: {  	s13 =	sld [smem:$0x10]  }
0xa1: {  	s14 =	sld [smem:$0x11];
	[sflag:s15] =	ssyncset.done $0x0  }
0xa2: {  	s16 =	sld [smem:$0x12];
	[sflag:s15] =	ssyncadd.s32 $0xFFFFFFFF  }
0xa3: {  	s17 =	sld [smem:$0x13];
	(tm) =	ssettm $0x1  }
0xa4: {  	s23 =	sld [smem:$0x3FFB];
	_ =	sdelay $0x3  }
0xa5: {  	_ =	strace s23  }
0xa6: {  	s15 =	sld [smem:$0x3FFC];
	_ =	sdelay $0x3  }
0xa7: {  	_ =	strace s15  }
0xa8: {  	s15 =	sld [smem:$0x3FFD];
	_ =	sdelay $0x3  }
0xa9: {  	_ =	strace s15  }
0xaa: {  	_ =	strace $0x8FFFFFFF  }
0xab: {  	s24 =	sld [smem:$0x3FDB];
	_ =	sdelay $0x1  }
0xac: {  	s18 =	simm.s32 $_scs_section_size  }
0xad: {  	s19 =	simm.s32 $_size__tile_task_arg_handler_lowered;
	s20 =	simm.s32 $_tile_task_arg_handler_lowered  }
0xae: {  	s28 =	simm.s32 $0x1BFF;
	s26 =	sshll.u32 s20, $0x1;
	s18 =	sadd.s32 s18, s24  }
0xaf: {  	s21 =	simm.s32 $0x60;
	s25 =	sshll.u32 s19, $0x1;
	s19 =	sadd.s32 s26, s18  }
0xb0: {  	[timem:s21], [sflag:s28] =	dma.local [hbm:s19], s25  }
0xb1: {  	_ =	swait.ge [sflag:s28], s25  }
0xb2: {  	s29 =	simm.s32 $_tile_overlayer_lowered;
	s15 =	ssub.s32 $0x0, s25;
	[sflag:s28] =	ssyncset.done $0x0  }
0xb3: {  	s30 =	simm.s32 $_size__tile_overlayer_lowered;
	s19 =	sshll.u32 s29, $0x1;
	[sflag:s28] =	ssyncadd.s32 s15  }
0xb4: {  	s31 =	sshll.u32 s30, $0x1;
	s19 =	sadd.s32 s19, s18;
	s15 =	simm.s32 $0x0  }
0xb5: {  	[timem:s15], [sflag:s28] =	dma.local [hbm:s19], s31  }
0xb6: {  	_ =	swait.ge [sflag:s28], s31  }
0xb7: {  	s22 =	ssub.s32 $0x0, s31;
	[sflag:s28] =	ssyncset.done $0x0  }
0xb8: {  	[sflag:s28] =	ssyncadd.s32 s22;
	_ =	sdelay $0x1  }
0xb9: {  	s23 =	simm.s32 $0x1B8B  }
0xba: {  	_ =	swait.ge [sflag:s23], $0x1  }
0xbb: {  	[sflag:s23] =	ssyncset.done $0x0  }
0xbc: {  	s25 =	simm.s32 $0x1B8E;
	s24 =	sld [smem:$0x3FFE];
	[sflag:s23] =	ssyncadd.s32 $0xFFFFFFFF  }
0xbd: {  	s26 =	simm.s32 $execute0_lowered;
	[smem:$0x3FD2] =	sst s25  }
0xbe: {  	s20 =	sshll.u32 s26, $0x1;
	_ =	strace $0x80000046;
	[dreg:$0x1] =	wrdreg $0xFFFFFFFF  }
0xbf: {  	s18 =	sadd.s32 s18, s20;
	s28 =	simm.s32 $_size_execute0_lowered;
	[dreg:$0x0] =	wrdreg $0x0  }
0xc0: {  	s20 =	sshll.u32 s28, $0x1;
	[dreg:$0x2] =	wrdreg s18  }
0xc1: {  	[dreg:$0x3] =	wrdreg s20  }
0xc2: {  	[dreg:$0x4] =	wrdreg $0xC0  }
0xc3: {  	_ =	task [dreg:s15], $0x5FFFF  }
0xc4: {  	[dreg:$0x1] =	wrdreg $0xFFFFFFFF  }
0xc5: {  	[dreg:$0x0] =	wrdreg $0x30  }
0xc6: {  	[dreg:$0x2] =	wrdreg $0x0  }
0xc7: {  	[dreg:$0x3] =	wrdreg s16  }
0xc8: {  	[dreg:$0x4] =	wrdreg s17  }
0xc9: {  	[dreg:$0x5] =	wrdreg $0x9  }
0xca: {  	_ =	task [dreg:s15], $0x6FFFF  }
0xcb: {  	[dreg:$0x1] =	wrdreg $0xFFFFFFFF  }
0xcc: {  	[dreg:$0x0] =	wrdreg $0x60  }
0xcd: {  	[dreg:$0x2] =	wrdreg s24  }
0xce: {  	[dreg:$0x3] =	wrdreg s2  }
0xcf: {  	[dreg:$0x4] =	wrdreg s3  }
0xd0: {  	[dreg:$0x5] =	wrdreg s4  }
0xd1: {  	[dreg:$0x6] =	wrdreg s5  }
0xd2: {  	[dreg:$0x7] =	wrdreg s6  }
0xd3: {  	[dreg:$0x8] =	wrdreg s7  }
0xd4: {  	[dreg:$0x9] =	wrdreg s8  }
0xd5: {  	[dreg:$0xa] =	wrdreg s9  }
0xd6: {  	[dreg:$0xb] =	wrdreg s10  }
0xd7: {  	[dreg:$0xc] =	wrdreg s11  }
0xd8: {  	[dreg:$0xd] =	wrdreg s12  }
0xd9: {  	[dreg:$0xe] =	wrdreg s13  }
0xda: {  	[dreg:$0xf] =	wrdreg s14  }
0xdb: {  	_ =	task.clear_ibuf [dreg:s15], $0x10FFFF;
	_ =	strace $0x90000046  }
0xdc: {  	s29 =	simm.s32 $0x9;
	_ =	strace $0x80000048  }
0xdd: {  	_ =	swait.ge [sflag:s29], $0x1  }
0xde: {  	[sflag:s29] =	ssyncadd.s32 $0xFFFFFFFF  }
0xdf: {  	_ =	strace $0x90000048  }
0xe0: {  	_ =	sfence  }
0xe1: {  	s30 =	sld [smem:$0x0];
	_ =	sdelay $0x2  }
0xe2: {  	s31 =	sshll.u32 s1, $0xD;
	s1 =	sshrl.u32 s1, $0x2  }
0xe3: {  	s3 =	sand.u32 $0x4000, s31;
	s1 =	sadd.s32 s1, s30  }
0xe4: {  	s0 =	sor.u32 s3, s0;
	s1 =	sshll.u32 s1, $0x11  }
0xe5: {  	s0 =	sor.u32 s1, s0  }
0xe6: {  	s0 =	sadd.s32 $0x8F2B, s0  }
0xe7: {  	[sflag:s0] =	ssyncadd.remote.s32 $0x1  }
0xe8: {  	_ =	sfence.sel $0xFFFF  }
0xe9: {  	[dreg:$0x0] =	wrdreg $0xFFFFFFFF;
	(pc) =	sbr.abs _section_cstart, $3  }
0xea: {  	[dreg:$0x1] =	wrdreg $0xFFFFFFFF  }
0xeb: {  	_ =	task.clear_ibuf [dreg:s15], $0x2FFFF;
	_ =	strace $0x9FFFFFFF  }
0xec: {  	(tm) =	ssettm $0x7FFFFFFF  }
0xed: {  	_ =	shalt  }
tec
_tile_task_arg_handler_lowered:
.L_overlay_start_1:
0x0: {  	(tag) =	ssettag $0x1  }
0x1: {  	s0 =	rddreg [dreg:$0x0]  }
0x2: {  	s1 =	rddreg [dreg:$0x1]  }
0x3: {  	s2 =	rddreg [dreg:$0x2]  }
0x4: {  	s3 =	rddreg [dreg:$0x3]  }
0x5: {  	s4 =	rddreg [dreg:$0x4]  }
0x6: {  	s5 =	rddreg [dreg:$0x5]  }
0x7: {  	s6 =	rddreg [dreg:$0x6]  }
0x8: {  	s7 =	rddreg [dreg:$0x7]  }
0x9: {  	s8 =	rddreg [dreg:$0x8]  }
0xa: {  	s9 =	rddreg [dreg:$0x9]  }
0xb: {  	s10 =	rddreg [dreg:$0xa]  }
0xc: {  	s11 =	rddreg [dreg:$0xb]  }
0xd: {  	s12 =	rddreg [dreg:$0xc]  }
0xe: {  	s13 =	rddreg [dreg:$0xd]  }
0xf: {  	[smem:s0] =	sst s1  }
0x10: {  	[smem:s0+$0x1] =	sst s2  }
0x11: {  	[smem:s0+$0x2] =	sst s3  }
0x12: {  	[smem:s0+$0x3] =	sst s4  }
0x13: {  	[smem:s0+$0x4] =	sst s5  }
0x14: {  	[smem:s0+$0x5] =	sst s6  }
0x15: {  	[smem:s0+$0x6] =	sst s7  }
0x16: {  	[smem:s0+$0x7] =	sst s8  }
0x17: {  	[smem:s0+$0x8] =	sst s9  }
0x18: {  	[smem:s0+$0x9] =	sst s10  }
0x19: {  	[smem:s0+$0xA] =	sst s11  }
0x1a: {  	[smem:s0+$0xB] =	sst s12  }
0x1b: {  	[smem:s0+$0xC] =	sst s13;
	_ =	shalt  }
.Lfunc_end2:
execute0_lowered:
.L_overlay_start_2:
0x1c: {  	(tag) =	ssettag $0x2  }
0x1d: {  	s14 =	rddreg [dreg:$0x0]  }
0x1e: {  	s0 =	rddreg [dreg:$0x1]  }
0x1f: {  	s1 =	rddreg [dreg:$0x2]  }
0x20: {  	s2 =	rddreg [dreg:$0x3]  }
0x21: {  	s15 =	rddreg [dreg:$0x4]  }
0x22: {  	s16 =	rddreg [dreg:$0x5]  }
0x23: {  	s17 =	rddreg [dreg:$0x6]  }
0x24: {  	s13 =	rddreg [dreg:$0x7]  }
0x25: {  	s12 =	rddreg [dreg:$0x8]  }
0x26: {  	s11 =	rddreg [dreg:$0x9]  }
0x27: {  	s10 =	rddreg [dreg:$0xa]  }
0x28: {  	s7 =	rddreg [dreg:$0xb]  }
0x29: {  	s6 =	rddreg [dreg:$0xc];
	s4 =	stileid.u32  }
0x2a: {  	s5 =	rddreg [dreg:$0xd];
	s3 =	srdreg.scid;
	s18 =	sshrl.u32 s4, $0x1  }
0x2b: {  	s31 =	simm.s32 $0x6100;
	s9 =	sand.u32 $0x1, s3;
	s20 =	smul.u32 $0xFFFFFFA0, s18  }
0x2c: {  	s24 =	sshll.u32 s4, $0x1;
	s4 =	simm.s32 $0x0;
	s22 =	smul.u32 $0x300, s18  }
0x2d: {  	s19 =	sor.u32 s9, s24;
	[smem:$0x7FF] =	sst s4;
	s23 =	smul.u32 $0xFFFFFF40, s18  }
0x2e: {  	s28 =	simm.s32 $0x3;
	s21 =	smul.u32 $0x18, s19;
	s8 =	sld [smem:$0x0]  }
0x2f: {  	s14 =	sadd.s32 $0x800, s14;
	s18 =	smul.u32 $0xFFFFFE80, s18;
	s25 =	sld [smem:$0x2]  }
0x30: {  	s3 =	sld [smem:$0x1];
	s24 =	smul.u32 $0x30, s19;
	s20 =	sadd.s32 s20, s21  }
0x31: {  	s23 =	sadd.s32 s22, s23;
	s18 =	sadd.s32 s18, s22;
	s20 =	sadd.s32 s22, s20  }
0x32: {  	[smem:$0x7F0] =	sst s25;
	s25 =	smul.u32 $0x60, s19;
	s26 =	sshrl.u32 s20, $0x3  }
0x33: {  	_ =	strace $0x80000047;
	s20 =	sadd.s32 $0x60, s20;
	s21 =	sadd.s32 s14, s26  }
0x34: {  	s20 =	sshrl.u32 s20, $0x3;
	[dreg:$0xe] =	wrdreg s21;
	s21 =	sadd.s32 s24, s23  }
0x35: {  	s18 =	sadd.s32 s25, s18;
	s20 =	sadd.s32 s14, s20;
	s21 =	sadd.s32 $0xC0, s21  }
0x36: {  	s18 =	sadd.s32 $0x180, s18;
	[dreg:$0xf] =	wrdreg s20;
	s26 =	sshrl.u32 s21, $0x3  }
0x37: {  	s18 =	sshrl.u32 s18, $0x3;
	s21 =	smul.u32 $0xC00, s19;
	s20 =	sadd.s32 s14, s26  }
0x38: {  	s29 =	simm.s32 $0x5;
	s14 =	sadd.s32 s14, s18;
	[dreg:$0x10] =	wrdreg s20  }
0x39: {  	s30 =	simm.s32 $0x8;
	[dreg:$0x11] =	wrdreg s14;
	s18 =	sadd.s32 s15, s21  }
0x3a: {  	s9 =	ssub.s32 $0x2, s9;
	s22 =	sadd.s32 s16, s21;
	[dreg:$0x12] =	wrdreg s18  }
0x3b: {  	s26 =	smul.u32 $0x18000, s19;
	s12 =	sadd.s32 s12, s21;
	[dreg:$0x13] =	wrdreg s22  }
0x3c: {  	s20 =	smul.u32 $0xC000, s19;
	s11 =	sadd.s32 s11, s21;
	[dreg:$0x1a] =	wrdreg s12  }
0x3d: {  	s16 =	smul.u32 $0x1800, s19;
	s6 =	sadd.s32 s6, s21;
	[dreg:$0x1b] =	wrdreg s11  }
0x3e: {  	s5 =	sadd.s32 s5, s21;
	s18 =	smul.u32 $0x3000, s19;
	[smem:$0x7F3] =	sst s6  }
0x3f: {  	s12 =	sshrl.u32 s9, $0x1;
	[smem:$0x7F4] =	sst s5;
	s24 =	sadd.s32 s17, s16  }
0x40: {  	s23 =	sshrl.u32 s20, $0x3;
	[dreg:$0x14] =	wrdreg s24;
	s20 =	sadd.s32 s13, s18  }
0x41: {  	s6 =	sadd.s32 $0x100, s0;
	s24 =	sadd.s32 s10, s16;
	[dreg:$0x16] =	wrdreg s20  }
0x42: {  	s14 =	sadd.s32 $0xC00, s23;
	s21 =	sadd.s32 s3, s18;
	[dreg:$0x1c] =	wrdreg s24  }
0x43: {  	s19 =	sor.u32 $0xC00, s18;
	s25 =	sadd.s32 s17, s14;
	[smem:$0x7F7] =	sst s21  }
0x44: {  	s5 =	simm.s32 $0x6;
	s22 =	sadd.s32 s13, s19;
	[dreg:$0x15] =	wrdreg s25  }
0x45: {  	s15 =	ssub.s32 s9, s12;
	s10 =	sadd.s32 s10, s14;
	[dreg:$0x17] =	wrdreg s22  }
0x46: {  	s17 =	sshrl.u32 s26, $0x3;
	s26 =	sadd.s32 s7, s19;
	[dreg:$0x1d] =	wrdreg s10  }
0x47: {  	s9 =	sadd.s32 $0x100, s1;
	s24 =	simm.s32 $0x18;
	[dreg:$0x1f] =	wrdreg s26  }
0x48: {  	s12 =	sadd.s32 $0x100, s2;
	s25 =	sadd.s32 s7, s18;
	[smem:$0x7FB] =	sst s24  }
0x49: {  	s15 =	smax.u32 s15, $0x1;
	s22 =	sadd.s32 s3, s19;
	[dreg:$0x1e] =	wrdreg s25  }
0x4a: {  	s20 =	sadd.s32 $0x1800, s17;
	s26 =	simm.s32 $0x60;
	[smem:$0x7F8] =	sst s22  }
0x4b: {  	s17 =	sadd.s32 $0x2400, s17;
	s23 =	sadd.s32 s13, s20;
	[smem:$0x7FD] =	sst s26  }
0x4c: {  	s10 =	sadd.s32 $0x200, s1;
	s13 =	sadd.s32 s13, s17;
	[dreg:$0x18] =	wrdreg s23  }
0x4d: {  	s24 =	simm.s32 $0x12100;
	s11 =	sadd.s32 s7, s20;
	[dreg:$0x19] =	wrdreg s13  }
0x4e: {  	s7 =	sadd.s32 s7, s17;
	s25 =	simm.s32 $0x30;
	[smem:$0x7F1] =	sst s11  }
0x4f: {  	s26 =	simm.s32 $0xC100;
	[smem:$0x7F2] =	sst s7;
	s13 =	sadd.s32 s8, s16  }
0x50: {  	s16 =	sadd.s32 s8, s14;
	s7 =	sadd.s32 $0x200, s0;
	[smem:$0x7FC] =	sst s25  }
0x51: {  	s8 =	sadd.s32 $0x300, s0;
	s23 =	sadd.s32 s3, s20;
	[smem:$0x7F5] =	sst s13  }
0x52: {  	s3 =	sadd.s32 s3, s17;
	s11 =	sadd.s32 $0x300, s1;
	[smem:$0x7F6] =	sst s16  }
0x53: {  	v2 =	vlaneseq.u32;
	s14 =	sadd.s32 $0x300, s2;
	s17 =	simm.s32 $0x100;
	[smem:$0x7F9] =	sst s23  }
0x54: {  	vm0 =	vmmov $0xffff;
	v1 =	vshrl.u32 v2, $0x3;
	s25 =	simm.s32 $0x1;
	[smem:$0x7FA] =	sst s3;
	s13 =	sadd.s32 $0x200, s2  }
0x55: {  	v0 =	vand.u32 $0x7, v2;
	v2 =	vor.u32 $0x8, v2;
	v1 =	vmul.u32 $0x8, v1;
	s23 =	simm.s32 $0x2;
	s3 =	simm.s32 $0x4;
	s16 =	simm.s32 $0x7  }
.LBB3_1:
0x56: {  	s18 =	rddreg [dreg:$0xe]  }
0x57: {  	s20 =	sld [smem:$0x7FB]  }
0x58: {  	[tilespmem:s4], [sflag:$0x9] =	stream.linear.gather [hbm4b:s18+s4], $0x18, $0x38;
	[tilespmem:$0x18100] =	vst v63  }
0x59: {  	s19 =	rddreg [dreg:$0xf]  }
0x5a: {  	[tilespmem:s20], [sflag:$0xA] =	stream.linear.gather [hbm4b:s19+s4], $0x18, $0x38;
	[tilespmem:$0x18100] =	vst v63  }
0x5b: {  	s20 =	sld [smem:$0x7FC]  }
0x5c: {  	s21 =	sld [smem:$0x7FD]  }
0x5d: {  	s19 =	rddreg [dreg:$0x10]  }
0x5e: {  	[tilespmem:s20], [sflag:$0xB] =	stream.linear.gather [hbm4b:s19+s4], $0x30, $0x38;
	[tilespmem:$0x18100] =	vst v63  }
0x5f: {  	s22 =	rddreg [dreg:$0x11];
	s20 =	simm.s32 $0x9  }
0x60: {  	[tilespmem:s21], [sflag:$0xC] =	stream.linear.gather [hbm4b:s22+s4], $0x60, $0x38;
	[tilespmem:$0x18100] =	vst v63  }
0x61: {  	_ =	swait.ge [sflag:s20], $0x18  }
0x62: {  	[sflag:s20] =	ssyncset.done $0x0  }
0x63: {  	[sflag:s20] =	ssyncadd.s32 $0xFFFFFFE8  }
0x64: {  	v3 =	vld [tilespmem:$0x0];
	_ =	sdelay $0x4  }
0x65: {  	v4 =	vshll.u32 v3, $0x3  }
0x66: {  	v3 =	vand.u32 $0x7, v3;
	v4 =	vand.u32 $0xFFFFFFC0, v4  }
0x67: {  	v3 =	vor.u32 v3, v4  }
0x68: {  	v4 =	vperm.xlane v3, v0;
	_ =	sdelay $0x1  }
0x69: {  	v4 =	vadd.s32 v1, v4;
	_ =	sdelay $0x4  }
0x6a: {  	[tilespmem:s17], [sflag:$0x1] =	stream.indirect_vreg.gather [hbm4b:s0+s4], $0x80, v4, vm0, $0xb8;
	[tilespmem:$0x18100] =	vst v63  }
0x6b: {  	s21 =	simm.s32 $0x900;
	v3 =	vperm.xlane v3, v2  }
0x6c: {  	[tilespmem:s21], [sflag:$0x1] =	stream.indirect_vreg.gather [hbm4b:s6+s4], $0x80, v4, vm0, $0xb8;
	[tilespmem:$0x18100] =	vst v63  }
0x6d: {  	s22 =	simm.s32 $0x1100;
	v3 =	vadd.s32 v1, v3  }
0x6e: {  	[tilespmem:s22], [sflag:$0x1] =	stream.indirect_vreg.gather [hbm4b:s7+s4], $0x80, v4, vm0, $0xb8;
	[tilespmem:$0x18100] =	vst v63  }
0x6f: {  	s20 =	simm.s32 $0x1900  }
0x70: {  	[tilespmem:s20], [sflag:$0x1] =	stream.indirect_vreg.gather [hbm4b:s8+s4], $0x80, v4, vm0, $0xb8;
	[tilespmem:$0x18100] =	vst v63  }
0x71: {  	s21 =	simm.s32 $0x2100  }
0x72: {  	[tilespmem:s21], [sflag:$0x1] =	stream.indirect_vreg.gather [hbm4b:s0+s4], $0x80, v3, vm0, $0xb8;
	[tilespmem:$0x18100] =	vst v63  }
0x73: {  	s22 =	simm.s32 $0x2900  }
0x74: {  	[tilespmem:s22], [sflag:$0x1] =	stream.indirect_vreg.gather [hbm4b:s6+s4], $0x80, v3, vm0, $0xb8;
	[tilespmem:$0x18100] =	vst v63  }
0x75: {  	s20 =	simm.s32 $0x3100  }
0x76: {  	[tilespmem:s20], [sflag:$0x1] =	stream.indirect_vreg.gather [hbm4b:s7+s4], $0x80, v3, vm0, $0xb8;
	[tilespmem:$0x18100] =	vst v63  }
0x77: {  	s20 =	simm.s32 $0x3900  }
0x78: {  	[tilespmem:s20], [sflag:$0x1] =	stream.indirect_vreg.gather [hbm4b:s8+s4], $0x80, v3, vm0, $0xb8;
	[tilespmem:$0x18100] =	vst v63  }
0x79: {  	v3 =	vld.msk [tilespmem:$0x10], $0xff;
	_ =	sdelay $0x4  }
0x7a: {  	v17 =	vshll.u32 v3, $0x3  }
0x7b: {  	v3 =	vand.u32 $0x7, v3;
	v4 =	vand.u32 $0xFFFFFFC0, v17  }
0x7c: {  	v3 =	vor.u32 v3, v4  }
0x7d: {  	v3 =	vperm.xlane v3, v0;
	_ =	sdelay $0x1  }
0x7e: {  	v3 =	vadd.s32 v1, v3;
	_ =	sdelay $0x3  }
0x7f: {  	s18 =	simm.s32 $0x4100  }
0x80: {  	[tilespmem:s18], [sflag:$0x1] =	stream.indirect_vreg.gather [hbm4b:s0+s4], $0x80, v3, vm0, $0xb8;
	[tilespmem:$0x18100] =	vst v63  }
0x81: {  	s18 =	simm.s32 $0x4900  }
0x82: {  	[tilespmem:s18], [sflag:$0x1] =	stream.indirect_vreg.gather [hbm4b:s6+s4], $0x80, v3, vm0, $0xb8;
	[tilespmem:$0x18100] =	vst v63  }
0x83: {  	s18 =	simm.s32 $0x5100  }
0x84: {  	[tilespmem:s18], [sflag:$0x1] =	stream.indirect_vreg.gather [hbm4b:s7+s4], $0x80, v3, vm0, $0xb8;
	[tilespmem:$0x18100] =	vst v63  }
0x85: {  	s18 =	simm.s32 $0x5900  }
0x86: {  	[tilespmem:s18], [sflag:$0x1] =	stream.indirect_vreg.gather [hbm4b:s8+s4], $0x80, v3, vm0, $0xb8;
	[tilespmem:$0x18100] =	vst v63  }
0x87: {  	s18 =	simm.s32 $0xA  }
0x88: {  	_ =	swait.ge [sflag:s18], $0x18  }
0x89: {  	[sflag:s18] =	ssyncset.done $0x0  }
0x8a: {  	[sflag:s18] =	ssyncadd.s32 $0xFFFFFFE8  }
0x8b: {  	v3 =	vld [tilespmem:$0x18];
	_ =	sdelay $0x4  }
0x8c: {  	v18 =	vshll.u32 v3, $0x3  }
0x8d: {  	v3 =	vand.u32 $0x7, v3;
	v4 =	vand.u32 $0xFFFFFFC0, v18  }
0x8e: {  	v3 =	vor.u32 v3, v4  }
0x8f: {  	v4 =	vperm.xlane v3, v0;
	_ =	sdelay $0x1  }
0x90: {  	v4 =	vadd.s32 v1, v4;
	_ =	sdelay $0x4  }
0x91: {  	[tilespmem:s31], [sflag:$0x2] =	stream.indirect_vreg.gather [hbm4b:s0+s4], $0x80, v4, vm0, $0xb8;
	[tilespmem:$0x18100] =	vst v63  }
0x92: {  	s18 =	simm.s32 $0x6900;
	v3 =	vperm.xlane v3, v2  }
0x93: {  	[tilespmem:s18], [sflag:$0x2] =	stream.indirect_vreg.gather [hbm4b:s6+s4], $0x80, v4, vm0, $0xb8;
	[tilespmem:$0x18100] =	vst v63  }
0x94: {  	v3 =	vadd.s32 v1, v3;
	s18 =	simm.s32 $0x7100  }
0x95: {  	[tilespmem:s18], [sflag:$0x2] =	stream.indirect_vreg.gather [hbm4b:s7+s4], $0x80, v4, vm0, $0xb8;
	[tilespmem:$0x18100] =	vst v63  }
0x96: {  	s18 =	simm.s32 $0x7900  }
0x97: {  	[tilespmem:s18], [sflag:$0x2] =	stream.indirect_vreg.gather [hbm4b:s8+s4], $0x80, v4, vm0, $0xb8;
	[tilespmem:$0x18100] =	vst v63  }
0x98: {  	s18 =	simm.s32 $0x8100  }
0x99: {  	[tilespmem:s18], [sflag:$0x2] =	stream.indirect_vreg.gather [hbm4b:s0+s4], $0x80, v3, vm0, $0xb8;
	[tilespmem:$0x18100] =	vst v63  }
0x9a: {  	s18 =	simm.s32 $0x8900  }
0x9b: {  	[tilespmem:s18], [sflag:$0x2] =	stream.indirect_vreg.gather [hbm4b:s6+s4], $0x80, v3, vm0, $0xb8;
	[tilespmem:$0x18100] =	vst v63  }
0x9c: {  	s18 =	simm.s32 $0x9100  }
0x9d: {  	[tilespmem:s18], [sflag:$0x2] =	stream.indirect_vreg.gather [hbm4b:s7+s4], $0x80, v3, vm0, $0xb8;
	[tilespmem:$0x18100] =	vst v63  }
0x9e: {  	s18 =	simm.s32 $0x9900  }
0x9f: {  	[tilespmem:s18], [sflag:$0x2] =	stream.indirect_vreg.gather [hbm4b:s8+s4], $0x80, v3, vm0, $0xb8;
	[tilespmem:$0x18100] =	vst v63  }
0xa0: {  	v3 =	vld.msk [tilespmem:$0x28], $0xff;
	_ =	sdelay $0x4  }
0xa1: {  	v19 =	vshll.u32 v3, $0x3  }
0xa2: {  	v3 =	vand.u32 $0x7, v3;
	v4 =	vand.u32 $0xFFFFFFC0, v19  }
0xa3: {  	v3 =	vor.u32 v3, v4  }
0xa4: {  	v3 =	vperm.xlane v3, v0;
	_ =	sdelay $0x1  }
0xa5: {  	v3 =	vadd.s32 v1, v3;
	_ =	sdelay $0x3  }
0xa6: {  	s18 =	simm.s32 $0xA100  }
0xa7: {  	[tilespmem:s18], [sflag:$0x2] =	stream.indirect_vreg.gather [hbm4b:s0+s4], $0x80, v3, vm0, $0xb8;
	[tilespmem:$0x18100] =	vst v63  }
0xa8: {  	s18 =	simm.s32 $0xA900  }
0xa9: {  	[tilespmem:s18], [sflag:$0x2] =	stream.indirect_vreg.gather [hbm4b:s6+s4], $0x80, v3, vm0, $0xb8;
	[tilespmem:$0x18100] =	vst v63  }
0xaa: {  	s18 =	simm.s32 $0xB100  }
0xab: {  	[tilespmem:s18], [sflag:$0x2] =	stream.indirect_vreg.gather [hbm4b:s7+s4], $0x80, v3, vm0, $0xb8;
	[tilespmem:$0x18100] =	vst v63  }
0xac: {  	s18 =	simm.s32 $0xB900  }
0xad: {  	[tilespmem:s18], [sflag:$0x2] =	stream.indirect_vreg.gather [hbm4b:s8+s4], $0x80, v3, vm0, $0xb8;
	[tilespmem:$0x18100] =	vst v63  }
0xae: {  	_ =	swait.ge [sflag:s25], $0x6000  }
0xaf: {  	[sflag:s25] =	ssyncset.done $0x0  }
0xb0: {  	s18 =	rddreg [dreg:$0x12];
	[sflag:s25] =	ssyncadd.s32 $0xFFFFA000  }
0xb1: {  	[hbm4b:s18+s4] =	stream.linear.scatter [tilespmem:s17], [sflag:$0x5], $0x6000, $0x38;
	[tilespmem:$0x18100] =	vst v63  }
0xb2: {  	s18 =	simm.s32 $0xB  }
0xb3: {  	_ =	swait.ge [sflag:s18], $0x30  }
0xb4: {  	[sflag:s18] =	ssyncset.done $0x0  }
0xb5: {  	[sflag:s18] =	ssyncadd.s32 $0xFFFFFFD0  }
0xb6: {  	v3 =	vld [tilespmem:$0x30];
	_ =	sdelay $0x4  }
0xb7: {  	v20 =	vshll.u32 v3, $0x3  }
0xb8: {  	v3 =	vand.u32 $0x7, v3;
	v4 =	vand.u32 $0xFFFFFFC0, v20  }
0xb9: {  	v3 =	vor.u32 v3, v4  }
0xba: {  	v4 =	vperm.xlane v3, v0;
	_ =	sdelay $0x1  }
0xbb: {  	v4 =	vadd.s32 v1, v4;
	_ =	sdelay $0x4  }
0xbc: {  	[tilespmem:s26], [sflag:$0x3] =	stream.indirect_vreg.gather [hbm4b:s0+s4], $0x80, v4, vm0, $0xb8;
	[tilespmem:$0x18100] =	vst v63  }
0xbd: {  	s18 =	simm.s32 $0xC900;
	v3 =	vperm.xlane v3, v2  }
0xbe: {  	[tilespmem:s18], [sflag:$0x3] =	stream.indirect_vreg.gather [hbm4b:s6+s4], $0x80, v4, vm0, $0xb8;
	[tilespmem:$0x18100] =	vst v63  }
0xbf: {  	v3 =	vadd.s32 v1, v3;
	s18 =	simm.s32 $0xD100  }
0xc0: {  	[tilespmem:s18], [sflag:$0x3] =	stream.indirect_vreg.gather [hbm4b:s7+s4], $0x80, v4, vm0, $0xb8;
	[tilespmem:$0x18100] =	vst v63  }
0xc1: {  	s18 =	simm.s32 $0xD900  }
0xc2: {  	[tilespmem:s18], [sflag:$0x3] =	stream.indirect_vreg.gather [hbm4b:s8+s4], $0x80, v4, vm0, $0xb8;
	[tilespmem:$0x18100] =	vst v63  }
0xc3: {  	s18 =	simm.s32 $0xE100  }
0xc4: {  	[tilespmem:s18], [sflag:$0x3] =	stream.indirect_vreg.gather [hbm4b:s0+s4], $0x80, v3, vm0, $0xb8;
	[tilespmem:$0x18100] =	vst v63  }
0xc5: {  	s18 =	simm.s32 $0xE900  }
0xc6: {  	[tilespmem:s18], [sflag:$0x3] =	stream.indirect_vreg.gather [hbm4b:s6+s4], $0x80, v3, vm0, $0xb8;
	[tilespmem:$0x18100] =	vst v63  }
0xc7: {  	s18 =	simm.s32 $0xF100  }
0xc8: {  	[tilespmem:s18], [sflag:$0x3] =	stream.indirect_vreg.gather [hbm4b:s7+s4], $0x80, v3, vm0, $0xb8;
	[tilespmem:$0x18100] =	vst v63  }
0xc9: {  	s18 =	simm.s32 $0xF900  }
0xca: {  	[tilespmem:s18], [sflag:$0x3] =	stream.indirect_vreg.gather [hbm4b:s8+s4], $0x80, v3, vm0, $0xb8;
	[tilespmem:$0x18100] =	vst v63  }
0xcb: {  	v3 =	vld.msk [tilespmem:$0x40], $0xff;
	_ =	sdelay $0x4  }
0xcc: {  	v21 =	vshll.u32 v3, $0x3  }
0xcd: {  	v3 =	vand.u32 $0x7, v3;
	v4 =	vand.u32 $0xFFFFFFC0, v21  }
0xce: {  	v3 =	vor.u32 v3, v4  }
0xcf: {  	v3 =	vperm.xlane v3, v0;
	_ =	sdelay $0x1  }
0xd0: {  	v3 =	vadd.s32 v1, v3;
	_ =	sdelay $0x3  }
0xd1: {  	s18 =	simm.s32 $0x10100  }
0xd2: {  	[tilespmem:s18], [sflag:$0x3] =	stream.indirect_vreg.gather [hbm4b:s0+s4], $0x80, v3, vm0, $0xb8;
	[tilespmem:$0x18100] =	vst v63  }
0xd3: {  	s18 =	simm.s32 $0x10900  }
0xd4: {  	[tilespmem:s18], [sflag:$0x3] =	stream.indirect_vreg.gather [hbm4b:s6+s4], $0x80, v3, vm0, $0xb8;
	[tilespmem:$0x18100] =	vst v63  }
0xd5: {  	s18 =	simm.s32 $0x11100  }
0xd6: {  	[tilespmem:s18], [sflag:$0x3] =	stream.indirect_vreg.gather [hbm4b:s7+s4], $0x80, v3, vm0, $0xb8;
	[tilespmem:$0x18100] =	vst v63  }
0xd7: {  	s18 =	simm.s32 $0x11900  }
0xd8: {  	[tilespmem:s18], [sflag:$0x3] =	stream.indirect_vreg.gather [hbm4b:s8+s4], $0x80, v3, vm0, $0xb8;
	[tilespmem:$0x18100] =	vst v63  }
0xd9: {  	_ =	swait.ge [sflag:s23], $0x6000  }
0xda: {  	[sflag:s23] =	ssyncset.done $0x0  }
0xdb: {  	s18 =	rddreg [dreg:$0x13];
	[sflag:s23] =	ssyncadd.s32 $0xFFFFA000  }
0xdc: {  	[hbm4b:s18+s4] =	stream.linear.scatter [tilespmem:s31], [sflag:$0x6], $0x6000, $0x38;
	[tilespmem:$0x18100] =	vst v63  }
0xdd: {  	v3 =	vld [tilespmem:$0x48];
	_ =	sdelay $0x4  }
0xde: {  	v22 =	vshll.u32 v3, $0x3  }
0xdf: {  	v3 =	vand.u32 $0x7, v3;
	v4 =	vand.u32 $0xFFFFFFC0, v22  }
0xe0: {  	v3 =	vor.u32 v3, v4  }
0xe1: {  	v4 =	vperm.xlane v3, v0;
	_ =	sdelay $0x1  }
0xe2: {  	v4 =	vadd.s32 v1, v4;
	_ =	sdelay $0x4  }
0xe3: {  	[tilespmem:s24], [sflag:$0x4] =	stream.indirect_vreg.gather [hbm4b:s0+s4], $0x80, v4, vm0, $0xb8;
	[tilespmem:$0x18100] =	vst v63  }
0xe4: {  	s18 =	simm.s32 $0x12900;
	v3 =	vperm.xlane v3, v2  }
0xe5: {  	[tilespmem:s18], [sflag:$0x4] =	stream.indirect_vreg.gather [hbm4b:s6+s4], $0x80, v4, vm0, $0xb8;
	[tilespmem:$0x18100] =	vst v63  }
0xe6: {  	v3 =	vadd.s32 v1, v3;
	s18 =	simm.s32 $0x13100  }
0xe7: {  	[tilespmem:s18], [sflag:$0x4] =	stream.indirect_vreg.gather [hbm4b:s7+s4], $0x80, v4, vm0, $0xb8;
	[tilespmem:$0x18100] =	vst v63  }
0xe8: {  	s18 =	simm.s32 $0x13900  }
0xe9: {  	[tilespmem:s18], [sflag:$0x4] =	stream.indirect_vreg.gather [hbm4b:s8+s4], $0x80, v4, vm0, $0xb8;
	[tilespmem:$0x18100] =	vst v63  }
0xea: {  	s18 =	simm.s32 $0x14100  }
0xeb: {  	[tilespmem:s18], [sflag:$0x4] =	stream.indirect_vreg.gather [hbm4b:s0+s4], $0x80, v3, vm0, $0xb8;
	[tilespmem:$0x18100] =	vst v63  }
0xec: {  	s18 =	simm.s32 $0x14900  }
0xed: {  	[tilespmem:s18], [sflag:$0x4] =	stream.indirect_vreg.gather [hbm4b:s6+s4], $0x80, v3, vm0, $0xb8;
	[tilespmem:$0x18100] =	vst v63  }
0xee: {  	s18 =	simm.s32 $0x15100  }
0xef: {  	[tilespmem:s18], [sflag:$0x4] =	stream.indirect_vreg.gather [hbm4b:s7+s4], $0x80, v3, vm0, $0xb8;
	[tilespmem:$0x18100] =	vst v63  }
0xf0: {  	s18 =	simm.s32 $0x15900  }
0xf1: {  	[tilespmem:s18], [sflag:$0x4] =	stream.indirect_vreg.gather [hbm4b:s8+s4], $0x80, v3, vm0, $0xb8;
	[tilespmem:$0x18100] =	vst v63  }
0xf2: {  	v3 =	vld.msk [tilespmem:$0x58], $0xff;
	_ =	sdelay $0x4  }
0xf3: {  	v23 =	vshll.u32 v3, $0x3  }
0xf4: {  	v3 =	vand.u32 $0x7, v3;
	v4 =	vand.u32 $0xFFFFFFC0, v23  }
0xf5: {  	v3 =	vor.u32 v3, v4  }
0xf6: {  	v3 =	vperm.xlane v3, v0;
	_ =	sdelay $0x1  }
0xf7: {  	v3 =	vadd.s32 v1, v3;
	_ =	sdelay $0x3  }
0xf8: {  	s18 =	simm.s32 $0x16100  }
0xf9: {  	[tilespmem:s18], [sflag:$0x4] =	stream.indirect_vreg.gather [hbm4b:s0+s4], $0x80, v3, vm0, $0xb8;
	[tilespmem:$0x18100] =	vst v63  }
0xfa: {  	s18 =	simm.s32 $0x16900  }
0xfb: {  	[tilespmem:s18], [sflag:$0x4] =	stream.indirect_vreg.gather [hbm4b:s6+s4], $0x80, v3, vm0, $0xb8;
	[tilespmem:$0x18100] =	vst v63  }
0xfc: {  	s18 =	simm.s32 $0x17100  }
0xfd: {  	[tilespmem:s18], [sflag:$0x4] =	stream.indirect_vreg.gather [hbm4b:s7+s4], $0x80, v3, vm0, $0xb8;
	[tilespmem:$0x18100] =	vst v63  }
0xfe: {  	s18 =	simm.s32 $0x17900  }
0xff: {  	[tilespmem:s18], [sflag:$0x4] =	stream.indirect_vreg.gather [hbm4b:s8+s4], $0x80, v3, vm0, $0xb8;
	[tilespmem:$0x18100] =	vst v63  }
0x100: {  	_ =	swait.ge [sflag:s28], $0x6000  }
0x101: {  	[sflag:s28] =	ssyncset.done $0x0  }
0x102: {  	s18 =	rddreg [dreg:$0x14];
	[sflag:s28] =	ssyncadd.s32 $0xFFFFA000  }
0x103: {  	[hbm4b:s18+s4] =	stream.linear.scatter [tilespmem:s26], [sflag:$0x7], $0x6000, $0x38;
	[tilespmem:$0x18100] =	vst v63  }
0x104: {  	s18 =	simm.s32 $0xC  }
0x105: {  	_ =	swait.ge [sflag:s18], $0x60  }
0x106: {  	[sflag:s18] =	ssyncset.done $0x0  }
0x107: {  	[sflag:s18] =	ssyncadd.s32 $0xFFFFFFA0  }
0x108: {  	_ =	swait.ge [sflag:s29], $0x6000  }
0x109: {  	[sflag:s29] =	ssyncset.done $0x0  }
0x10a: {  	[sflag:s29] =	ssyncadd.s32 $0xFFFFA000  }
0x10b: {  	v3 =	vld [tilespmem:$0x60];
	_ =	sdelay $0x4  }
0x10c: {  	v24 =	vshll.u32 v3, $0x3  }
0x10d: {  	v3 =	vand.u32 $0x7, v3;
	v4 =	vand.u32 $0xFFFFFFC0, v24  }
0x10e: {  	v3 =	vor.u32 v3, v4  }
0x10f: {  	v4 =	vperm.xlane v3, v0;
	_ =	sdelay $0x1  }
0x110: {  	v4 =	vadd.s32 v1, v4;
	_ =	sdelay $0x4  }
0x111: {  	[tilespmem:s17], [sflag:$0x1] =	stream.indirect_vreg.gather [hbm4b:s0+s4], $0x80, v4, vm0, $0xb8;
	[tilespmem:$0x18100] =	vst v63  }
0x112: {  	s19 =	simm.s32 $0x900;
	v3 =	vperm.xlane v3, v2  }
0x113: {  	[tilespmem:s19], [sflag:$0x1] =	stream.indirect_vreg.gather [hbm4b:s6+s4], $0x80, v4, vm0, $0xb8;
	[tilespmem:$0x18100] =	vst v63  }
0x114: {  	v3 =	vadd.s32 v1, v3;
	s19 =	simm.s32 $0x1100  }
0x115: {  	[tilespmem:s19], [sflag:$0x1] =	stream.indirect_vreg.gather [hbm4b:s7+s4], $0x80, v4, vm0, $0xb8;
	[tilespmem:$0x18100] =	vst v63  }
0x116: {  	s19 =	simm.s32 $0x1900  }
0x117: {  	[tilespmem:s19], [sflag:$0x1] =	stream.indirect_vreg.gather [hbm4b:s8+s4], $0x80, v4, vm0, $0xb8;
	[tilespmem:$0x18100] =	vst v63  }
0x118: {  	s21 =	simm.s32 $0x2100  }
0x119: {  	[tilespmem:s21], [sflag:$0x1] =	stream.indirect_vreg.gather [hbm4b:s0+s4], $0x80, v3, vm0, $0xb8;
	[tilespmem:$0x18100] =	vst v63  }
0x11a: {  	s22 =	simm.s32 $0x2900  }
0x11b: {  	[tilespmem:s22], [sflag:$0x1] =	stream.indirect_vreg.gather [hbm4b:s6+s4], $0x80, v3, vm0, $0xb8;
	[tilespmem:$0x18100] =	vst v63  }
0x11c: {  	s19 =	simm.s32 $0x3100  }
0x11d: {  	[tilespmem:s19], [sflag:$0x1] =	stream.indirect_vreg.gather [hbm4b:s7+s4], $0x80, v3, vm0, $0xb8;
	[tilespmem:$0x18100] =	vst v63  }
0x11e: {  	s20 =	simm.s32 $0x3900  }
0x11f: {  	[tilespmem:s20], [sflag:$0x1] =	stream.indirect_vreg.gather [hbm4b:s8+s4], $0x80, v3, vm0, $0xb8;
	[tilespmem:$0x18100] =	vst v63  }
0x120: {  	v3 =	vld.msk [tilespmem:$0x70], $0xff;
	_ =	sdelay $0x4  }
0x121: {  	v25 =	vshll.u32 v3, $0x3  }
0x122: {  	v3 =	vand.u32 $0x7, v3;
	v4 =	vand.u32 $0xFFFFFFC0, v25  }
0x123: {  	v3 =	vor.u32 v3, v4  }
0x124: {  	v3 =	vperm.xlane v3, v0;
	_ =	sdelay $0x1  }
0x125: {  	v3 =	vadd.s32 v1, v3;
	_ =	sdelay $0x3  }
0x126: {  	s21 =	simm.s32 $0x4100  }
0x127: {  	[tilespmem:s21], [sflag:$0x1] =	stream.indirect_vreg.gather [hbm4b:s0+s4], $0x80, v3, vm0, $0xb8;
	[tilespmem:$0x18100] =	vst v63  }
0x128: {  	s22 =	simm.s32 $0x4900  }
0x129: {  	[tilespmem:s22], [sflag:$0x1] =	stream.indirect_vreg.gather [hbm4b:s6+s4], $0x80, v3, vm0, $0xb8;
	[tilespmem:$0x18100] =	vst v63  }
0x12a: {  	s19 =	simm.s32 $0x5100  }
0x12b: {  	[tilespmem:s19], [sflag:$0x1] =	stream.indirect_vreg.gather [hbm4b:s7+s4], $0x80, v3, vm0, $0xb8;
	[tilespmem:$0x18100] =	vst v63  }
0x12c: {  	s20 =	simm.s32 $0x5900  }
0x12d: {  	[tilespmem:s20], [sflag:$0x1] =	stream.indirect_vreg.gather [hbm4b:s8+s4], $0x80, v3, vm0, $0xb8;
	[tilespmem:$0x18100] =	vst v63  }
0x12e: {  	_ =	swait.ge [sflag:s3], $0x6000  }
0x12f: {  	[sflag:s3] =	ssyncset.done $0x0  }
0x130: {  	s21 =	rddreg [dreg:$0x15];
	[sflag:s3] =	ssyncadd.s32 $0xFFFFA000  }
0x131: {  	[hbm4b:s21+s4] =	stream.linear.scatter [tilespmem:s24], [sflag:$0x8], $0x6000, $0x38;
	[tilespmem:$0x18100] =	vst v63  }
0x132: {  	_ =	swait.ge [sflag:s5], $0x6000  }
0x133: {  	[sflag:s5] =	ssyncset.done $0x0  }
0x134: {  	[sflag:s5] =	ssyncadd.s32 $0xFFFFA000  }
0x135: {  	v3 =	vld [tilespmem:$0x78];
	_ =	sdelay $0x4  }
0x136: {  	v26 =	vshll.u32 v3, $0x3  }
0x137: {  	v3 =	vand.u32 $0x7, v3;
	v4 =	vand.u32 $0xFFFFFFC0, v26  }
0x138: {  	v3 =	vor.u32 v3, v4  }
0x139: {  	v4 =	vperm.xlane v3, v0;
	_ =	sdelay $0x1  }
0x13a: {  	v4 =	vadd.s32 v1, v4;
	_ =	sdelay $0x4  }
0x13b: {  	[tilespmem:s31], [sflag:$0x2] =	stream.indirect_vreg.gather [hbm4b:s0+s4], $0x80, v4, vm0, $0xb8;
	[tilespmem:$0x18100] =	vst v63  }
0x13c: {  	s22 =	simm.s32 $0x6900;
	v3 =	vperm.xlane v3, v2  }
0x13d: {  	[tilespmem:s22], [sflag:$0x2] =	stream.indirect_vreg.gather [hbm4b:s6+s4], $0x80, v4, vm0, $0xb8;
	[tilespmem:$0x18100] =	vst v63  }
0x13e: {  	s19 =	simm.s32 $0x7100;
	v3 =	vadd.s32 v1, v3  }
0x13f: {  	[tilespmem:s19], [sflag:$0x2] =	stream.indirect_vreg.gather [hbm4b:s7+s4], $0x80, v4, vm0, $0xb8;
	[tilespmem:$0x18100] =	vst v63  }
0x140: {  	s20 =	simm.s32 $0x7900  }
0x141: {  	[tilespmem:s20], [sflag:$0x2] =	stream.indirect_vreg.gather [hbm4b:s8+s4], $0x80, v4, vm0, $0xb8;
	[tilespmem:$0x18100] =	vst v63  }
0x142: {  	s21 =	simm.s32 $0x8100  }
0x143: {  	[tilespmem:s21], [sflag:$0x2] =	stream.indirect_vreg.gather [hbm4b:s0+s4], $0x80, v3, vm0, $0xb8;
	[tilespmem:$0x18100] =	vst v63  }
0x144: {  	s22 =	simm.s32 $0x8900  }
0x145: {  	[tilespmem:s22], [sflag:$0x2] =	stream.indirect_vreg.gather [hbm4b:s6+s4], $0x80, v3, vm0, $0xb8;
	[tilespmem:$0x18100] =	vst v63  }
0x146: {  	s19 =	simm.s32 $0x9100  }
0x147: {  	[tilespmem:s19], [sflag:$0x2] =	stream.indirect_vreg.gather [hbm4b:s7+s4], $0x80, v3, vm0, $0xb8;
	[tilespmem:$0x18100] =	vst v63  }
0x148: {  	s20 =	simm.s32 $0x9900  }
0x149: {  	[tilespmem:s20], [sflag:$0x2] =	stream.indirect_vreg.gather [hbm4b:s8+s4], $0x80, v3, vm0, $0xb8;
	[tilespmem:$0x18100] =	vst v63  }
0x14a: {  	v3 =	vld.msk [tilespmem:$0x88], $0xff;
	_ =	sdelay $0x4  }
0x14b: {  	v27 =	vshll.u32 v3, $0x3  }
0x14c: {  	v3 =	vand.u32 $0x7, v3;
	v4 =	vand.u32 $0xFFFFFFC0, v27  }
0x14d: {  	v3 =	vor.u32 v3, v4  }
0x14e: {  	v3 =	vperm.xlane v3, v0;
	_ =	sdelay $0x1  }
0x14f: {  	v3 =	vadd.s32 v1, v3;
	_ =	sdelay $0x3  }
0x150: {  	s21 =	simm.s32 $0xA100  }
0x151: {  	[tilespmem:s21], [sflag:$0x2] =	stream.indirect_vreg.gather [hbm4b:s0+s4], $0x80, v3, vm0, $0xb8;
	[tilespmem:$0x18100] =	vst v63  }
0x152: {  	s22 =	simm.s32 $0xA900  }
0x153: {  	[tilespmem:s22], [sflag:$0x2] =	stream.indirect_vreg.gather [hbm4b:s6+s4], $0x80, v3, vm0, $0xb8;
	[tilespmem:$0x18100] =	vst v63  }
0x154: {  	s19 =	simm.s32 $0xB100  }
0x155: {  	[tilespmem:s19], [sflag:$0x2] =	stream.indirect_vreg.gather [hbm4b:s7+s4], $0x80, v3, vm0, $0xb8;
	[tilespmem:$0x18100] =	vst v63  }
0x156: {  	s20 =	simm.s32 $0xB900  }
0x157: {  	[tilespmem:s20], [sflag:$0x2] =	stream.indirect_vreg.gather [hbm4b:s8+s4], $0x80, v3, vm0, $0xb8;
	[tilespmem:$0x18100] =	vst v63  }
0x158: {  	_ =	swait.ge [sflag:s25], $0x6000  }
0x159: {  	[sflag:s25] =	ssyncset.done $0x0  }
0x15a: {  	s21 =	rddreg [dreg:$0x16];
	[sflag:s25] =	ssyncadd.s32 $0xFFFFA000  }
0x15b: {  	[hbm4b:s21+s4] =	stream.linear.scatter [tilespmem:s17], [sflag:$0x5], $0x6000, $0x38;
	[tilespmem:$0x18100] =	vst v63  }
0x15c: {  	_ =	swait.ge [sflag:s16], $0x6000  }
0x15d: {  	[sflag:s16] =	ssyncset.done $0x0  }
0x15e: {  	[sflag:s16] =	ssyncadd.s32 $0xFFFFA000  }
0x15f: {  	v3 =	vld [tilespmem:$0x90];
	_ =	sdelay $0x4  }
0x160: {  	v28 =	vshll.u32 v3, $0x3  }
0x161: {  	v3 =	vand.u32 $0x7, v3;
	v4 =	vand.u32 $0xFFFFFFC0, v28  }
0x162: {  	v3 =	vor.u32 v3, v4  }
0x163: {  	v4 =	vperm.xlane v3, v0;
	_ =	sdelay $0x1  }
0x164: {  	v4 =	vadd.s32 v1, v4;
	_ =	sdelay $0x4  }
0x165: {  	[tilespmem:s26], [sflag:$0x3] =	stream.indirect_vreg.gather [hbm4b:s0+s4], $0x80, v4, vm0, $0xb8;
	[tilespmem:$0x18100] =	vst v63  }
0x166: {  	s22 =	simm.s32 $0xC900;
	v3 =	vperm.xlane v3, v2  }
0x167: {  	[tilespmem:s22], [sflag:$0x3] =	stream.indirect_vreg.gather [hbm4b:s6+s4], $0x80, v4, vm0, $0xb8;
	[tilespmem:$0x18100] =	vst v63  }
0x168: {  	s19 =	simm.s32 $0xD100;
	v3 =	vadd.s32 v1, v3  }
0x169: {  	[tilespmem:s19], [sflag:$0x3] =	stream.indirect_vreg.gather [hbm4b:s7+s4], $0x80, v4, vm0, $0xb8;
	[tilespmem:$0x18100] =	vst v63  }
0x16a: {  	s20 =	simm.s32 $0xD900  }
0x16b: {  	[tilespmem:s20], [sflag:$0x3] =	stream.indirect_vreg.gather [hbm4b:s8+s4], $0x80, v4, vm0, $0xb8;
	[tilespmem:$0x18100] =	vst v63  }
0x16c: {  	s21 =	simm.s32 $0xE100  }
0x16d: {  	[tilespmem:s21], [sflag:$0x3] =	stream.indirect_vreg.gather [hbm4b:s0+s4], $0x80, v3, vm0, $0xb8;
	[tilespmem:$0x18100] =	vst v63  }
0x16e: {  	s22 =	simm.s32 $0xE900  }
0x16f: {  	[tilespmem:s22], [sflag:$0x3] =	stream.indirect_vreg.gather [hbm4b:s6+s4], $0x80, v3, vm0, $0xb8;
	[tilespmem:$0x18100] =	vst v63  }
0x170: {  	s19 =	simm.s32 $0xF100  }
0x171: {  	[tilespmem:s19], [sflag:$0x3] =	stream.indirect_vreg.gather [hbm4b:s7+s4], $0x80, v3, vm0, $0xb8;
	[tilespmem:$0x18100] =	vst v63  }
0x172: {  	s20 =	simm.s32 $0xF900  }
0x173: {  	[tilespmem:s20], [sflag:$0x3] =	stream.indirect_vreg.gather [hbm4b:s8+s4], $0x80, v3, vm0, $0xb8;
	[tilespmem:$0x18100] =	vst v63  }
0x174: {  	v3 =	vld.msk [tilespmem:$0xA0], $0xff;
	_ =	sdelay $0x4  }
0x175: {  	v29 =	vshll.u32 v3, $0x3  }
0x176: {  	v3 =	vand.u32 $0x7, v3;
	v4 =	vand.u32 $0xFFFFFFC0, v29  }
0x177: {  	v3 =	vor.u32 v3, v4  }
0x178: {  	v3 =	vperm.xlane v3, v0;
	_ =	sdelay $0x1  }
0x179: {  	v3 =	vadd.s32 v1, v3;
	_ =	sdelay $0x3  }
0x17a: {  	s21 =	simm.s32 $0x10100  }
0x17b: {  	[tilespmem:s21], [sflag:$0x3] =	stream.indirect_vreg.gather [hbm4b:s0+s4], $0x80, v3, vm0, $0xb8;
	[tilespmem:$0x18100] =	vst v63  }
0x17c: {  	s22 =	simm.s32 $0x10900  }
0x17d: {  	[tilespmem:s22], [sflag:$0x3] =	stream.indirect_vreg.gather [hbm4b:s6+s4], $0x80, v3, vm0, $0xb8;
	[tilespmem:$0x18100] =	vst v63  }
0x17e: {  	s19 =	simm.s32 $0x11100  }
0x17f: {  	[tilespmem:s19], [sflag:$0x3] =	stream.indirect_vreg.gather [hbm4b:s7+s4], $0x80, v3, vm0, $0xb8;
	[tilespmem:$0x18100] =	vst v63  }
0x180: {  	s20 =	simm.s32 $0x11900  }
0x181: {  	[tilespmem:s20], [sflag:$0x3] =	stream.indirect_vreg.gather [hbm4b:s8+s4], $0x80, v3, vm0, $0xb8;
	[tilespmem:$0x18100] =	vst v63  }
0x182: {  	_ =	swait.ge [sflag:s23], $0x6000  }
0x183: {  	[sflag:s23] =	ssyncset.done $0x0  }
0x184: {  	s21 =	rddreg [dreg:$0x17];
	[sflag:s23] =	ssyncadd.s32 $0xFFFFA000  }
0x185: {  	[hbm4b:s21+s4] =	stream.linear.scatter [tilespmem:s31], [sflag:$0x6], $0x6000, $0x38;
	[tilespmem:$0x18100] =	vst v63  }
0x186: {  	_ =	swait.ge [sflag:s30], $0x6000  }
0x187: {  	[sflag:s30] =	ssyncset.done $0x0  }
0x188: {  	[sflag:s30] =	ssyncadd.s32 $0xFFFFA000  }
0x189: {  	v3 =	vld [tilespmem:$0xA8];
	_ =	sdelay $0x4  }
0x18a: {  	v30 =	vshll.u32 v3, $0x3  }
0x18b: {  	v3 =	vand.u32 $0x7, v3;
	v4 =	vand.u32 $0xFFFFFFC0, v30  }
0x18c: {  	v3 =	vor.u32 v3, v4  }
0x18d: {  	v4 =	vperm.xlane v3, v0;
	_ =	sdelay $0x1  }
0x18e: {  	v4 =	vadd.s32 v1, v4;
	_ =	sdelay $0x4  }
0x18f: {  	[tilespmem:s24], [sflag:$0x4] =	stream.indirect_vreg.gather [hbm4b:s0+s4], $0x80, v4, vm0, $0xb8;
	[tilespmem:$0x18100] =	vst v63  }
0x190: {  	s22 =	simm.s32 $0x12900;
	v3 =	vperm.xlane v3, v2  }
0x191: {  	[tilespmem:s22], [sflag:$0x4] =	stream.indirect_vreg.gather [hbm4b:s6+s4], $0x80, v4, vm0, $0xb8;
	[tilespmem:$0x18100] =	vst v63  }
0x192: {  	s19 =	simm.s32 $0x13100;
	v3 =	vadd.s32 v1, v3  }
0x193: {  	[tilespmem:s19], [sflag:$0x4] =	stream.indirect_vreg.gather [hbm4b:s7+s4], $0x80, v4, vm0, $0xb8;
	[tilespmem:$0x18100] =	vst v63  }
0x194: {  	s20 =	simm.s32 $0x13900  }
0x195: {  	[tilespmem:s20], [sflag:$0x4] =	stream.indirect_vreg.gather [hbm4b:s8+s4], $0x80, v4, vm0, $0xb8;
	[tilespmem:$0x18100] =	vst v63  }
0x196: {  	s21 =	simm.s32 $0x14100  }
0x197: {  	[tilespmem:s21], [sflag:$0x4] =	stream.indirect_vreg.gather [hbm4b:s0+s4], $0x80, v3, vm0, $0xb8;
	[tilespmem:$0x18100] =	vst v63  }
0x198: {  	s22 =	simm.s32 $0x14900  }
0x199: {  	[tilespmem:s22], [sflag:$0x4] =	stream.indirect_vreg.gather [hbm4b:s6+s4], $0x80, v3, vm0, $0xb8;
	[tilespmem:$0x18100] =	vst v63  }
0x19a: {  	s18 =	simm.s32 $0x15100  }
0x19b: {  	[tilespmem:s18], [sflag:$0x4] =	stream.indirect_vreg.gather [hbm4b:s7+s4], $0x80, v3, vm0, $0xb8;
	[tilespmem:$0x18100] =	vst v63  }
0x19c: {  	s18 =	simm.s32 $0x15900  }
0x19d: {  	[tilespmem:s18], [sflag:$0x4] =	stream.indirect_vreg.gather [hbm4b:s8+s4], $0x80, v3, vm0, $0xb8;
	[tilespmem:$0x18100] =	vst v63  }
0x19e: {  	v3 =	vld.msk [tilespmem:$0xB8], $0xff;
	_ =	sdelay $0x4  }
0x19f: {  	v31 =	vshll.u32 v3, $0x3  }
0x1a0: {  	v3 =	vand.u32 $0x7, v3;
	v4 =	vand.u32 $0xFFFFFFC0, v31  }
0x1a1: {  	v3 =	vor.u32 v3, v4  }
0x1a2: {  	v3 =	vperm.xlane v3, v0;
	_ =	sdelay $0x1  }
0x1a3: {  	v3 =	vadd.s32 v1, v3;
	_ =	sdelay $0x3  }
0x1a4: {  	s18 =	simm.s32 $0x16100  }
0x1a5: {  	[tilespmem:s18], [sflag:$0x4] =	stream.indirect_vreg.gather [hbm4b:s0+s4], $0x80, v3, vm0, $0xb8;
	[tilespmem:$0x18100] =	vst v63  }
0x1a6: {  	s18 =	simm.s32 $0x16900  }
0x1a7: {  	[tilespmem:s18], [sflag:$0x4] =	stream.indirect_vreg.gather [hbm4b:s6+s4], $0x80, v3, vm0, $0xb8;
	[tilespmem:$0x18100] =	vst v63  }
0x1a8: {  	s18 =	simm.s32 $0x17100  }
0x1a9: {  	[tilespmem:s18], [sflag:$0x4] =	stream.indirect_vreg.gather [hbm4b:s7+s4], $0x80, v3, vm0, $0xb8;
	[tilespmem:$0x18100] =	vst v63  }
0x1aa: {  	s18 =	simm.s32 $0x17900  }
0x1ab: {  	[tilespmem:s18], [sflag:$0x4] =	stream.indirect_vreg.gather [hbm4b:s8+s4], $0x80, v3, vm0, $0xb8;
	[tilespmem:$0x18100] =	vst v63  }
0x1ac: {  	_ =	swait.ge [sflag:s28], $0x6000  }
0x1ad: {  	[sflag:s28] =	ssyncset.done $0x0  }
0x1ae: {  	s18 =	rddreg [dreg:$0x18];
	[sflag:s28] =	ssyncadd.s32 $0xFFFFA000  }
0x1af: {  	[hbm4b:s18+s4] =	stream.linear.scatter [tilespmem:s26], [sflag:$0x7], $0x6000, $0x38;
	[tilespmem:$0x18100] =	vst v63  }
0x1b0: {  	_ =	swait.ge [sflag:s29], $0x6000  }
0x1b1: {  	[sflag:s29] =	ssyncset.done $0x0  }
0x1b2: {  	[sflag:s29] =	ssyncadd.s32 $0xFFFFA000  }
0x1b3: {  	v3 =	vld [tilespmem:$0x0];
	_ =	sdelay $0x4  }
0x1b4: {  	v32 =	vshll.u32 v3, $0x3  }
0x1b5: {  	v3 =	vand.u32 $0x7, v3;
	v4 =	vand.u32 $0xFFFFFFC0, v32  }
0x1b6: {  	v3 =	vor.u32 v3, v4  }
0x1b7: {  	v4 =	vperm.xlane v3, v0;
	_ =	sdelay $0x1  }
0x1b8: {  	v4 =	vadd.s32 v1, v4;
	_ =	sdelay $0x4  }
0x1b9: {  	[tilespmem:s17], [sflag:$0x1] =	stream.indirect_vreg.gather [hbm4b:s1+s4], $0x80, v4, vm0, $0xb8;
	[tilespmem:$0x18100] =	vst v63  }
0x1ba: {  	s18 =	simm.s32 $0x900;
	v3 =	vperm.xlane v3, v2  }
0x1bb: {  	[tilespmem:s18], [sflag:$0x1] =	stream.indirect_vreg.gather [hbm4b:s9+s4], $0x80, v4, vm0, $0xb8;
	[tilespmem:$0x18100] =	vst v63  }
0x1bc: {  	v3 =	vadd.s32 v1, v3;
	s18 =	simm.s32 $0x1100  }
0x1bd: {  	[tilespmem:s18], [sflag:$0x1] =	stream.indirect_vreg.gather [hbm4b:s10+s4], $0x80, v4, vm0, $0xb8;
	[tilespmem:$0x18100] =	vst v63  }
0x1be: {  	s18 =	simm.s32 $0x1900  }
0x1bf: {  	[tilespmem:s18], [sflag:$0x1] =	stream.indirect_vreg.gather [hbm4b:s11+s4], $0x80, v4, vm0, $0xb8;
	[tilespmem:$0x18100] =	vst v63  }
0x1c0: {  	s18 =	simm.s32 $0x2100  }
0x1c1: {  	[tilespmem:s18], [sflag:$0x1] =	stream.indirect_vreg.gather [hbm4b:s1+s4], $0x80, v3, vm0, $0xb8;
	[tilespmem:$0x18100] =	vst v63  }
0x1c2: {  	s18 =	simm.s32 $0x2900  }
0x1c3: {  	[tilespmem:s18], [sflag:$0x1] =	stream.indirect_vreg.gather [hbm4b:s9+s4], $0x80, v3, vm0, $0xb8;
	[tilespmem:$0x18100] =	vst v63  }
0x1c4: {  	s18 =	simm.s32 $0x3100  }
0x1c5: {  	[tilespmem:s18], [sflag:$0x1] =	stream.indirect_vreg.gather [hbm4b:s10+s4], $0x80, v3, vm0, $0xb8;
	[tilespmem:$0x18100] =	vst v63  }
0x1c6: {  	s18 =	simm.s32 $0x3900  }
0x1c7: {  	[tilespmem:s18], [sflag:$0x1] =	stream.indirect_vreg.gather [hbm4b:s11+s4], $0x80, v3, vm0, $0xb8;
	[tilespmem:$0x18100] =	vst v63  }
0x1c8: {  	v3 =	vld.msk [tilespmem:$0x10], $0xff;
	_ =	sdelay $0x4  }
0x1c9: {  	v33 =	vshll.u32 v3, $0x3  }
0x1ca: {  	v3 =	vand.u32 $0x7, v3;
	v4 =	vand.u32 $0xFFFFFFC0, v33  }
0x1cb: {  	v3 =	vor.u32 v3, v4  }
0x1cc: {  	v3 =	vperm.xlane v3, v0;
	_ =	sdelay $0x1  }
0x1cd: {  	v3 =	vadd.s32 v1, v3;
	_ =	sdelay $0x3  }
0x1ce: {  	s18 =	simm.s32 $0x4100  }
0x1cf: {  	[tilespmem:s18], [sflag:$0x1] =	stream.indirect_vreg.gather [hbm4b:s1+s4], $0x80, v3, vm0, $0xb8;
	[tilespmem:$0x18100] =	vst v63  }
0x1d0: {  	s18 =	simm.s32 $0x4900  }
0x1d1: {  	[tilespmem:s18], [sflag:$0x1] =	stream.indirect_vreg.gather [hbm4b:s9+s4], $0x80, v3, vm0, $0xb8;
	[tilespmem:$0x18100] =	vst v63  }
0x1d2: {  	s18 =	simm.s32 $0x5100  }
0x1d3: {  	[tilespmem:s18], [sflag:$0x1] =	stream.indirect_vreg.gather [hbm4b:s10+s4], $0x80, v3, vm0, $0xb8;
	[tilespmem:$0x18100] =	vst v63  }
0x1d4: {  	s18 =	simm.s32 $0x5900  }
0x1d5: {  	[tilespmem:s18], [sflag:$0x1] =	stream.indirect_vreg.gather [hbm4b:s11+s4], $0x80, v3, vm0, $0xb8;
	[tilespmem:$0x18100] =	vst v63  }
0x1d6: {  	_ =	swait.ge [sflag:s3], $0x6000  }
0x1d7: {  	[sflag:s3] =	ssyncset.done $0x0  }
0x1d8: {  	s18 =	rddreg [dreg:$0x19];
	[sflag:s3] =	ssyncadd.s32 $0xFFFFA000  }
0x1d9: {  	[hbm4b:s18+s4] =	stream.linear.scatter [tilespmem:s24], [sflag:$0x8], $0x6000, $0x38;
	[tilespmem:$0x18100] =	vst v63  }
0x1da: {  	_ =	swait.ge [sflag:s5], $0x6000  }
0x1db: {  	[sflag:s5] =	ssyncset.done $0x0  }
0x1dc: {  	[sflag:s5] =	ssyncadd.s32 $0xFFFFA000  }
0x1dd: {  	v3 =	vld [tilespmem:$0x18];
	_ =	sdelay $0x4  }
0x1de: {  	v34 =	vshll.u32 v3, $0x3  }
0x1df: {  	v3 =	vand.u32 $0x7, v3;
	v4 =	vand.u32 $0xFFFFFFC0, v34  }
0x1e0: {  	v3 =	vor.u32 v3, v4  }
0x1e1: {  	v4 =	vperm.xlane v3, v0;
	_ =	sdelay $0x1  }
0x1e2: {  	v4 =	vadd.s32 v1, v4;
	_ =	sdelay $0x4  }
0x1e3: {  	[tilespmem:s31], [sflag:$0x2] =	stream.indirect_vreg.gather [hbm4b:s1+s4], $0x80, v4, vm0, $0xb8;
	[tilespmem:$0x18100] =	vst v63  }
0x1e4: {  	s18 =	simm.s32 $0x6900;
	v3 =	vperm.xlane v3, v2  }
0x1e5: {  	[tilespmem:s18], [sflag:$0x2] =	stream.indirect_vreg.gather [hbm4b:s9+s4], $0x80, v4, vm0, $0xb8;
	[tilespmem:$0x18100] =	vst v63  }
0x1e6: {  	v3 =	vadd.s32 v1, v3;
	s18 =	simm.s32 $0x7100  }
0x1e7: {  	[tilespmem:s18], [sflag:$0x2] =	stream.indirect_vreg.gather [hbm4b:s10+s4], $0x80, v4, vm0, $0xb8;
	[tilespmem:$0x18100] =	vst v63  }
0x1e8: {  	s18 =	simm.s32 $0x7900  }
0x1e9: {  	[tilespmem:s18], [sflag:$0x2] =	stream.indirect_vreg.gather [hbm4b:s11+s4], $0x80, v4, vm0, $0xb8;
	[tilespmem:$0x18100] =	vst v63  }
0x1ea: {  	s18 =	simm.s32 $0x8100  }
0x1eb: {  	[tilespmem:s18], [sflag:$0x2] =	stream.indirect_vreg.gather [hbm4b:s1+s4], $0x80, v3, vm0, $0xb8;
	[tilespmem:$0x18100] =	vst v63  }
0x1ec: {  	s18 =	simm.s32 $0x8900  }
0x1ed: {  	[tilespmem:s18], [sflag:$0x2] =	stream.indirect_vreg.gather [hbm4b:s9+s4], $0x80, v3, vm0, $0xb8;
	[tilespmem:$0x18100] =	vst v63  }
0x1ee: {  	s18 =	simm.s32 $0x9100  }
0x1ef: {  	[tilespmem:s18], [sflag:$0x2] =	stream.indirect_vreg.gather [hbm4b:s10+s4], $0x80, v3, vm0, $0xb8;
	[tilespmem:$0x18100] =	vst v63  }
0x1f0: {  	s18 =	simm.s32 $0x9900  }
0x1f1: {  	[tilespmem:s18], [sflag:$0x2] =	stream.indirect_vreg.gather [hbm4b:s11+s4], $0x80, v3, vm0, $0xb8;
	[tilespmem:$0x18100] =	vst v63  }
0x1f2: {  	v3 =	vld.msk [tilespmem:$0x28], $0xff;
	_ =	sdelay $0x4  }
0x1f3: {  	v35 =	vshll.u32 v3, $0x3  }
0x1f4: {  	v3 =	vand.u32 $0x7, v3;
	v4 =	vand.u32 $0xFFFFFFC0, v35  }
0x1f5: {  	v3 =	vor.u32 v3, v4  }
0x1f6: {  	v3 =	vperm.xlane v3, v0;
	_ =	sdelay $0x1  }
0x1f7: {  	v3 =	vadd.s32 v1, v3;
	_ =	sdelay $0x3  }
0x1f8: {  	s18 =	simm.s32 $0xA100  }
0x1f9: {  	[tilespmem:s18], [sflag:$0x2] =	stream.indirect_vreg.gather [hbm4b:s1+s4], $0x80, v3, vm0, $0xb8;
	[tilespmem:$0x18100] =	vst v63  }
0x1fa: {  	s18 =	simm.s32 $0xA900  }
0x1fb: {  	[tilespmem:s18], [sflag:$0x2] =	stream.indirect_vreg.gather [hbm4b:s9+s4], $0x80, v3, vm0, $0xb8;
	[tilespmem:$0x18100] =	vst v63  }
0x1fc: {  	s18 =	simm.s32 $0xB100  }
0x1fd: {  	[tilespmem:s18], [sflag:$0x2] =	stream.indirect_vreg.gather [hbm4b:s10+s4], $0x80, v3, vm0, $0xb8;
	[tilespmem:$0x18100] =	vst v63  }
0x1fe: {  	s18 =	simm.s32 $0xB900  }
0x1ff: {  	[tilespmem:s18], [sflag:$0x2] =	stream.indirect_vreg.gather [hbm4b:s11+s4], $0x80, v3, vm0, $0xb8;
	[tilespmem:$0x18100] =	vst v63  }
0x200: {  	_ =	swait.ge [sflag:s25], $0x6000  }
0x201: {  	[sflag:s25] =	ssyncset.done $0x0  }
0x202: {  	s18 =	rddreg [dreg:$0x1a];
	[sflag:s25] =	ssyncadd.s32 $0xFFFFA000  }
0x203: {  	[hbm4b:s18+s4] =	stream.linear.scatter [tilespmem:s17], [sflag:$0x5], $0x6000, $0x38;
	[tilespmem:$0x18100] =	vst v63  }
0x204: {  	_ =	swait.ge [sflag:s16], $0x6000  }
0x205: {  	[sflag:s16] =	ssyncset.done $0x0  }
0x206: {  	[sflag:s16] =	ssyncadd.s32 $0xFFFFA000  }
0x207: {  	v3 =	vld [tilespmem:$0x30];
	_ =	sdelay $0x4  }
0x208: {  	v36 =	vshll.u32 v3, $0x3  }
0x209: {  	v3 =	vand.u32 $0x7, v3;
	v4 =	vand.u32 $0xFFFFFFC0, v36  }
0x20a: {  	v3 =	vor.u32 v3, v4  }
0x20b: {  	v4 =	vperm.xlane v3, v0;
	_ =	sdelay $0x1  }
0x20c: {  	v4 =	vadd.s32 v1, v4;
	_ =	sdelay $0x4  }
0x20d: {  	[tilespmem:s26], [sflag:$0x3] =	stream.indirect_vreg.gather [hbm4b:s1+s4], $0x80, v4, vm0, $0xb8;
	[tilespmem:$0x18100] =	vst v63  }
0x20e: {  	s18 =	simm.s32 $0xC900;
	v3 =	vperm.xlane v3, v2  }
0x20f: {  	[tilespmem:s18], [sflag:$0x3] =	stream.indirect_vreg.gather [hbm4b:s9+s4], $0x80, v4, vm0, $0xb8;
	[tilespmem:$0x18100] =	vst v63  }
0x210: {  	v3 =	vadd.s32 v1, v3;
	s18 =	simm.s32 $0xD100  }
0x211: {  	[tilespmem:s18], [sflag:$0x3] =	stream.indirect_vreg.gather [hbm4b:s10+s4], $0x80, v4, vm0, $0xb8;
	[tilespmem:$0x18100] =	vst v63  }
0x212: {  	s18 =	simm.s32 $0xD900  }
0x213: {  	[tilespmem:s18], [sflag:$0x3] =	stream.indirect_vreg.gather [hbm4b:s11+s4], $0x80, v4, vm0, $0xb8;
	[tilespmem:$0x18100] =	vst v63  }
0x214: {  	s18 =	simm.s32 $0xE100  }
0x215: {  	[tilespmem:s18], [sflag:$0x3] =	stream.indirect_vreg.gather [hbm4b:s1+s4], $0x80, v3, vm0, $0xb8;
	[tilespmem:$0x18100] =	vst v63  }
0x216: {  	s18 =	simm.s32 $0xE900  }
0x217: {  	[tilespmem:s18], [sflag:$0x3] =	stream.indirect_vreg.gather [hbm4b:s9+s4], $0x80, v3, vm0, $0xb8;
	[tilespmem:$0x18100] =	vst v63  }
0x218: {  	s18 =	simm.s32 $0xF100  }
0x219: {  	[tilespmem:s18], [sflag:$0x3] =	stream.indirect_vreg.gather [hbm4b:s10+s4], $0x80, v3, vm0, $0xb8;
	[tilespmem:$0x18100] =	vst v63  }
0x21a: {  	s18 =	simm.s32 $0xF900  }
0x21b: {  	[tilespmem:s18], [sflag:$0x3] =	stream.indirect_vreg.gather [hbm4b:s11+s4], $0x80, v3, vm0, $0xb8;
	[tilespmem:$0x18100] =	vst v63  }
0x21c: {  	v3 =	vld.msk [tilespmem:$0x40], $0xff;
	_ =	sdelay $0x4  }
0x21d: {  	v37 =	vshll.u32 v3, $0x3  }
0x21e: {  	v3 =	vand.u32 $0x7, v3;
	v4 =	vand.u32 $0xFFFFFFC0, v37  }
0x21f: {  	v3 =	vor.u32 v3, v4  }
0x220: {  	v3 =	vperm.xlane v3, v0;
	_ =	sdelay $0x1  }
0x221: {  	v3 =	vadd.s32 v1, v3;
	_ =	sdelay $0x3  }
0x222: {  	s18 =	simm.s32 $0x10100  }
0x223: {  	[tilespmem:s18], [sflag:$0x3] =	stream.indirect_vreg.gather [hbm4b:s1+s4], $0x80, v3, vm0, $0xb8;
	[tilespmem:$0x18100] =	vst v63  }
0x224: {  	s18 =	simm.s32 $0x10900  }
0x225: {  	[tilespmem:s18], [sflag:$0x3] =	stream.indirect_vreg.gather [hbm4b:s9+s4], $0x80, v3, vm0, $0xb8;
	[tilespmem:$0x18100] =	vst v63  }
0x226: {  	s18 =	simm.s32 $0x11100  }
0x227: {  	[tilespmem:s18], [sflag:$0x3] =	stream.indirect_vreg.gather [hbm4b:s10+s4], $0x80, v3, vm0, $0xb8;
	[tilespmem:$0x18100] =	vst v63  }
0x228: {  	s18 =	simm.s32 $0x11900  }
0x229: {  	[tilespmem:s18], [sflag:$0x3] =	stream.indirect_vreg.gather [hbm4b:s11+s4], $0x80, v3, vm0, $0xb8;
	[tilespmem:$0x18100] =	vst v63  }
0x22a: {  	_ =	swait.ge [sflag:s23], $0x6000  }
0x22b: {  	[sflag:s23] =	ssyncset.done $0x0  }
0x22c: {  	s18 =	rddreg [dreg:$0x1b];
	[sflag:s23] =	ssyncadd.s32 $0xFFFFA000  }
0x22d: {  	[hbm4b:s18+s4] =	stream.linear.scatter [tilespmem:s31], [sflag:$0x6], $0x6000, $0x38;
	[tilespmem:$0x18100] =	vst v63  }
0x22e: {  	_ =	swait.ge [sflag:s30], $0x6000  }
0x22f: {  	[sflag:s30] =	ssyncset.done $0x0  }
0x230: {  	[sflag:s30] =	ssyncadd.s32 $0xFFFFA000  }
0x231: {  	v3 =	vld [tilespmem:$0x48];
	_ =	sdelay $0x4  }
0x232: {  	v38 =	vshll.u32 v3, $0x3  }
0x233: {  	v3 =	vand.u32 $0x7, v3;
	v4 =	vand.u32 $0xFFFFFFC0, v38  }
0x234: {  	v3 =	vor.u32 v3, v4  }
0x235: {  	v4 =	vperm.xlane v3, v0;
	_ =	sdelay $0x1  }
0x236: {  	v4 =	vadd.s32 v1, v4;
	_ =	sdelay $0x4  }
0x237: {  	[tilespmem:s24], [sflag:$0x4] =	stream.indirect_vreg.gather [hbm4b:s1+s4], $0x80, v4, vm0, $0xb8;
	[tilespmem:$0x18100] =	vst v63  }
0x238: {  	s18 =	simm.s32 $0x12900;
	v3 =	vperm.xlane v3, v2  }
0x239: {  	[tilespmem:s18], [sflag:$0x4] =	stream.indirect_vreg.gather [hbm4b:s9+s4], $0x80, v4, vm0, $0xb8;
	[tilespmem:$0x18100] =	vst v63  }
0x23a: {  	s19 =	simm.s32 $0x13100;
	v3 =	vadd.s32 v1, v3  }
0x23b: {  	[tilespmem:s19], [sflag:$0x4] =	stream.indirect_vreg.gather [hbm4b:s10+s4], $0x80, v4, vm0, $0xb8;
	[tilespmem:$0x18100] =	vst v63  }
0x23c: {  	s20 =	simm.s32 $0x13900  }
0x23d: {  	[tilespmem:s20], [sflag:$0x4] =	stream.indirect_vreg.gather [hbm4b:s11+s4], $0x80, v4, vm0, $0xb8;
	[tilespmem:$0x18100] =	vst v63  }
0x23e: {  	s21 =	simm.s32 $0x14100  }
0x23f: {  	[tilespmem:s21], [sflag:$0x4] =	stream.indirect_vreg.gather [hbm4b:s1+s4], $0x80, v3, vm0, $0xb8;
	[tilespmem:$0x18100] =	vst v63  }
0x240: {  	s22 =	simm.s32 $0x14900  }
0x241: {  	[tilespmem:s22], [sflag:$0x4] =	stream.indirect_vreg.gather [hbm4b:s9+s4], $0x80, v3, vm0, $0xb8;
	[tilespmem:$0x18100] =	vst v63  }
0x242: {  	s19 =	simm.s32 $0x15100  }
0x243: {  	[tilespmem:s19], [sflag:$0x4] =	stream.indirect_vreg.gather [hbm4b:s10+s4], $0x80, v3, vm0, $0xb8;
	[tilespmem:$0x18100] =	vst v63  }
0x244: {  	s18 =	simm.s32 $0x15900  }
0x245: {  	[tilespmem:s18], [sflag:$0x4] =	stream.indirect_vreg.gather [hbm4b:s11+s4], $0x80, v3, vm0, $0xb8;
	[tilespmem:$0x18100] =	vst v63  }
0x246: {  	v3 =	vld.msk [tilespmem:$0x58], $0xff;
	_ =	sdelay $0x4  }
0x247: {  	v39 =	vshll.u32 v3, $0x3  }
0x248: {  	v3 =	vand.u32 $0x7, v3;
	v4 =	vand.u32 $0xFFFFFFC0, v39  }
0x249: {  	v3 =	vor.u32 v3, v4  }
0x24a: {  	v3 =	vperm.xlane v3, v0;
	_ =	sdelay $0x1  }
0x24b: {  	v3 =	vadd.s32 v1, v3;
	_ =	sdelay $0x3  }
0x24c: {  	s18 =	simm.s32 $0x16100  }
0x24d: {  	[tilespmem:s18], [sflag:$0x4] =	stream.indirect_vreg.gather [hbm4b:s1+s4], $0x80, v3, vm0, $0xb8;
	[tilespmem:$0x18100] =	vst v63  }
0x24e: {  	s18 =	simm.s32 $0x16900  }
0x24f: {  	[tilespmem:s18], [sflag:$0x4] =	stream.indirect_vreg.gather [hbm4b:s9+s4], $0x80, v3, vm0, $0xb8;
	[tilespmem:$0x18100] =	vst v63  }
0x250: {  	s18 =	simm.s32 $0x17100  }
0x251: {  	[tilespmem:s18], [sflag:$0x4] =	stream.indirect_vreg.gather [hbm4b:s10+s4], $0x80, v3, vm0, $0xb8;
	[tilespmem:$0x18100] =	vst v63  }
0x252: {  	s18 =	simm.s32 $0x17900  }
0x253: {  	[tilespmem:s18], [sflag:$0x4] =	stream.indirect_vreg.gather [hbm4b:s11+s4], $0x80, v3, vm0, $0xb8;
	[tilespmem:$0x18100] =	vst v63  }
0x254: {  	_ =	swait.ge [sflag:s28], $0x6000  }
0x255: {  	[sflag:s28] =	ssyncset.done $0x0  }
0x256: {  	s18 =	rddreg [dreg:$0x1c];
	[sflag:s28] =	ssyncadd.s32 $0xFFFFA000  }
0x257: {  	[hbm4b:s18+s4] =	stream.linear.scatter [tilespmem:s26], [sflag:$0x7], $0x6000, $0x38;
	[tilespmem:$0x18100] =	vst v63  }
0x258: {  	_ =	swait.ge [sflag:s29], $0x6000  }
0x259: {  	[sflag:s29] =	ssyncset.done $0x0  }
0x25a: {  	[sflag:s29] =	ssyncadd.s32 $0xFFFFA000  }
0x25b: {  	v3 =	vld [tilespmem:$0x60];
	_ =	sdelay $0x4  }
0x25c: {  	v40 =	vshll.u32 v3, $0x3  }
0x25d: {  	v3 =	vand.u32 $0x7, v3;
	v4 =	vand.u32 $0xFFFFFFC0, v40  }
0x25e: {  	v3 =	vor.u32 v3, v4  }
0x25f: {  	v4 =	vperm.xlane v3, v0;
	_ =	sdelay $0x1  }
0x260: {  	v4 =	vadd.s32 v1, v4;
	_ =	sdelay $0x4  }
0x261: {  	[tilespmem:s17], [sflag:$0x1] =	stream.indirect_vreg.gather [hbm4b:s1+s4], $0x80, v4, vm0, $0xb8;
	[tilespmem:$0x18100] =	vst v63  }
0x262: {  	s18 =	simm.s32 $0x900;
	v3 =	vperm.xlane v3, v2  }
0x263: {  	[tilespmem:s18], [sflag:$0x1] =	stream.indirect_vreg.gather [hbm4b:s9+s4], $0x80, v4, vm0, $0xb8;
	[tilespmem:$0x18100] =	vst v63  }
0x264: {  	v3 =	vadd.s32 v1, v3;
	s18 =	simm.s32 $0x1100  }
0x265: {  	[tilespmem:s18], [sflag:$0x1] =	stream.indirect_vreg.gather [hbm4b:s10+s4], $0x80, v4, vm0, $0xb8;
	[tilespmem:$0x18100] =	vst v63  }
0x266: {  	s18 =	simm.s32 $0x1900  }
0x267: {  	[tilespmem:s18], [sflag:$0x1] =	stream.indirect_vreg.gather [hbm4b:s11+s4], $0x80, v4, vm0, $0xb8;
	[tilespmem:$0x18100] =	vst v63  }
0x268: {  	s18 =	simm.s32 $0x2100  }
0x269: {  	[tilespmem:s18], [sflag:$0x1] =	stream.indirect_vreg.gather [hbm4b:s1+s4], $0x80, v3, vm0, $0xb8;
	[tilespmem:$0x18100] =	vst v63  }
0x26a: {  	s18 =	simm.s32 $0x2900  }
0x26b: {  	[tilespmem:s18], [sflag:$0x1] =	stream.indirect_vreg.gather [hbm4b:s9+s4], $0x80, v3, vm0, $0xb8;
	[tilespmem:$0x18100] =	vst v63  }
0x26c: {  	s18 =	simm.s32 $0x3100  }
0x26d: {  	[tilespmem:s18], [sflag:$0x1] =	stream.indirect_vreg.gather [hbm4b:s10+s4], $0x80, v3, vm0, $0xb8;
	[tilespmem:$0x18100] =	vst v63  }
0x26e: {  	s18 =	simm.s32 $0x3900  }
0x26f: {  	[tilespmem:s18], [sflag:$0x1] =	stream.indirect_vreg.gather [hbm4b:s11+s4], $0x80, v3, vm0, $0xb8;
	[tilespmem:$0x18100] =	vst v63  }
0x270: {  	v3 =	vld.msk [tilespmem:$0x70], $0xff;
	_ =	sdelay $0x4  }
0x271: {  	v41 =	vshll.u32 v3, $0x3  }
0x272: {  	v3 =	vand.u32 $0x7, v3;
	v4 =	vand.u32 $0xFFFFFFC0, v41  }
0x273: {  	v3 =	vor.u32 v3, v4  }
0x274: {  	v3 =	vperm.xlane v3, v0;
	_ =	sdelay $0x1  }
0x275: {  	v3 =	vadd.s32 v1, v3;
	_ =	sdelay $0x3  }
0x276: {  	s18 =	simm.s32 $0x4100  }
0x277: {  	[tilespmem:s18], [sflag:$0x1] =	stream.indirect_vreg.gather [hbm4b:s1+s4], $0x80, v3, vm0, $0xb8;
	[tilespmem:$0x18100] =	vst v63  }
0x278: {  	s18 =	simm.s32 $0x4900  }
0x279: {  	[tilespmem:s18], [sflag:$0x1] =	stream.indirect_vreg.gather [hbm4b:s9+s4], $0x80, v3, vm0, $0xb8;
	[tilespmem:$0x18100] =	vst v63  }
0x27a: {  	s18 =	simm.s32 $0x5100  }
0x27b: {  	[tilespmem:s18], [sflag:$0x1] =	stream.indirect_vreg.gather [hbm4b:s10+s4], $0x80, v3, vm0, $0xb8;
	[tilespmem:$0x18100] =	vst v63  }
0x27c: {  	s18 =	simm.s32 $0x5900  }
0x27d: {  	[tilespmem:s18], [sflag:$0x1] =	stream.indirect_vreg.gather [hbm4b:s11+s4], $0x80, v3, vm0, $0xb8;
	[tilespmem:$0x18100] =	vst v63  }
0x27e: {  	_ =	swait.ge [sflag:s3], $0x6000  }
0x27f: {  	[sflag:s3] =	ssyncset.done $0x0  }
0x280: {  	s18 =	rddreg [dreg:$0x1d];
	[sflag:s3] =	ssyncadd.s32 $0xFFFFA000  }
0x281: {  	[hbm4b:s18+s4] =	stream.linear.scatter [tilespmem:s24], [sflag:$0x8], $0x6000, $0x38;
	[tilespmem:$0x18100] =	vst v63  }
0x282: {  	_ =	swait.ge [sflag:s5], $0x6000  }
0x283: {  	[sflag:s5] =	ssyncset.done $0x0  }
0x284: {  	[sflag:s5] =	ssyncadd.s32 $0xFFFFA000  }
0x285: {  	v3 =	vld [tilespmem:$0x78];
	_ =	sdelay $0x4  }
0x286: {  	v42 =	vshll.u32 v3, $0x3  }
0x287: {  	v3 =	vand.u32 $0x7, v3;
	v4 =	vand.u32 $0xFFFFFFC0, v42  }
0x288: {  	v3 =	vor.u32 v3, v4  }
0x289: {  	v4 =	vperm.xlane v3, v0;
	_ =	sdelay $0x1  }
0x28a: {  	v4 =	vadd.s32 v1, v4;
	_ =	sdelay $0x4  }
0x28b: {  	[tilespmem:s31], [sflag:$0x2] =	stream.indirect_vreg.gather [hbm4b:s1+s4], $0x80, v4, vm0, $0xb8;
	[tilespmem:$0x18100] =	vst v63  }
0x28c: {  	s18 =	simm.s32 $0x6900;
	v3 =	vperm.xlane v3, v2  }
0x28d: {  	[tilespmem:s18], [sflag:$0x2] =	stream.indirect_vreg.gather [hbm4b:s9+s4], $0x80, v4, vm0, $0xb8;
	[tilespmem:$0x18100] =	vst v63  }
0x28e: {  	v3 =	vadd.s32 v1, v3;
	s18 =	simm.s32 $0x7100  }
0x28f: {  	[tilespmem:s18], [sflag:$0x2] =	stream.indirect_vreg.gather [hbm4b:s10+s4], $0x80, v4, vm0, $0xb8;
	[tilespmem:$0x18100] =	vst v63  }
0x290: {  	s18 =	simm.s32 $0x7900  }
0x291: {  	[tilespmem:s18], [sflag:$0x2] =	stream.indirect_vreg.gather [hbm4b:s11+s4], $0x80, v4, vm0, $0xb8;
	[tilespmem:$0x18100] =	vst v63  }
0x292: {  	s18 =	simm.s32 $0x8100  }
0x293: {  	[tilespmem:s18], [sflag:$0x2] =	stream.indirect_vreg.gather [hbm4b:s1+s4], $0x80, v3, vm0, $0xb8;
	[tilespmem:$0x18100] =	vst v63  }
0x294: {  	s18 =	simm.s32 $0x8900  }
0x295: {  	[tilespmem:s18], [sflag:$0x2] =	stream.indirect_vreg.gather [hbm4b:s9+s4], $0x80, v3, vm0, $0xb8;
	[tilespmem:$0x18100] =	vst v63  }
0x296: {  	s18 =	simm.s32 $0x9100  }
0x297: {  	[tilespmem:s18], [sflag:$0x2] =	stream.indirect_vreg.gather [hbm4b:s10+s4], $0x80, v3, vm0, $0xb8;
	[tilespmem:$0x18100] =	vst v63  }
0x298: {  	s18 =	simm.s32 $0x9900  }
0x299: {  	[tilespmem:s18], [sflag:$0x2] =	stream.indirect_vreg.gather [hbm4b:s11+s4], $0x80, v3, vm0, $0xb8;
	[tilespmem:$0x18100] =	vst v63  }
0x29a: {  	v3 =	vld.msk [tilespmem:$0x88], $0xff;
	_ =	sdelay $0x4  }
0x29b: {  	v43 =	vshll.u32 v3, $0x3  }
0x29c: {  	v3 =	vand.u32 $0x7, v3;
	v4 =	vand.u32 $0xFFFFFFC0, v43  }
0x29d: {  	v3 =	vor.u32 v3, v4  }
0x29e: {  	v3 =	vperm.xlane v3, v0;
	_ =	sdelay $0x1  }
0x29f: {  	v3 =	vadd.s32 v1, v3;
	_ =	sdelay $0x3  }
0x2a0: {  	s18 =	simm.s32 $0xA100  }
0x2a1: {  	[tilespmem:s18], [sflag:$0x2] =	stream.indirect_vreg.gather [hbm4b:s1+s4], $0x80, v3, vm0, $0xb8;
	[tilespmem:$0x18100] =	vst v63  }
0x2a2: {  	s18 =	simm.s32 $0xA900  }
0x2a3: {  	[tilespmem:s18], [sflag:$0x2] =	stream.indirect_vreg.gather [hbm4b:s9+s4], $0x80, v3, vm0, $0xb8;
	[tilespmem:$0x18100] =	vst v63  }
0x2a4: {  	s18 =	simm.s32 $0xB100  }
0x2a5: {  	[tilespmem:s18], [sflag:$0x2] =	stream.indirect_vreg.gather [hbm4b:s10+s4], $0x80, v3, vm0, $0xb8;
	[tilespmem:$0x18100] =	vst v63  }
0x2a6: {  	s18 =	simm.s32 $0xB900  }
0x2a7: {  	[tilespmem:s18], [sflag:$0x2] =	stream.indirect_vreg.gather [hbm4b:s11+s4], $0x80, v3, vm0, $0xb8;
	[tilespmem:$0x18100] =	vst v63  }
0x2a8: {  	_ =	swait.ge [sflag:s25], $0x6000  }
0x2a9: {  	[sflag:s25] =	ssyncset.done $0x0  }
0x2aa: {  	s18 =	rddreg [dreg:$0x1e];
	[sflag:s25] =	ssyncadd.s32 $0xFFFFA000  }
0x2ab: {  	[hbm4b:s18+s4] =	stream.linear.scatter [tilespmem:s17], [sflag:$0x5], $0x6000, $0x38;
	[tilespmem:$0x18100] =	vst v63  }
0x2ac: {  	_ =	swait.ge [sflag:s16], $0x6000  }
0x2ad: {  	[sflag:s16] =	ssyncset.done $0x0  }
0x2ae: {  	[sflag:s16] =	ssyncadd.s32 $0xFFFFA000  }
0x2af: {  	v3 =	vld [tilespmem:$0x90];
	_ =	sdelay $0x4  }
0x2b0: {  	v44 =	vshll.u32 v3, $0x3  }
0x2b1: {  	v3 =	vand.u32 $0x7, v3;
	v4 =	vand.u32 $0xFFFFFFC0, v44  }
0x2b2: {  	v3 =	vor.u32 v3, v4  }
0x2b3: {  	v4 =	vperm.xlane v3, v0;
	_ =	sdelay $0x1  }
0x2b4: {  	v4 =	vadd.s32 v1, v4;
	_ =	sdelay $0x4  }
0x2b5: {  	[tilespmem:s26], [sflag:$0x3] =	stream.indirect_vreg.gather [hbm4b:s1+s4], $0x80, v4, vm0, $0xb8;
	[tilespmem:$0x18100] =	vst v63  }
0x2b6: {  	s18 =	simm.s32 $0xC900;
	v3 =	vperm.xlane v3, v2  }
0x2b7: {  	[tilespmem:s18], [sflag:$0x3] =	stream.indirect_vreg.gather [hbm4b:s9+s4], $0x80, v4, vm0, $0xb8;
	[tilespmem:$0x18100] =	vst v63  }
0x2b8: {  	v3 =	vadd.s32 v1, v3;
	s18 =	simm.s32 $0xD100  }
0x2b9: {  	[tilespmem:s18], [sflag:$0x3] =	stream.indirect_vreg.gather [hbm4b:s10+s4], $0x80, v4, vm0, $0xb8;
	[tilespmem:$0x18100] =	vst v63  }
0x2ba: {  	s18 =	simm.s32 $0xD900  }
0x2bb: {  	[tilespmem:s18], [sflag:$0x3] =	stream.indirect_vreg.gather [hbm4b:s11+s4], $0x80, v4, vm0, $0xb8;
	[tilespmem:$0x18100] =	vst v63  }
0x2bc: {  	s18 =	simm.s32 $0xE100  }
0x2bd: {  	[tilespmem:s18], [sflag:$0x3] =	stream.indirect_vreg.gather [hbm4b:s1+s4], $0x80, v3, vm0, $0xb8;
	[tilespmem:$0x18100] =	vst v63  }
0x2be: {  	s18 =	simm.s32 $0xE900  }
0x2bf: {  	[tilespmem:s18], [sflag:$0x3] =	stream.indirect_vreg.gather [hbm4b:s9+s4], $0x80, v3, vm0, $0xb8;
	[tilespmem:$0x18100] =	vst v63  }
0x2c0: {  	s18 =	simm.s32 $0xF100  }
0x2c1: {  	[tilespmem:s18], [sflag:$0x3] =	stream.indirect_vreg.gather [hbm4b:s10+s4], $0x80, v3, vm0, $0xb8;
	[tilespmem:$0x18100] =	vst v63  }
0x2c2: {  	s18 =	simm.s32 $0xF900  }
0x2c3: {  	[tilespmem:s18], [sflag:$0x3] =	stream.indirect_vreg.gather [hbm4b:s11+s4], $0x80, v3, vm0, $0xb8;
	[tilespmem:$0x18100] =	vst v63  }
0x2c4: {  	v3 =	vld.msk [tilespmem:$0xA0], $0xff;
	_ =	sdelay $0x4  }
0x2c5: {  	v45 =	vshll.u32 v3, $0x3  }
0x2c6: {  	v3 =	vand.u32 $0x7, v3;
	v4 =	vand.u32 $0xFFFFFFC0, v45  }
0x2c7: {  	v3 =	vor.u32 v3, v4  }
0x2c8: {  	v3 =	vperm.xlane v3, v0;
	_ =	sdelay $0x1  }
0x2c9: {  	v3 =	vadd.s32 v1, v3;
	_ =	sdelay $0x3  }
0x2ca: {  	s18 =	simm.s32 $0x10100  }
0x2cb: {  	[tilespmem:s18], [sflag:$0x3] =	stream.indirect_vreg.gather [hbm4b:s1+s4], $0x80, v3, vm0, $0xb8;
	[tilespmem:$0x18100] =	vst v63  }
0x2cc: {  	s18 =	simm.s32 $0x10900  }
0x2cd: {  	[tilespmem:s18], [sflag:$0x3] =	stream.indirect_vreg.gather [hbm4b:s9+s4], $0x80, v3, vm0, $0xb8;
	[tilespmem:$0x18100] =	vst v63  }
0x2ce: {  	s18 =	simm.s32 $0x11100  }
0x2cf: {  	[tilespmem:s18], [sflag:$0x3] =	stream.indirect_vreg.gather [hbm4b:s10+s4], $0x80, v3, vm0, $0xb8;
	[tilespmem:$0x18100] =	vst v63  }
0x2d0: {  	s18 =	simm.s32 $0x11900  }
0x2d1: {  	[tilespmem:s18], [sflag:$0x3] =	stream.indirect_vreg.gather [hbm4b:s11+s4], $0x80, v3, vm0, $0xb8;
	[tilespmem:$0x18100] =	vst v63  }
0x2d2: {  	_ =	swait.ge [sflag:s23], $0x6000  }
0x2d3: {  	[sflag:s23] =	ssyncset.done $0x0  }
0x2d4: {  	s18 =	rddreg [dreg:$0x1f];
	[sflag:s23] =	ssyncadd.s32 $0xFFFFA000  }
0x2d5: {  	[hbm4b:s18+s4] =	stream.linear.scatter [tilespmem:s31], [sflag:$0x6], $0x6000, $0x38;
	[tilespmem:$0x18100] =	vst v63  }
0x2d6: {  	_ =	swait.ge [sflag:s30], $0x6000  }
0x2d7: {  	[sflag:s30] =	ssyncset.done $0x0  }
0x2d8: {  	[sflag:s30] =	ssyncadd.s32 $0xFFFFA000  }
0x2d9: {  	v3 =	vld [tilespmem:$0xA8];
	_ =	sdelay $0x4  }
0x2da: {  	v46 =	vshll.u32 v3, $0x3  }
0x2db: {  	v3 =	vand.u32 $0x7, v3;
	v4 =	vand.u32 $0xFFFFFFC0, v46  }
0x2dc: {  	v3 =	vor.u32 v3, v4  }
0x2dd: {  	v4 =	vperm.xlane v3, v0;
	_ =	sdelay $0x1  }
0x2de: {  	v4 =	vadd.s32 v1, v4;
	_ =	sdelay $0x4  }
0x2df: {  	[tilespmem:s24], [sflag:$0x4] =	stream.indirect_vreg.gather [hbm4b:s1+s4], $0x80, v4, vm0, $0xb8;
	[tilespmem:$0x18100] =	vst v63  }
0x2e0: {  	s18 =	simm.s32 $0x12900;
	v3 =	vperm.xlane v3, v2  }
0x2e1: {  	[tilespmem:s18], [sflag:$0x4] =	stream.indirect_vreg.gather [hbm4b:s9+s4], $0x80, v4, vm0, $0xb8;
	[tilespmem:$0x18100] =	vst v63  }
0x2e2: {  	v3 =	vadd.s32 v1, v3;
	s18 =	simm.s32 $0x13100  }
0x2e3: {  	[tilespmem:s18], [sflag:$0x4] =	stream.indirect_vreg.gather [hbm4b:s10+s4], $0x80, v4, vm0, $0xb8;
	[tilespmem:$0x18100] =	vst v63  }
0x2e4: {  	s20 =	simm.s32 $0x13900  }
0x2e5: {  	[tilespmem:s20], [sflag:$0x4] =	stream.indirect_vreg.gather [hbm4b:s11+s4], $0x80, v4, vm0, $0xb8;
	[tilespmem:$0x18100] =	vst v63  }
0x2e6: {  	s21 =	simm.s32 $0x14100  }
0x2e7: {  	[tilespmem:s21], [sflag:$0x4] =	stream.indirect_vreg.gather [hbm4b:s1+s4], $0x80, v3, vm0, $0xb8;
	[tilespmem:$0x18100] =	vst v63  }
0x2e8: {  	s22 =	simm.s32 $0x14900  }
0x2e9: {  	[tilespmem:s22], [sflag:$0x4] =	stream.indirect_vreg.gather [hbm4b:s9+s4], $0x80, v3, vm0, $0xb8;
	[tilespmem:$0x18100] =	vst v63  }
0x2ea: {  	s19 =	simm.s32 $0x15100  }
0x2eb: {  	[tilespmem:s19], [sflag:$0x4] =	stream.indirect_vreg.gather [hbm4b:s10+s4], $0x80, v3, vm0, $0xb8;
	[tilespmem:$0x18100] =	vst v63  }
0x2ec: {  	s22 =	simm.s32 $0x15900  }
0x2ed: {  	[tilespmem:s22], [sflag:$0x4] =	stream.indirect_vreg.gather [hbm4b:s11+s4], $0x80, v3, vm0, $0xb8;
	[tilespmem:$0x18100] =	vst v63  }
0x2ee: {  	v3 =	vld.msk [tilespmem:$0xB8], $0xff;
	_ =	sdelay $0x4  }
0x2ef: {  	v47 =	vshll.u32 v3, $0x3  }
0x2f0: {  	v3 =	vand.u32 $0x7, v3;
	v4 =	vand.u32 $0xFFFFFFC0, v47  }
0x2f1: {  	v3 =	vor.u32 v3, v4  }
0x2f2: {  	v3 =	vperm.xlane v3, v0;
	_ =	sdelay $0x1  }
0x2f3: {  	v3 =	vadd.s32 v1, v3;
	_ =	sdelay $0x3  }
0x2f4: {  	s19 =	simm.s32 $0x16100  }
0x2f5: {  	[tilespmem:s19], [sflag:$0x4] =	stream.indirect_vreg.gather [hbm4b:s1+s4], $0x80, v3, vm0, $0xb8;
	[tilespmem:$0x18100] =	vst v63  }
0x2f6: {  	s21 =	simm.s32 $0x16900  }
0x2f7: {  	[tilespmem:s21], [sflag:$0x4] =	stream.indirect_vreg.gather [hbm4b:s9+s4], $0x80, v3, vm0, $0xb8;
	[tilespmem:$0x18100] =	vst v63  }
0x2f8: {  	s22 =	simm.s32 $0x17100  }
0x2f9: {  	[tilespmem:s22], [sflag:$0x4] =	stream.indirect_vreg.gather [hbm4b:s10+s4], $0x80, v3, vm0, $0xb8;
	[tilespmem:$0x18100] =	vst v63  }
0x2fa: {  	s19 =	simm.s32 $0x17900  }
0x2fb: {  	[tilespmem:s19], [sflag:$0x4] =	stream.indirect_vreg.gather [hbm4b:s11+s4], $0x80, v3, vm0, $0xb8;
	[tilespmem:$0x18100] =	vst v63  }
0x2fc: {  	_ =	swait.ge [sflag:s28], $0x6000  }
0x2fd: {  	s21 =	sld [smem:$0x7F1]  }
0x2fe: {  	[sflag:s28] =	ssyncset.done $0x0  }
0x2ff: {  	[sflag:s28] =	ssyncadd.s32 $0xFFFFA000  }
0x300: {  	[hbm4b:s21+s4] =	stream.linear.scatter [tilespmem:s26], [sflag:$0x7], $0x6000, $0x38;
	[tilespmem:$0x18100] =	vst v63  }
0x301: {  	_ =	swait.ge [sflag:s29], $0x6000  }
0x302: {  	[sflag:s29] =	ssyncset.done $0x0  }
0x303: {  	[sflag:s29] =	ssyncadd.s32 $0xFFFFA000  }
0x304: {  	v3 =	vld [tilespmem:$0x0];
	_ =	sdelay $0x4  }
0x305: {  	v48 =	vshll.u32 v3, $0x3  }
0x306: {  	v3 =	vand.u32 $0x7, v3;
	v4 =	vand.u32 $0xFFFFFFC0, v48  }
0x307: {  	v3 =	vor.u32 v3, v4  }
0x308: {  	v4 =	vperm.xlane v3, v0;
	_ =	sdelay $0x1  }
0x309: {  	v4 =	vadd.s32 v1, v4;
	_ =	sdelay $0x4  }
0x30a: {  	[tilespmem:s17], [sflag:$0x1] =	stream.indirect_vreg.gather [hbm4b:s2+s4], $0x80, v4, vm0, $0xb8;
	[tilespmem:$0x18100] =	vst v63  }
0x30b: {  	s22 =	simm.s32 $0x900;
	v3 =	vperm.xlane v3, v2  }
0x30c: {  	[tilespmem:s22], [sflag:$0x1] =	stream.indirect_vreg.gather [hbm4b:s12+s4], $0x80, v4, vm0, $0xb8;
	[tilespmem:$0x18100] =	vst v63  }
0x30d: {  	s19 =	simm.s32 $0x1100;
	v3 =	vadd.s32 v1, v3  }
0x30e: {  	[tilespmem:s19], [sflag:$0x1] =	stream.indirect_vreg.gather [hbm4b:s13+s4], $0x80, v4, vm0, $0xb8;
	[tilespmem:$0x18100] =	vst v63  }
0x30f: {  	s21 =	simm.s32 $0x1900  }
0x310: {  	[tilespmem:s21], [sflag:$0x1] =	stream.indirect_vreg.gather [hbm4b:s14+s4], $0x80, v4, vm0, $0xb8;
	[tilespmem:$0x18100] =	vst v63  }
0x311: {  	s22 =	simm.s32 $0x2100  }
0x312: {  	[tilespmem:s22], [sflag:$0x1] =	stream.indirect_vreg.gather [hbm4b:s2+s4], $0x80, v3, vm0, $0xb8;
	[tilespmem:$0x18100] =	vst v63  }
0x313: {  	s19 =	simm.s32 $0x2900  }
0x314: {  	[tilespmem:s19], [sflag:$0x1] =	stream.indirect_vreg.gather [hbm4b:s12+s4], $0x80, v3, vm0, $0xb8;
	[tilespmem:$0x18100] =	vst v63  }
0x315: {  	s21 =	simm.s32 $0x3100  }
0x316: {  	[tilespmem:s21], [sflag:$0x1] =	stream.indirect_vreg.gather [hbm4b:s13+s4], $0x80, v3, vm0, $0xb8;
	[tilespmem:$0x18100] =	vst v63  }
0x317: {  	s22 =	simm.s32 $0x3900  }
0x318: {  	[tilespmem:s22], [sflag:$0x1] =	stream.indirect_vreg.gather [hbm4b:s14+s4], $0x80, v3, vm0, $0xb8;
	[tilespmem:$0x18100] =	vst v63  }
0x319: {  	v3 =	vld.msk [tilespmem:$0x10], $0xff;
	_ =	sdelay $0x4  }
0x31a: {  	v49 =	vshll.u32 v3, $0x3  }
0x31b: {  	v3 =	vand.u32 $0x7, v3;
	v4 =	vand.u32 $0xFFFFFFC0, v49  }
0x31c: {  	v3 =	vor.u32 v3, v4  }
0x31d: {  	v3 =	vperm.xlane v3, v0;
	_ =	sdelay $0x1  }
0x31e: {  	v3 =	vadd.s32 v1, v3;
	_ =	sdelay $0x3  }
0x31f: {  	s19 =	simm.s32 $0x4100  }
0x320: {  	[tilespmem:s19], [sflag:$0x1] =	stream.indirect_vreg.gather [hbm4b:s2+s4], $0x80, v3, vm0, $0xb8;
	[tilespmem:$0x18100] =	vst v63  }
0x321: {  	s21 =	simm.s32 $0x4900  }
0x322: {  	[tilespmem:s21], [sflag:$0x1] =	stream.indirect_vreg.gather [hbm4b:s12+s4], $0x80, v3, vm0, $0xb8;
	[tilespmem:$0x18100] =	vst v63  }
0x323: {  	s22 =	simm.s32 $0x5100  }
0x324: {  	[tilespmem:s22], [sflag:$0x1] =	stream.indirect_vreg.gather [hbm4b:s13+s4], $0x80, v3, vm0, $0xb8;
	[tilespmem:$0x18100] =	vst v63  }
0x325: {  	s19 =	simm.s32 $0x5900  }
0x326: {  	[tilespmem:s19], [sflag:$0x1] =	stream.indirect_vreg.gather [hbm4b:s14+s4], $0x80, v3, vm0, $0xb8;
	[tilespmem:$0x18100] =	vst v63  }
0x327: {  	_ =	swait.ge [sflag:s3], $0x6000  }
0x328: {  	s21 =	sld [smem:$0x7F2]  }
0x329: {  	[sflag:s3] =	ssyncset.done $0x0  }
0x32a: {  	[sflag:s3] =	ssyncadd.s32 $0xFFFFA000  }
0x32b: {  	[hbm4b:s21+s4] =	stream.linear.scatter [tilespmem:s24], [sflag:$0x8], $0x6000, $0x38;
	[tilespmem:$0x18100] =	vst v63  }
0x32c: {  	_ =	swait.ge [sflag:s5], $0x6000  }
0x32d: {  	[sflag:s5] =	ssyncset.done $0x0  }
0x32e: {  	[sflag:s5] =	ssyncadd.s32 $0xFFFFA000  }
0x32f: {  	v3 =	vld [tilespmem:$0x18];
	_ =	sdelay $0x4  }
0x330: {  	v50 =	vshll.u32 v3, $0x3  }
0x331: {  	v3 =	vand.u32 $0x7, v3;
	v4 =	vand.u32 $0xFFFFFFC0, v50  }
0x332: {  	v3 =	vor.u32 v3, v4  }
0x333: {  	v4 =	vperm.xlane v3, v0;
	_ =	sdelay $0x1  }
0x334: {  	v4 =	vadd.s32 v1, v4;
	_ =	sdelay $0x4  }
0x335: {  	[tilespmem:s31], [sflag:$0x2] =	stream.indirect_vreg.gather [hbm4b:s2+s4], $0x80, v4, vm0, $0xb8;
	[tilespmem:$0x18100] =	vst v63  }
0x336: {  	s22 =	simm.s32 $0x6900;
	v3 =	vperm.xlane v3, v2  }
0x337: {  	[tilespmem:s22], [sflag:$0x2] =	stream.indirect_vreg.gather [hbm4b:s12+s4], $0x80, v4, vm0, $0xb8;
	[tilespmem:$0x18100] =	vst v63  }
0x338: {  	s19 =	simm.s32 $0x7100;
	v3 =	vadd.s32 v1, v3  }
0x339: {  	[tilespmem:s19], [sflag:$0x2] =	stream.indirect_vreg.gather [hbm4b:s13+s4], $0x80, v4, vm0, $0xb8;
	[tilespmem:$0x18100] =	vst v63  }
0x33a: {  	s21 =	simm.s32 $0x7900  }
0x33b: {  	[tilespmem:s21], [sflag:$0x2] =	stream.indirect_vreg.gather [hbm4b:s14+s4], $0x80, v4, vm0, $0xb8;
	[tilespmem:$0x18100] =	vst v63  }
0x33c: {  	s22 =	simm.s32 $0x8100  }
0x33d: {  	[tilespmem:s22], [sflag:$0x2] =	stream.indirect_vreg.gather [hbm4b:s2+s4], $0x80, v3, vm0, $0xb8;
	[tilespmem:$0x18100] =	vst v63  }
0x33e: {  	s19 =	simm.s32 $0x8900  }
0x33f: {  	[tilespmem:s19], [sflag:$0x2] =	stream.indirect_vreg.gather [hbm4b:s12+s4], $0x80, v3, vm0, $0xb8;
	[tilespmem:$0x18100] =	vst v63  }
0x340: {  	s21 =	simm.s32 $0x9100  }
0x341: {  	[tilespmem:s21], [sflag:$0x2] =	stream.indirect_vreg.gather [hbm4b:s13+s4], $0x80, v3, vm0, $0xb8;
	[tilespmem:$0x18100] =	vst v63  }
0x342: {  	s22 =	simm.s32 $0x9900  }
0x343: {  	[tilespmem:s22], [sflag:$0x2] =	stream.indirect_vreg.gather [hbm4b:s14+s4], $0x80, v3, vm0, $0xb8;
	[tilespmem:$0x18100] =	vst v63  }
0x344: {  	v3 =	vld.msk [tilespmem:$0x28], $0xff;
	_ =	sdelay $0x4  }
0x345: {  	v51 =	vshll.u32 v3, $0x3  }
0x346: {  	v3 =	vand.u32 $0x7, v3;
	v4 =	vand.u32 $0xFFFFFFC0, v51  }
0x347: {  	v3 =	vor.u32 v3, v4  }
0x348: {  	v3 =	vperm.xlane v3, v0;
	_ =	sdelay $0x1  }
0x349: {  	v3 =	vadd.s32 v1, v3;
	_ =	sdelay $0x3  }
0x34a: {  	s19 =	simm.s32 $0xA100  }
0x34b: {  	[tilespmem:s19], [sflag:$0x2] =	stream.indirect_vreg.gather [hbm4b:s2+s4], $0x80, v3, vm0, $0xb8;
	[tilespmem:$0x18100] =	vst v63  }
0x34c: {  	s21 =	simm.s32 $0xA900  }
0x34d: {  	[tilespmem:s21], [sflag:$0x2] =	stream.indirect_vreg.gather [hbm4b:s12+s4], $0x80, v3, vm0, $0xb8;
	[tilespmem:$0x18100] =	vst v63  }
0x34e: {  	s22 =	simm.s32 $0xB100  }
0x34f: {  	[tilespmem:s22], [sflag:$0x2] =	stream.indirect_vreg.gather [hbm4b:s13+s4], $0x80, v3, vm0, $0xb8;
	[tilespmem:$0x18100] =	vst v63  }
0x350: {  	s19 =	simm.s32 $0xB900  }
0x351: {  	[tilespmem:s19], [sflag:$0x2] =	stream.indirect_vreg.gather [hbm4b:s14+s4], $0x80, v3, vm0, $0xb8;
	[tilespmem:$0x18100] =	vst v63  }
0x352: {  	_ =	swait.ge [sflag:s25], $0x6000  }
0x353: {  	s21 =	sld [smem:$0x7F3]  }
0x354: {  	[sflag:s25] =	ssyncset.done $0x0  }
0x355: {  	[sflag:s25] =	ssyncadd.s32 $0xFFFFA000  }
0x356: {  	[hbm4b:s21+s4] =	stream.linear.scatter [tilespmem:s17], [sflag:$0x5], $0x6000, $0x38;
	[tilespmem:$0x18100] =	vst v63  }
0x357: {  	_ =	swait.ge [sflag:s16], $0x6000  }
0x358: {  	[sflag:s16] =	ssyncset.done $0x0  }
0x359: {  	[sflag:s16] =	ssyncadd.s32 $0xFFFFA000  }
0x35a: {  	v3 =	vld [tilespmem:$0x30];
	_ =	sdelay $0x4  }
0x35b: {  	v52 =	vshll.u32 v3, $0x3  }
0x35c: {  	v3 =	vand.u32 $0x7, v3;
	v4 =	vand.u32 $0xFFFFFFC0, v52  }
0x35d: {  	v3 =	vor.u32 v3, v4  }
0x35e: {  	v4 =	vperm.xlane v3, v0;
	_ =	sdelay $0x1  }
0x35f: {  	v4 =	vadd.s32 v1, v4;
	_ =	sdelay $0x4  }
0x360: {  	[tilespmem:s26], [sflag:$0x3] =	stream.indirect_vreg.gather [hbm4b:s2+s4], $0x80, v4, vm0, $0xb8;
	[tilespmem:$0x18100] =	vst v63  }
0x361: {  	s22 =	simm.s32 $0xC900;
	v3 =	vperm.xlane v3, v2  }
0x362: {  	[tilespmem:s22], [sflag:$0x3] =	stream.indirect_vreg.gather [hbm4b:s12+s4], $0x80, v4, vm0, $0xb8;
	[tilespmem:$0x18100] =	vst v63  }
0x363: {  	s19 =	simm.s32 $0xD100;
	v3 =	vadd.s32 v1, v3  }
0x364: {  	[tilespmem:s19], [sflag:$0x3] =	stream.indirect_vreg.gather [hbm4b:s13+s4], $0x80, v4, vm0, $0xb8;
	[tilespmem:$0x18100] =	vst v63  }
0x365: {  	s21 =	simm.s32 $0xD900  }
0x366: {  	[tilespmem:s21], [sflag:$0x3] =	stream.indirect_vreg.gather [hbm4b:s14+s4], $0x80, v4, vm0, $0xb8;
	[tilespmem:$0x18100] =	vst v63  }
0x367: {  	s22 =	simm.s32 $0xE100  }
0x368: {  	[tilespmem:s22], [sflag:$0x3] =	stream.indirect_vreg.gather [hbm4b:s2+s4], $0x80, v3, vm0, $0xb8;
	[tilespmem:$0x18100] =	vst v63  }
0x369: {  	s19 =	simm.s32 $0xE900  }
0x36a: {  	[tilespmem:s19], [sflag:$0x3] =	stream.indirect_vreg.gather [hbm4b:s12+s4], $0x80, v3, vm0, $0xb8;
	[tilespmem:$0x18100] =	vst v63  }
0x36b: {  	s21 =	simm.s32 $0xF100  }
0x36c: {  	[tilespmem:s21], [sflag:$0x3] =	stream.indirect_vreg.gather [hbm4b:s13+s4], $0x80, v3, vm0, $0xb8;
	[tilespmem:$0x18100] =	vst v63  }
0x36d: {  	s22 =	simm.s32 $0xF900  }
0x36e: {  	[tilespmem:s22], [sflag:$0x3] =	stream.indirect_vreg.gather [hbm4b:s14+s4], $0x80, v3, vm0, $0xb8;
	[tilespmem:$0x18100] =	vst v63  }
0x36f: {  	v3 =	vld.msk [tilespmem:$0x40], $0xff;
	_ =	sdelay $0x4  }
0x370: {  	v53 =	vshll.u32 v3, $0x3  }
0x371: {  	v3 =	vand.u32 $0x7, v3;
	v4 =	vand.u32 $0xFFFFFFC0, v53  }
0x372: {  	v3 =	vor.u32 v3, v4  }
0x373: {  	v3 =	vperm.xlane v3, v0;
	_ =	sdelay $0x1  }
0x374: {  	v3 =	vadd.s32 v1, v3;
	_ =	sdelay $0x3  }
0x375: {  	s19 =	simm.s32 $0x10100  }
0x376: {  	[tilespmem:s19], [sflag:$0x3] =	stream.indirect_vreg.gather [hbm4b:s2+s4], $0x80, v3, vm0, $0xb8;
	[tilespmem:$0x18100] =	vst v63  }
0x377: {  	s21 =	simm.s32 $0x10900  }
0x378: {  	[tilespmem:s21], [sflag:$0x3] =	stream.indirect_vreg.gather [hbm4b:s12+s4], $0x80, v3, vm0, $0xb8;
	[tilespmem:$0x18100] =	vst v63  }
0x379: {  	s22 =	simm.s32 $0x11100  }
0x37a: {  	[tilespmem:s22], [sflag:$0x3] =	stream.indirect_vreg.gather [hbm4b:s13+s4], $0x80, v3, vm0, $0xb8;
	[tilespmem:$0x18100] =	vst v63  }
0x37b: {  	s19 =	simm.s32 $0x11900  }
0x37c: {  	[tilespmem:s19], [sflag:$0x3] =	stream.indirect_vreg.gather [hbm4b:s14+s4], $0x80, v3, vm0, $0xb8;
	[tilespmem:$0x18100] =	vst v63  }
0x37d: {  	_ =	swait.ge [sflag:s23], $0x6000  }
0x37e: {  	s21 =	sld [smem:$0x7F4]  }
0x37f: {  	[sflag:s23] =	ssyncset.done $0x0  }
0x380: {  	[sflag:s23] =	ssyncadd.s32 $0xFFFFA000  }
0x381: {  	[hbm4b:s21+s4] =	stream.linear.scatter [tilespmem:s31], [sflag:$0x6], $0x6000, $0x38;
	[tilespmem:$0x18100] =	vst v63  }
0x382: {  	_ =	swait.ge [sflag:s30], $0x6000  }
0x383: {  	[sflag:s30] =	ssyncset.done $0x0  }
0x384: {  	[sflag:s30] =	ssyncadd.s32 $0xFFFFA000  }
0x385: {  	v3 =	vld [tilespmem:$0x48];
	_ =	sdelay $0x4  }
0x386: {  	v54 =	vshll.u32 v3, $0x3  }
0x387: {  	v3 =	vand.u32 $0x7, v3;
	v4 =	vand.u32 $0xFFFFFFC0, v54  }
0x388: {  	v3 =	vor.u32 v3, v4  }
0x389: {  	v4 =	vperm.xlane v3, v0;
	_ =	sdelay $0x1  }
0x38a: {  	v4 =	vadd.s32 v1, v4;
	_ =	sdelay $0x4  }
0x38b: {  	[tilespmem:s24], [sflag:$0x4] =	stream.indirect_vreg.gather [hbm4b:s2+s4], $0x80, v4, vm0, $0xb8;
	[tilespmem:$0x18100] =	vst v63  }
0x38c: {  	s22 =	simm.s32 $0x12900;
	v3 =	vperm.xlane v3, v2  }
0x38d: {  	[tilespmem:s22], [sflag:$0x4] =	stream.indirect_vreg.gather [hbm4b:s12+s4], $0x80, v4, vm0, $0xb8;
	[tilespmem:$0x18100] =	vst v63  }
0x38e: {  	s19 =	simm.s32 $0x13100;
	v3 =	vadd.s32 v1, v3  }
0x38f: {  	[tilespmem:s19], [sflag:$0x4] =	stream.indirect_vreg.gather [hbm4b:s13+s4], $0x80, v4, vm0, $0xb8;
	[tilespmem:$0x18100] =	vst v63  }
0x390: {  	s21 =	simm.s32 $0x13900  }
0x391: {  	[tilespmem:s21], [sflag:$0x4] =	stream.indirect_vreg.gather [hbm4b:s14+s4], $0x80, v4, vm0, $0xb8;
	[tilespmem:$0x18100] =	vst v63  }
0x392: {  	s22 =	simm.s32 $0x14100  }
0x393: {  	[tilespmem:s22], [sflag:$0x4] =	stream.indirect_vreg.gather [hbm4b:s2+s4], $0x80, v3, vm0, $0xb8;
	[tilespmem:$0x18100] =	vst v63  }
0x394: {  	s18 =	simm.s32 $0x14900  }
0x395: {  	[tilespmem:s18], [sflag:$0x4] =	stream.indirect_vreg.gather [hbm4b:s12+s4], $0x80, v3, vm0, $0xb8;
	[tilespmem:$0x18100] =	vst v63  }
0x396: {  	s20 =	simm.s32 $0x15100  }
0x397: {  	[tilespmem:s20], [sflag:$0x4] =	stream.indirect_vreg.gather [hbm4b:s13+s4], $0x80, v3, vm0, $0xb8;
	[tilespmem:$0x18100] =	vst v63  }
0x398: {  	s18 =	simm.s32 $0x15900  }
0x399: {  	[tilespmem:s18], [sflag:$0x4] =	stream.indirect_vreg.gather [hbm4b:s14+s4], $0x80, v3, vm0, $0xb8;
	[tilespmem:$0x18100] =	vst v63  }
0x39a: {  	v3 =	vld.msk [tilespmem:$0x58], $0xff;
	_ =	sdelay $0x4  }
0x39b: {  	v55 =	vshll.u32 v3, $0x3  }
0x39c: {  	v3 =	vand.u32 $0x7, v3;
	v4 =	vand.u32 $0xFFFFFFC0, v55  }
0x39d: {  	v3 =	vor.u32 v3, v4  }
0x39e: {  	v3 =	vperm.xlane v3, v0;
	_ =	sdelay $0x1  }
0x39f: {  	v3 =	vadd.s32 v1, v3;
	_ =	sdelay $0x3  }
0x3a0: {  	s18 =	simm.s32 $0x16100  }
0x3a1: {  	[tilespmem:s18], [sflag:$0x4] =	stream.indirect_vreg.gather [hbm4b:s2+s4], $0x80, v3, vm0, $0xb8;
	[tilespmem:$0x18100] =	vst v63  }
0x3a2: {  	s18 =	simm.s32 $0x16900  }
0x3a3: {  	[tilespmem:s18], [sflag:$0x4] =	stream.indirect_vreg.gather [hbm4b:s12+s4], $0x80, v3, vm0, $0xb8;
	[tilespmem:$0x18100] =	vst v63  }
0x3a4: {  	s18 =	simm.s32 $0x17100  }
0x3a5: {  	[tilespmem:s18], [sflag:$0x4] =	stream.indirect_vreg.gather [hbm4b:s13+s4], $0x80, v3, vm0, $0xb8;
	[tilespmem:$0x18100] =	vst v63  }
0x3a6: {  	s18 =	simm.s32 $0x17900  }
0x3a7: {  	[tilespmem:s18], [sflag:$0x4] =	stream.indirect_vreg.gather [hbm4b:s14+s4], $0x80, v3, vm0, $0xb8;
	[tilespmem:$0x18100] =	vst v63  }
0x3a8: {  	_ =	swait.ge [sflag:s28], $0x6000  }
0x3a9: {  	s18 =	sld [smem:$0x7F5]  }
0x3aa: {  	[sflag:s28] =	ssyncset.done $0x0  }
0x3ab: {  	[sflag:s28] =	ssyncadd.s32 $0xFFFFA000  }
0x3ac: {  	[hbm4b:s18+s4] =	stream.linear.scatter [tilespmem:s26], [sflag:$0x7], $0x6000, $0x38;
	[tilespmem:$0x18100] =	vst v63  }
0x3ad: {  	_ =	swait.ge [sflag:s29], $0x6000  }
0x3ae: {  	[sflag:s29] =	ssyncset.done $0x0  }
0x3af: {  	[sflag:s29] =	ssyncadd.s32 $0xFFFFA000  }
0x3b0: {  	v3 =	vld [tilespmem:$0x60];
	_ =	sdelay $0x4  }
0x3b1: {  	v56 =	vshll.u32 v3, $0x3  }
0x3b2: {  	v3 =	vand.u32 $0x7, v3;
	v4 =	vand.u32 $0xFFFFFFC0, v56  }
0x3b3: {  	v3 =	vor.u32 v3, v4  }
0x3b4: {  	v4 =	vperm.xlane v3, v0;
	_ =	sdelay $0x1  }
0x3b5: {  	v4 =	vadd.s32 v1, v4;
	_ =	sdelay $0x4  }
0x3b6: {  	[tilespmem:s17], [sflag:$0x1] =	stream.indirect_vreg.gather [hbm4b:s2+s4], $0x80, v4, vm0, $0xb8;
	[tilespmem:$0x18100] =	vst v63  }
0x3b7: {  	s18 =	simm.s32 $0x900;
	v3 =	vperm.xlane v3, v2  }
0x3b8: {  	[tilespmem:s18], [sflag:$0x1] =	stream.indirect_vreg.gather [hbm4b:s12+s4], $0x80, v4, vm0, $0xb8;
	[tilespmem:$0x18100] =	vst v63  }
0x3b9: {  	v3 =	vadd.s32 v1, v3;
	s18 =	simm.s32 $0x1100  }
0x3ba: {  	[tilespmem:s18], [sflag:$0x1] =	stream.indirect_vreg.gather [hbm4b:s13+s4], $0x80, v4, vm0, $0xb8;
	[tilespmem:$0x18100] =	vst v63  }
0x3bb: {  	s18 =	simm.s32 $0x1900  }
0x3bc: {  	[tilespmem:s18], [sflag:$0x1] =	stream.indirect_vreg.gather [hbm4b:s14+s4], $0x80, v4, vm0, $0xb8;
	[tilespmem:$0x18100] =	vst v63  }
0x3bd: {  	s18 =	simm.s32 $0x2100  }
0x3be: {  	[tilespmem:s18], [sflag:$0x1] =	stream.indirect_vreg.gather [hbm4b:s2+s4], $0x80, v3, vm0, $0xb8;
	[tilespmem:$0x18100] =	vst v63  }
0x3bf: {  	s18 =	simm.s32 $0x2900  }
0x3c0: {  	[tilespmem:s18], [sflag:$0x1] =	stream.indirect_vreg.gather [hbm4b:s12+s4], $0x80, v3, vm0, $0xb8;
	[tilespmem:$0x18100] =	vst v63  }
0x3c1: {  	s18 =	simm.s32 $0x3100  }
0x3c2: {  	[tilespmem:s18], [sflag:$0x1] =	stream.indirect_vreg.gather [hbm4b:s13+s4], $0x80, v3, vm0, $0xb8;
	[tilespmem:$0x18100] =	vst v63  }
0x3c3: {  	s18 =	simm.s32 $0x3900  }
0x3c4: {  	[tilespmem:s18], [sflag:$0x1] =	stream.indirect_vreg.gather [hbm4b:s14+s4], $0x80, v3, vm0, $0xb8;
	[tilespmem:$0x18100] =	vst v63  }
0x3c5: {  	v3 =	vld.msk [tilespmem:$0x70], $0xff;
	_ =	sdelay $0x4  }
0x3c6: {  	v57 =	vshll.u32 v3, $0x3  }
0x3c7: {  	v3 =	vand.u32 $0x7, v3;
	v4 =	vand.u32 $0xFFFFFFC0, v57  }
0x3c8: {  	v3 =	vor.u32 v3, v4  }
0x3c9: {  	v3 =	vperm.xlane v3, v0;
	_ =	sdelay $0x1  }
0x3ca: {  	v3 =	vadd.s32 v1, v3;
	_ =	sdelay $0x3  }
0x3cb: {  	s18 =	simm.s32 $0x4100  }
0x3cc: {  	[tilespmem:s18], [sflag:$0x1] =	stream.indirect_vreg.gather [hbm4b:s2+s4], $0x80, v3, vm0, $0xb8;
	[tilespmem:$0x18100] =	vst v63  }
0x3cd: {  	s18 =	simm.s32 $0x4900  }
0x3ce: {  	[tilespmem:s18], [sflag:$0x1] =	stream.indirect_vreg.gather [hbm4b:s12+s4], $0x80, v3, vm0, $0xb8;
	[tilespmem:$0x18100] =	vst v63  }
0x3cf: {  	s18 =	simm.s32 $0x5100  }
0x3d0: {  	[tilespmem:s18], [sflag:$0x1] =	stream.indirect_vreg.gather [hbm4b:s13+s4], $0x80, v3, vm0, $0xb8;
	[tilespmem:$0x18100] =	vst v63  }
0x3d1: {  	s18 =	simm.s32 $0x5900  }
0x3d2: {  	[tilespmem:s18], [sflag:$0x1] =	stream.indirect_vreg.gather [hbm4b:s14+s4], $0x80, v3, vm0, $0xb8;
	[tilespmem:$0x18100] =	vst v63  }
0x3d3: {  	_ =	swait.ge [sflag:s3], $0x6000  }
0x3d4: {  	s18 =	sld [smem:$0x7F6]  }
0x3d5: {  	[sflag:s3] =	ssyncset.done $0x0  }
0x3d6: {  	[sflag:s3] =	ssyncadd.s32 $0xFFFFA000  }
0x3d7: {  	[hbm4b:s18+s4] =	stream.linear.scatter [tilespmem:s24], [sflag:$0x8], $0x6000, $0x38;
	[tilespmem:$0x18100] =	vst v63  }
0x3d8: {  	_ =	swait.ge [sflag:s5], $0x6000  }
0x3d9: {  	[sflag:s5] =	ssyncset.done $0x0  }
0x3da: {  	[sflag:s5] =	ssyncadd.s32 $0xFFFFA000  }
0x3db: {  	v3 =	vld [tilespmem:$0x78];
	_ =	sdelay $0x4  }
0x3dc: {  	v58 =	vshll.u32 v3, $0x3  }
0x3dd: {  	v3 =	vand.u32 $0x7, v3;
	v4 =	vand.u32 $0xFFFFFFC0, v58  }
0x3de: {  	v3 =	vor.u32 v3, v4  }
0x3df: {  	v4 =	vperm.xlane v3, v0;
	_ =	sdelay $0x1  }
0x3e0: {  	v4 =	vadd.s32 v1, v4;
	_ =	sdelay $0x4  }
0x3e1: {  	[tilespmem:s31], [sflag:$0x2] =	stream.indirect_vreg.gather [hbm4b:s2+s4], $0x80, v4, vm0, $0xb8;
	[tilespmem:$0x18100] =	vst v63  }
0x3e2: {  	s18 =	simm.s32 $0x6900;
	v3 =	vperm.xlane v3, v2  }
0x3e3: {  	[tilespmem:s18], [sflag:$0x2] =	stream.indirect_vreg.gather [hbm4b:s12+s4], $0x80, v4, vm0, $0xb8;
	[tilespmem:$0x18100] =	vst v63  }
0x3e4: {  	v3 =	vadd.s32 v1, v3;
	s18 =	simm.s32 $0x7100  }
0x3e5: {  	[tilespmem:s18], [sflag:$0x2] =	stream.indirect_vreg.gather [hbm4b:s13+s4], $0x80, v4, vm0, $0xb8;
	[tilespmem:$0x18100] =	vst v63  }
0x3e6: {  	s18 =	simm.s32 $0x7900  }
0x3e7: {  	[tilespmem:s18], [sflag:$0x2] =	stream.indirect_vreg.gather [hbm4b:s14+s4], $0x80, v4, vm0, $0xb8;
	[tilespmem:$0x18100] =	vst v63  }
0x3e8: {  	s18 =	simm.s32 $0x8100  }
0x3e9: {  	[tilespmem:s18], [sflag:$0x2] =	stream.indirect_vreg.gather [hbm4b:s2+s4], $0x80, v3, vm0, $0xb8;
	[tilespmem:$0x18100] =	vst v63  }
0x3ea: {  	s18 =	simm.s32 $0x8900  }
0x3eb: {  	[tilespmem:s18], [sflag:$0x2] =	stream.indirect_vreg.gather [hbm4b:s12+s4], $0x80, v3, vm0, $0xb8;
	[tilespmem:$0x18100] =	vst v63  }
0x3ec: {  	s18 =	simm.s32 $0x9100  }
0x3ed: {  	[tilespmem:s18], [sflag:$0x2] =	stream.indirect_vreg.gather [hbm4b:s13+s4], $0x80, v3, vm0, $0xb8;
	[tilespmem:$0x18100] =	vst v63  }
0x3ee: {  	s18 =	simm.s32 $0x9900  }
0x3ef: {  	[tilespmem:s18], [sflag:$0x2] =	stream.indirect_vreg.gather [hbm4b:s14+s4], $0x80, v3, vm0, $0xb8;
	[tilespmem:$0x18100] =	vst v63  }
0x3f0: {  	v3 =	vld.msk [tilespmem:$0x88], $0xff;
	_ =	sdelay $0x4  }
0x3f1: {  	v59 =	vshll.u32 v3, $0x3  }
0x3f2: {  	v3 =	vand.u32 $0x7, v3;
	v4 =	vand.u32 $0xFFFFFFC0, v59  }
0x3f3: {  	v3 =	vor.u32 v3, v4  }
0x3f4: {  	v3 =	vperm.xlane v3, v0;
	_ =	sdelay $0x1  }
0x3f5: {  	v3 =	vadd.s32 v1, v3;
	_ =	sdelay $0x3  }
0x3f6: {  	s18 =	simm.s32 $0xA100  }
0x3f7: {  	[tilespmem:s18], [sflag:$0x2] =	stream.indirect_vreg.gather [hbm4b:s2+s4], $0x80, v3, vm0, $0xb8;
	[tilespmem:$0x18100] =	vst v63  }
0x3f8: {  	s18 =	simm.s32 $0xA900  }
0x3f9: {  	[tilespmem:s18], [sflag:$0x2] =	stream.indirect_vreg.gather [hbm4b:s12+s4], $0x80, v3, vm0, $0xb8;
	[tilespmem:$0x18100] =	vst v63  }
0x3fa: {  	s18 =	simm.s32 $0xB100  }
0x3fb: {  	[tilespmem:s18], [sflag:$0x2] =	stream.indirect_vreg.gather [hbm4b:s13+s4], $0x80, v3, vm0, $0xb8;
	[tilespmem:$0x18100] =	vst v63  }
0x3fc: {  	s18 =	simm.s32 $0xB900  }
0x3fd: {  	[tilespmem:s18], [sflag:$0x2] =	stream.indirect_vreg.gather [hbm4b:s14+s4], $0x80, v3, vm0, $0xb8;
	[tilespmem:$0x18100] =	vst v63  }
0x3fe: {  	_ =	swait.ge [sflag:s25], $0x6000  }
0x3ff: {  	s18 =	sld [smem:$0x7F7]  }
0x400: {  	[sflag:s25] =	ssyncset.done $0x0  }
0x401: {  	[sflag:s25] =	ssyncadd.s32 $0xFFFFA000  }
0x402: {  	[hbm4b:s18+s4] =	stream.linear.scatter [tilespmem:s17], [sflag:$0x5], $0x6000, $0x38;
	[tilespmem:$0x18100] =	vst v63  }
0x403: {  	_ =	swait.ge [sflag:s16], $0x6000  }
0x404: {  	[sflag:s16] =	ssyncset.done $0x0  }
0x405: {  	[sflag:s16] =	ssyncadd.s32 $0xFFFFA000  }
0x406: {  	v3 =	vld [tilespmem:$0x90];
	_ =	sdelay $0x4  }
0x407: {  	v60 =	vshll.u32 v3, $0x3  }
0x408: {  	v3 =	vand.u32 $0x7, v3;
	v4 =	vand.u32 $0xFFFFFFC0, v60  }
0x409: {  	v3 =	vor.u32 v3, v4  }
0x40a: {  	v4 =	vperm.xlane v3, v0;
	_ =	sdelay $0x1  }
0x40b: {  	v4 =	vadd.s32 v1, v4;
	_ =	sdelay $0x4  }
0x40c: {  	[tilespmem:s26], [sflag:$0x3] =	stream.indirect_vreg.gather [hbm4b:s2+s4], $0x80, v4, vm0, $0xb8;
	[tilespmem:$0x18100] =	vst v63  }
0x40d: {  	s18 =	simm.s32 $0xC900;
	v3 =	vperm.xlane v3, v2  }
0x40e: {  	[tilespmem:s18], [sflag:$0x3] =	stream.indirect_vreg.gather [hbm4b:s12+s4], $0x80, v4, vm0, $0xb8;
	[tilespmem:$0x18100] =	vst v63  }
0x40f: {  	v3 =	vadd.s32 v1, v3;
	s18 =	simm.s32 $0xD100  }
0x410: {  	[tilespmem:s18], [sflag:$0x3] =	stream.indirect_vreg.gather [hbm4b:s13+s4], $0x80, v4, vm0, $0xb8;
	[tilespmem:$0x18100] =	vst v63  }
0x411: {  	s18 =	simm.s32 $0xD900  }
0x412: {  	[tilespmem:s18], [sflag:$0x3] =	stream.indirect_vreg.gather [hbm4b:s14+s4], $0x80, v4, vm0, $0xb8;
	[tilespmem:$0x18100] =	vst v63  }
0x413: {  	s18 =	simm.s32 $0xE100  }
0x414: {  	[tilespmem:s18], [sflag:$0x3] =	stream.indirect_vreg.gather [hbm4b:s2+s4], $0x80, v3, vm0, $0xb8;
	[tilespmem:$0x18100] =	vst v63  }
0x415: {  	s18 =	simm.s32 $0xE900  }
0x416: {  	[tilespmem:s18], [sflag:$0x3] =	stream.indirect_vreg.gather [hbm4b:s12+s4], $0x80, v3, vm0, $0xb8;
	[tilespmem:$0x18100] =	vst v63  }
0x417: {  	s18 =	simm.s32 $0xF100  }
0x418: {  	[tilespmem:s18], [sflag:$0x3] =	stream.indirect_vreg.gather [hbm4b:s13+s4], $0x80, v3, vm0, $0xb8;
	[tilespmem:$0x18100] =	vst v63  }
0x419: {  	s18 =	simm.s32 $0xF900  }
0x41a: {  	[tilespmem:s18], [sflag:$0x3] =	stream.indirect_vreg.gather [hbm4b:s14+s4], $0x80, v3, vm0, $0xb8;
	[tilespmem:$0x18100] =	vst v63  }
0x41b: {  	v3 =	vld.msk [tilespmem:$0xA0], $0xff;
	_ =	sdelay $0x4  }
0x41c: {  	v61 =	vshll.u32 v3, $0x3  }
0x41d: {  	v3 =	vand.u32 $0x7, v3;
	v4 =	vand.u32 $0xFFFFFFC0, v61  }
0x41e: {  	v3 =	vor.u32 v3, v4  }
0x41f: {  	v3 =	vperm.xlane v3, v0;
	_ =	sdelay $0x1  }
0x420: {  	v3 =	vadd.s32 v1, v3;
	_ =	sdelay $0x3  }
0x421: {  	s18 =	simm.s32 $0x10100  }
0x422: {  	[tilespmem:s18], [sflag:$0x3] =	stream.indirect_vreg.gather [hbm4b:s2+s4], $0x80, v3, vm0, $0xb8;
	[tilespmem:$0x18100] =	vst v63  }
0x423: {  	s18 =	simm.s32 $0x10900  }
0x424: {  	[tilespmem:s18], [sflag:$0x3] =	stream.indirect_vreg.gather [hbm4b:s12+s4], $0x80, v3, vm0, $0xb8;
	[tilespmem:$0x18100] =	vst v63  }
0x425: {  	s18 =	simm.s32 $0x11100  }
0x426: {  	[tilespmem:s18], [sflag:$0x3] =	stream.indirect_vreg.gather [hbm4b:s13+s4], $0x80, v3, vm0, $0xb8;
	[tilespmem:$0x18100] =	vst v63  }
0x427: {  	s18 =	simm.s32 $0x11900  }
0x428: {  	[tilespmem:s18], [sflag:$0x3] =	stream.indirect_vreg.gather [hbm4b:s14+s4], $0x80, v3, vm0, $0xb8;
	[tilespmem:$0x18100] =	vst v63  }
0x429: {  	_ =	swait.ge [sflag:s23], $0x6000  }
0x42a: {  	s18 =	sld [smem:$0x7F8]  }
0x42b: {  	[sflag:s23] =	ssyncset.done $0x0  }
0x42c: {  	[sflag:s23] =	ssyncadd.s32 $0xFFFFA000  }
0x42d: {  	[hbm4b:s18+s4] =	stream.linear.scatter [tilespmem:s31], [sflag:$0x6], $0x6000, $0x38;
	[tilespmem:$0x18100] =	vst v63  }
0x42e: {  	_ =	swait.ge [sflag:s30], $0x6000  }
0x42f: {  	[sflag:s30] =	ssyncset.done $0x0  }
0x430: {  	[sflag:s30] =	ssyncadd.s32 $0xFFFFA000  }
0x431: {  	v3 =	vld [tilespmem:$0xA8];
	_ =	sdelay $0x4  }
0x432: {  	v62 =	vshll.u32 v3, $0x3  }
0x433: {  	v3 =	vand.u32 $0x7, v3;
	v4 =	vand.u32 $0xFFFFFFC0, v62  }
0x434: {  	v3 =	vor.u32 v3, v4  }
0x435: {  	v4 =	vperm.xlane v3, v0;
	_ =	sdelay $0x1  }
0x436: {  	v4 =	vadd.s32 v1, v4;
	_ =	sdelay $0x4  }
0x437: {  	[tilespmem:s24], [sflag:$0x4] =	stream.indirect_vreg.gather [hbm4b:s2+s4], $0x80, v4, vm0, $0xb8;
	[tilespmem:$0x18100] =	vst v63  }
0x438: {  	s18 =	simm.s32 $0x12900;
	v3 =	vperm.xlane v3, v2  }
0x439: {  	[tilespmem:s18], [sflag:$0x4] =	stream.indirect_vreg.gather [hbm4b:s12+s4], $0x80, v4, vm0, $0xb8;
	[tilespmem:$0x18100] =	vst v63  }
0x43a: {  	s19 =	simm.s32 $0x13100;
	v3 =	vadd.s32 v1, v3  }
0x43b: {  	[tilespmem:s19], [sflag:$0x4] =	stream.indirect_vreg.gather [hbm4b:s13+s4], $0x80, v4, vm0, $0xb8;
	[tilespmem:$0x18100] =	vst v63  }
0x43c: {  	s21 =	simm.s32 $0x13900  }
0x43d: {  	[tilespmem:s21], [sflag:$0x4] =	stream.indirect_vreg.gather [hbm4b:s14+s4], $0x80, v4, vm0, $0xb8;
	[tilespmem:$0x18100] =	vst v63  }
0x43e: {  	s22 =	simm.s32 $0x14100  }
0x43f: {  	[tilespmem:s22], [sflag:$0x4] =	stream.indirect_vreg.gather [hbm4b:s2+s4], $0x80, v3, vm0, $0xb8;
	[tilespmem:$0x18100] =	vst v63  }
0x440: {  	s19 =	simm.s32 $0x14900  }
0x441: {  	[tilespmem:s19], [sflag:$0x4] =	stream.indirect_vreg.gather [hbm4b:s12+s4], $0x80, v3, vm0, $0xb8;
	[tilespmem:$0x18100] =	vst v63  }
0x442: {  	s20 =	simm.s32 $0x15100  }
0x443: {  	[tilespmem:s20], [sflag:$0x4] =	stream.indirect_vreg.gather [hbm4b:s13+s4], $0x80, v3, vm0, $0xb8;
	[tilespmem:$0x18100] =	vst v63  }
0x444: {  	s20 =	simm.s32 $0x15900  }
0x445: {  	[tilespmem:s20], [sflag:$0x4] =	stream.indirect_vreg.gather [hbm4b:s14+s4], $0x80, v3, vm0, $0xb8;
	[tilespmem:$0x18100] =	vst v63  }
0x446: {  	v3 =	vld.msk [tilespmem:$0xB8], $0xff;
	_ =	sdelay $0x4  }
0x447: {  	v63 =	vshll.u32 v3, $0x3  }
0x448: {  	v3 =	vand.u32 $0x7, v3;
	v4 =	vand.u32 $0xFFFFFFC0, v63  }
0x449: {  	v3 =	vor.u32 v3, v4  }
0x44a: {  	v3 =	vperm.xlane v3, v0;
	_ =	sdelay $0x1  }
0x44b: {  	v3 =	vadd.s32 v1, v3;
	_ =	sdelay $0x3  }
0x44c: {  	s21 =	simm.s32 $0x16100  }
0x44d: {  	[tilespmem:s21], [sflag:$0x4] =	stream.indirect_vreg.gather [hbm4b:s2+s4], $0x80, v3, vm0, $0xb8;
	[tilespmem:$0x18100] =	vst v63  }
0x44e: {  	s22 =	simm.s32 $0x16900  }
0x44f: {  	[tilespmem:s22], [sflag:$0x4] =	stream.indirect_vreg.gather [hbm4b:s12+s4], $0x80, v3, vm0, $0xb8;
	[tilespmem:$0x18100] =	vst v63  }
0x450: {  	s19 =	simm.s32 $0x17100  }
0x451: {  	[tilespmem:s19], [sflag:$0x4] =	stream.indirect_vreg.gather [hbm4b:s13+s4], $0x80, v3, vm0, $0xb8;
	[tilespmem:$0x18100] =	vst v63  }
0x452: {  	s20 =	simm.s32 $0x17900  }
0x453: {  	[tilespmem:s20], [sflag:$0x4] =	stream.indirect_vreg.gather [hbm4b:s14+s4], $0x80, v3, vm0, $0xb8;
	[tilespmem:$0x18100] =	vst v63  }
0x454: {  	_ =	swait.ge [sflag:s28], $0x6000  }
0x455: {  	s21 =	sld [smem:$0x7F9]  }
0x456: {  	[sflag:s28] =	ssyncset.done $0x0  }
0x457: {  	[sflag:s28] =	ssyncadd.s32 $0xFFFFA000  }
0x458: {  	[hbm4b:s21+s4] =	stream.linear.scatter [tilespmem:s26], [sflag:$0x7], $0x6000, $0x38;
	[tilespmem:$0x18100] =	vst v63  }
0x459: {  	_ =	swait.ge [sflag:s3], $0x6000  }
0x45a: {  	s22 =	sld [smem:$0x7FA]  }
0x45b: {  	[sflag:s3] =	ssyncset.done $0x0  }
0x45c: {  	[sflag:s3] =	ssyncadd.s32 $0xFFFFA000  }
0x45d: {  	[hbm4b:s22+s4] =	stream.linear.scatter [tilespmem:s24], [sflag:$0x8], $0x6000, $0x38;
	[tilespmem:$0x18100] =	vst v63  }
0x45e: {  	_ =	swait.ge [sflag:s29], $0x6000  }
0x45f: {  	[sflag:s29] =	ssyncset.done $0x0  }
0x460: {  	[sflag:s29] =	ssyncadd.s32 $0xFFFFA000  }
0x461: {  	_ =	swait.ge [sflag:s5], $0x6000  }
0x462: {  	[sflag:s5] =	ssyncset.done $0x0  }
0x463: {  	[sflag:s5] =	ssyncadd.s32 $0xFFFFA000  }
0x464: {  	p0 =	sne.s32 s15, $0x1;
	_ =	swait.ge [sflag:s16], $0x6000  }
.Ltmp0:
0x465: {  	[sflag:s16] =	ssyncset.done $0x0;
	(pc) =	sbr.rel @p0 .LBB3_1-.Ltmp0, $4  }
0x466: {  	[sflag:s16] =	ssyncadd.s32 $0xFFFFA000  }
0x467: {  	_ =	swait.ge [sflag:s30], $0x6000  }
0x468: {  	[sflag:s30] =	ssyncset.done $0x0  }
0x469: {  	s15 =	sadd.s32 $0xFFFFFFFF, s15;
	[sflag:s30] =	ssyncadd.s32 $0xFFFFA000  }
0x46a: {  	_ =	sfence.sel $0x180000  }
0x46b: {  	[bflag:$0x0] =	sbarrier.arrive $0xFFFF  }
0x46c: {  	_ =	strace $0x90000047  }
0x46d: {  	s0 =	stileid.u32;
	[bflag:$0x2] =	sbarrier.arrive $0xFFFF  }
0x46e: {  	p0 =	sne.s32 s0, $0x0;
	s0 =	sld [smem:$0x7F0];
	_ =	sdelay $0x2  }
0x46f: {  	s0 =	sadd.s32 @!p0 $0x100000, s0  }
0x470: {  	[sflag:s0] =	ssyncadd.tile.s32 @!p0 $0x1;
	_ =	shalt  }
.Lfunc_end3:
_tile_overlayer_lowered:
.L_overlay_start_3:
0x471: {  	(tag) =	ssettag $0x3  }
0x472: {  	s0 =	rddreg [dreg:$0x0];
	s2 =	stileid.u32  }
0x473: {  	s1 =	rddreg [dreg:$0x1];
	p0 =	sne.s32 s2, $0x0  }
0x474: {  	s3 =	rddreg [dreg:$0x2];
	[bflag:$0x3] =	sbarrier.arrive $0xFFFF;
	s2 =	simm.s32 @!p0 $0x1C0D  }
0x475: {  	[timem:s3], [sflag:s2] =	dma.local @!p0 [hbm:s0], s1  }
0x476: {  	s0 =	simm.s32 @!p0 $0xD  }
0x477: {  	_ =	swait.ge @!p0 [sflag:s0], s1  }
0x478: {  	s1 =	ssub.s32 @!p0 $0x0, s1;
	[sflag:s0] =	ssyncset.done @!p0 $0x0  }
0x479: {  	[sflag:s0] =	ssyncadd.s32 @!p0 s1  }
0x47a: {  	[bflag:$0x3] =	sbarrier.arrive $0xFFFF  }
0x47b: {  	_ =	shalt  }

</sc_bundles>
